<compile_context>
chip_gen: v7x
topology: tpu7x:2x2x1
jax: 0.10.2.dev20260603
libtpu: 0.0.44.dev20260713+nightly
codegen_flags: <defaults>
</compile_context>

<pallas_src>
import functools

import jax
import jax.numpy as jnp
from jax import lax
from jax.experimental import pallas as pl
from jax.experimental.pallas import tpu as pltpu
from jax.experimental.pallas import tpu_sc as plsc

D = 128
W = D // 2
NV = 10000
NE = 320000

_info = plsc.get_sparse_core_info()
NC, NS, L = _info.num_cores, _info.num_subcores, _info.num_lanes
NW = NC * NS
EPW = NE // NW
C = 80
H = C // 2
NCHUNK = EPW // C
G = C // L

_mesh = plsc.VectorSubcoreMesh(core_axis_name="c", subcore_axis_name="s")


@functools.partial(
    pl.kernel,
    mesh=_mesh,
    compiler_params=pltpu.CompilerParams(
        use_tc_tiling_on_sc=False, needs_layout_passes=False
    ),
    out_type=jax.ShapeDtypeStruct((NE,), jnp.float32),
    scratch_types=[
        pltpu.VMEM((EPW,), jnp.int32),
        pltpu.VMEM((EPW,), jnp.int32),
        pltpu.VMEM((C, W), jnp.int32),
        pltpu.VMEM((C, W), jnp.int32),
        pltpu.VMEM((C, W), jnp.int32),
        pltpu.VMEM((C, W), jnp.int32),
        pltpu.VMEM((EPW,), jnp.float32),
        pltpu.SemaphoreType.DMA,
        pltpu.SemaphoreType.DMA,
        pltpu.SemaphoreType.DMA,
        pltpu.SemaphoreType.DMA,
    ],
)
def _score_kernel(table_hbm, ei_hbm, out_hbm, sidx, didx, sa, da, sb, db,
                  sc, sem_sa, sem_da, sem_sb, sem_db):
    wid = lax.axis_index("s") * NC + lax.axis_index("c")
    ebase = wid * EPW
    lane = lax.iota(jnp.int32, L)

    pltpu.sync_copy(ei_hbm.at[pl.ds(ebase, EPW)], sidx)
    pltpu.sync_copy(ei_hbm.at[pl.ds(NE + ebase, EPW)], didx)

    def issue(ci, srows, drows, sem_s, sem_d):
        base = ci * C
        pltpu.async_copy(table_hbm.at[sidx.at[pl.ds(base, H)]],
                         srows.at[pl.ds(0, H)], sem_s)
        pltpu.async_copy(table_hbm.at[sidx.at[pl.ds(base + H, H)]],
                         srows.at[pl.ds(H, H)], sem_s)
        pltpu.async_copy(table_hbm.at[didx.at[pl.ds(base, H)]],
                         drows.at[pl.ds(0, H)], sem_d)
        pltpu.async_copy(table_hbm.at[didx.at[pl.ds(base + H, H)]],
                         drows.at[pl.ds(H, H)], sem_d)

    def wait(ci, srows, drows, sem_s, sem_d):
        base = ci * C
        pltpu.make_async_copy(table_hbm.at[sidx.at[pl.ds(base, H)]],
                              srows.at[pl.ds(0, H)], sem_s).wait()
        pltpu.make_async_copy(table_hbm.at[sidx.at[pl.ds(base + H, H)]],
                              srows.at[pl.ds(H, H)], sem_s).wait()
        pltpu.make_async_copy(table_hbm.at[didx.at[pl.ds(base, H)]],
                              drows.at[pl.ds(0, H)], sem_d).wait()
        pltpu.make_async_copy(table_hbm.at[didx.at[pl.ds(base + H, H)]],
                              drows.at[pl.ds(H, H)], sem_d).wait()

    def compute(ci, srows, drows):
        def grp(g, c):
            rows = g * L + lane

            def prod(w):
                col = w ^ lane
                s32 = plsc.load_gather(srows, [rows, col])
                t32 = plsc.load_gather(drows, [rows, col])
                sbf = plsc.bitcast(s32, jnp.bfloat16)
                tbf = plsc.bitcast(t32, jnp.bfloat16)
                p_a, p_b = plsc.unpack(sbf * tbf,
                                       format=plsc.PackFormat.INTERLEAVED)
                return p_a + p_b

            def wstep(w4, accs):
                a0, a1, a2, a3 = accs
                w = w4 * 4
                return (a0 + prod(w), a1 + prod(w + 1),
                        a2 + prod(w + 2), a3 + prod(w + 3))

            z = jnp.zeros((L,), jnp.float32)
            a0, a1, a2, a3 = lax.fori_loop(0, W // 4, wstep, (z, z, z, z),
                                           unroll=8)
            sc[pl.ds(ci * C + g * L, L)] = (a0 + a1) + (a2 + a3)
            return c

        lax.fori_loop(0, G, grp, 0)

    issue(0, sa, da, sem_sa, sem_da)

    def pair(k, carry):
        c0 = 2 * k
        issue(c0 + 1, sb, db, sem_sb, sem_db)
        wait(c0, sa, da, sem_sa, sem_da)
        compute(c0, sa, da)
        issue(c0 + 2, sa, da, sem_sa, sem_da)
        wait(c0 + 1, sb, db, sem_sb, sem_db)
        compute(c0 + 1, sb, db)
        return carry

    lax.fori_loop(0, (NCHUNK - 1) // 2, pair, 0)
    wait(NCHUNK - 1, sa, da, sem_sa, sem_da)
    compute(NCHUNK - 1, sa, da)

    pltpu.sync_copy(sc, out_hbm.at[pl.ds(ebase, EPW)])


def kernel(gnn_emb, edge_index):
    mu16 = gnn_emb[:, :D].astype(jnp.bfloat16)
    table = lax.bitcast_convert_type(mu16.reshape(NV, W, 2), jnp.int32)
    ei = edge_index.reshape(2 * NE)
    return _score_kernel(table, ei)

# --- scband reference (transcript-rebuilt; emitter-appended) ---
"""Pipeline reference for scband-score-predictor-56968446214864 (READ-ONLY COPY).

The authoritative reference and input builder live on the scoring server;
editing this copy changes nothing except your own understanding.
"""

import jax, jax.numpy as jnp
import numpy as np

GNN_OUT_FEATURES = 128
N_NODES = 10000
N_EDGES = 320000

def setup_inputs(seed: int = 0) -> dict:
    key = jax.random.key(seed)
    k1, k2 = jax.random.split(key)
    # Node data 'GNN_Emb' holds [mu | logvar]; with sample<=0 only the first
    # gnn_out_features columns (mu) are used as the representation.
    gnn_emb = jax.random.normal(k1, (N_NODES, 2 * GNN_OUT_FEATURES), dtype=jnp.float32)
    edge_index = jax.random.randint(k2, (2, N_EDGES), 0, N_NODES, dtype=jnp.int32)
    return {"gnn_emb": gnn_emb, "edge_index": edge_index}

def reference(gnn_emb, edge_index):
    # get_representation (sample <= 0 branch): slice mu part of GNN_Emb
    representation = gnn_emb[:, :GNN_OUT_FEATURES]
    # msgfunc_score_pos (cross_scorer=False, sample<=0 branch):
    # gather src/dst node representations along edges, edge-wise dot product
    src_emb = jnp.take(representation, edge_index[0], axis=0)
    dst_emb = jnp.take(representation, edge_index[1], axis=0)
    score = jnp.sum(src_emb * dst_emb, axis=1)
    return score

if __name__ == "__main__":
    import jax
    _d = setup_inputs()
    print(jax.jit(kernel)(*tuple(_d.values())))

</pallas_src>

<mosaic_0001>
#map = affine_map<(d0, d1) -> (0, 0)>
#map1 = affine_map<(d0, d1) -> (0)>
module attributes {stable_mosaic.version = 14 : i64} {
  func.func @_score_kernel(%arg0: i32, %arg1: i32, %arg2: memref<10000x64xi32, #tpu.memory_space<hbm>>, %arg3: memref<640000xi32, #tpu.memory_space<hbm>>, %arg4: memref<320000xf32, #tpu.memory_space<hbm>>, %arg5: memref<10000xi32, #tpu.memory_space<vmem>>, %arg6: memref<10000xi32, #tpu.memory_space<vmem>>, %arg7: memref<80x64xi32, #tpu.memory_space<vmem>>, %arg8: memref<80x64xi32, #tpu.memory_space<vmem>>, %arg9: memref<80x64xi32, #tpu.memory_space<vmem>>, %arg10: memref<80x64xi32, #tpu.memory_space<vmem>>, %arg11: memref<10000xf32, #tpu.memory_space<vmem>>, %arg12: memref<!tpu.dma_semaphore, #tpu.memory_space<semaphore_mem>>, %arg13: memref<!tpu.dma_semaphore, #tpu.memory_space<semaphore_mem>>, %arg14: memref<!tpu.dma_semaphore, #tpu.memory_space<semaphore_mem>>, %arg15: memref<!tpu.dma_semaphore, #tpu.memory_space<semaphore_mem>>) attributes {dimension_semantics = [#tpu.dimension_semantics<core_parallel>, #tpu.dimension_semantics<subcore_parallel>], iteration_bounds = array<i64: 2, 16>, scalar_prefetch = 0 : i64, scratch_operands = 11 : i64, tpu.core_type = #tpu.core_type<sc_vector_subcore>, window_params = [{transform_indices = #map}, {transform_indices = #map1}, {transform_indices = #map1}]} {
    %mul3A = arith.constant 2 : i32
    %mul3A_0 = arith.muli %arg1, %mul3A : i32
    %add3A = arith.addi %mul3A_0, %arg0 : i32
    %mul3A_1 = arith.constant 10000 : i32
    %mul3A_2 = arith.muli %add3A, %mul3A_1 : i32
    %iota3A = tpu.iota {dimensions = array<i32: 0>} : vector<16xi32>
    "tpu.region"() ({
      %run_scoped3A = tpu.sem_alloc : memref<!tpu.dma_semaphore, #tpu.memory_space<semaphore_mem>>
      %dma_start3A_78 = tpu.memref_slice %arg3[%mul3A_2] : memref<640000xi32, #tpu.memory_space<hbm>> -> memref<10000xi32, #tpu.memory_space<hbm>>
      %dma_start3A_79 = tpu.memref_slice %arg3[%mul3A_2] : memref<640000xi32, #tpu.memory_space<hbm>> -> memref<10000xi32, #tpu.memory_space<hbm>>
      tpu.enqueue_dma source(%dma_start3A_79 : memref<10000xi32, #tpu.memory_space<hbm>>) target(%arg5 : memref<10000xi32, #tpu.memory_space<vmem>>) target_semaphore(%run_scoped3A : memref<!tpu.dma_semaphore, #tpu.memory_space<semaphore_mem>>)
      %dma_wait3A_80 = tpu.memref_slice %arg3[%mul3A_2] : memref<640000xi32, #tpu.memory_space<hbm>> -> memref<10000xi32, #tpu.memory_space<hbm>>
      %dma_wait3A_81 = tpu.memref_slice %arg3[%mul3A_2] : memref<640000xi32, #tpu.memory_space<hbm>> -> memref<10000xi32, #tpu.memory_space<hbm>>
      tpu.wait_dma2 semaphore(%run_scoped3A : memref<!tpu.dma_semaphore, #tpu.memory_space<semaphore_mem>>) src(%dma_wait3A_81 : memref<10000xi32, #tpu.memory_space<hbm>>) dst(%arg5 : memref<10000xi32, #tpu.memory_space<vmem>>)
      tpu.yield
    }) : () -> ()
    %add3A_3 = arith.constant 320000 : i32
    %add3A_4 = arith.addi %add3A_3, %mul3A_2 : i32
    "tpu.region"() ({
      %run_scoped3A = tpu.sem_alloc : memref<!tpu.dma_semaphore, #tpu.memory_space<semaphore_mem>>
      %dma_start3A_78 = tpu.memref_slice %arg3[%add3A_4] : memref<640000xi32, #tpu.memory_space<hbm>> -> memref<10000xi32, #tpu.memory_space<hbm>>
      %dma_start3A_79 = tpu.memref_slice %arg3[%add3A_4] : memref<640000xi32, #tpu.memory_space<hbm>> -> memref<10000xi32, #tpu.memory_space<hbm>>
      tpu.enqueue_dma source(%dma_start3A_79 : memref<10000xi32, #tpu.memory_space<hbm>>) target(%arg6 : memref<10000xi32, #tpu.memory_space<vmem>>) target_semaphore(%run_scoped3A : memref<!tpu.dma_semaphore, #tpu.memory_space<semaphore_mem>>)
      %dma_wait3A_80 = tpu.memref_slice %arg3[%add3A_4] : memref<640000xi32, #tpu.memory_space<hbm>> -> memref<10000xi32, #tpu.memory_space<hbm>>
      %dma_wait3A_81 = tpu.memref_slice %arg3[%add3A_4] : memref<640000xi32, #tpu.memory_space<hbm>> -> memref<10000xi32, #tpu.memory_space<hbm>>
      tpu.wait_dma2 semaphore(%run_scoped3A : memref<!tpu.dma_semaphore, #tpu.memory_space<semaphore_mem>>) src(%dma_wait3A_81 : memref<10000xi32, #tpu.memory_space<hbm>>) dst(%arg6 : memref<10000xi32, #tpu.memory_space<vmem>>)
      tpu.yield
    }) : () -> ()
    %dma_start3A = arith.constant 0 : i32
    %dma_start3A_5 = arith.constant 0 : i32
    %dma_start3A_6 = tpu.memref_slice %arg7[%dma_start3A, %dma_start3A_5] : memref<80x64xi32, #tpu.memory_space<vmem>> -> memref<40x64xi32, #tpu.memory_space<vmem>>
    %dma_start3A_7 = arith.constant 0 : i32
    %dma_start3A_8 = tpu.memref_slice %arg5[%dma_start3A_7] : memref<10000xi32, #tpu.memory_space<vmem>> -> memref<40xi32, #tpu.memory_space<vmem>>
    %dma_start3A_9 = arith.constant 0 : i32
    %dma_start3A_10 = arith.constant 0 : i32
    %dma_start3A_11 = tpu.memref_slice %arg2[%dma_start3A_9, %dma_start3A_10] : memref<10000x64xi32, #tpu.memory_space<hbm>> -> memref<10000x64xi32, #tpu.memory_space<hbm>>
    tpu.enqueue_indirect_dma source(%dma_start3A_11 : memref<10000x64xi32, #tpu.memory_space<hbm>>) target(%dma_start3A_6 : memref<40x64xi32, #tpu.memory_space<vmem>>) offsets(%dma_start3A_8 : memref<40xi32, #tpu.memory_space<vmem>>) semaphore(%arg12 : memref<!tpu.dma_semaphore, #tpu.memory_space<semaphore_mem>>)
    %dma_start3A_12 = arith.constant 40 : i32
    %dma_start3A_13 = arith.constant 0 : i32
    %dma_start3A_14 = tpu.memref_slice %arg7[%dma_start3A_12, %dma_start3A_13] : memref<80x64xi32, #tpu.memory_space<vmem>> -> memref<40x64xi32, #tpu.memory_space<vmem>>
    %dma_start3A_15 = arith.constant 40 : i32
    %dma_start3A_16 = tpu.memref_slice %arg5[%dma_start3A_15] : memref<10000xi32, #tpu.memory_space<vmem>> -> memref<40xi32, #tpu.memory_space<vmem>>
    %dma_start3A_17 = arith.constant 0 : i32
    %dma_start3A_18 = arith.constant 0 : i32
    %dma_start3A_19 = tpu.memref_slice %arg2[%dma_start3A_17, %dma_start3A_18] : memref<10000x64xi32, #tpu.memory_space<hbm>> -> memref<10000x64xi32, #tpu.memory_space<hbm>>
    tpu.enqueue_indirect_dma source(%dma_start3A_19 : memref<10000x64xi32, #tpu.memory_space<hbm>>) target(%dma_start3A_14 : memref<40x64xi32, #tpu.memory_space<vmem>>) offsets(%dma_start3A_16 : memref<40xi32, #tpu.memory_space<vmem>>) semaphore(%arg12 : memref<!tpu.dma_semaphore, #tpu.memory_space<semaphore_mem>>)
    %dma_start3A_20 = arith.constant 0 : i32
    %dma_start3A_21 = arith.constant 0 : i32
    %dma_start3A_22 = tpu.memref_slice %arg8[%dma_start3A_20, %dma_start3A_21] : memref<80x64xi32, #tpu.memory_space<vmem>> -> memref<40x64xi32, #tpu.memory_space<vmem>>
    %dma_start3A_23 = arith.constant 0 : i32
    %dma_start3A_24 = tpu.memref_slice %arg6[%dma_start3A_23] : memref<10000xi32, #tpu.memory_space<vmem>> -> memref<40xi32, #tpu.memory_space<vmem>>
    %dma_start3A_25 = arith.constant 0 : i32
    %dma_start3A_26 = arith.constant 0 : i32
    %dma_start3A_27 = tpu.memref_slice %arg2[%dma_start3A_25, %dma_start3A_26] : memref<10000x64xi32, #tpu.memory_space<hbm>> -> memref<10000x64xi32, #tpu.memory_space<hbm>>
    tpu.enqueue_indirect_dma source(%dma_start3A_27 : memref<10000x64xi32, #tpu.memory_space<hbm>>) target(%dma_start3A_22 : memref<40x64xi32, #tpu.memory_space<vmem>>) offsets(%dma_start3A_24 : memref<40xi32, #tpu.memory_space<vmem>>) semaphore(%arg13 : memref<!tpu.dma_semaphore, #tpu.memory_space<semaphore_mem>>)
    %dma_start3A_28 = arith.constant 40 : i32
    %dma_start3A_29 = arith.constant 0 : i32
    %dma_start3A_30 = tpu.memref_slice %arg8[%dma_start3A_28, %dma_start3A_29] : memref<80x64xi32, #tpu.memory_space<vmem>> -> memref<40x64xi32, #tpu.memory_space<vmem>>
    %dma_start3A_31 = arith.constant 40 : i32
    %dma_start3A_32 = tpu.memref_slice %arg6[%dma_start3A_31] : memref<10000xi32, #tpu.memory_space<vmem>> -> memref<40xi32, #tpu.memory_space<vmem>>
    %dma_start3A_33 = arith.constant 0 : i32
    %dma_start3A_34 = arith.constant 0 : i32
    %dma_start3A_35 = tpu.memref_slice %arg2[%dma_start3A_33, %dma_start3A_34] : memref<10000x64xi32, #tpu.memory_space<hbm>> -> memref<10000x64xi32, #tpu.memory_space<hbm>>
    tpu.enqueue_indirect_dma source(%dma_start3A_35 : memref<10000x64xi32, #tpu.memory_space<hbm>>) target(%dma_start3A_30 : memref<40x64xi32, #tpu.memory_space<vmem>>) offsets(%dma_start3A_32 : memref<40xi32, #tpu.memory_space<vmem>>) semaphore(%arg13 : memref<!tpu.dma_semaphore, #tpu.memory_space<semaphore_mem>>)
    %scan3A = arith.constant 0 : i32
    %scan3A_36 = arith.constant 0 : i32
    %scan3A_37 = arith.constant 62 : i32
    %scan3A_38 = arith.addi %scan3A_36, %scan3A_37 : i32
    %scan3A_39 = arith.constant 1 : i32
    scf.for %scan3A_78 = %scan3A_36 to %scan3A_38 step %scan3A_39  : i32 {
      %mul3A_79 = arith.constant 2 : i32
      %mul3A_80 = arith.muli %mul3A_79, %scan3A_78 : i32
      %add3A_81 = arith.constant 1 : i32
      %add3A_82 = arith.addi %mul3A_80, %add3A_81 : i32
      %mul3A_83 = arith.constant 80 : i32
      %mul3A_84 = arith.muli %add3A_82, %mul3A_83 : i32
      %dma_start3A_85 = arith.constant 0 : i32
      %dma_start3A_86 = arith.constant 0 : i32
      %dma_start3A_87 = tpu.memref_slice %arg9[%dma_start3A_85, %dma_start3A_86] : memref<80x64xi32, #tpu.memory_space<vmem>> -> memref<40x64xi32, #tpu.memory_space<vmem>>
      %dma_start3A_88 = tpu.memref_slice %arg5[%mul3A_84] : memref<10000xi32, #tpu.memory_space<vmem>> -> memref<40xi32, #tpu.memory_space<vmem>>
      %dma_start3A_89 = arith.constant 0 : i32
      %dma_start3A_90 = arith.constant 0 : i32
      %dma_start3A_91 = tpu.memref_slice %arg2[%dma_start3A_89, %dma_start3A_90] : memref<10000x64xi32, #tpu.memory_space<hbm>> -> memref<10000x64xi32, #tpu.memory_space<hbm>>
      tpu.enqueue_indirect_dma source(%dma_start3A_91 : memref<10000x64xi32, #tpu.memory_space<hbm>>) target(%dma_start3A_87 : memref<40x64xi32, #tpu.memory_space<vmem>>) offsets(%dma_start3A_88 : memref<40xi32, #tpu.memory_space<vmem>>) semaphore(%arg14 : memref<!tpu.dma_semaphore, #tpu.memory_space<semaphore_mem>>)
      %add3A_92 = arith.constant 40 : i32
      %add3A_93 = arith.addi %mul3A_84, %add3A_92 : i32
      %dma_start3A_94 = arith.constant 40 : i32
      %dma_start3A_95 = arith.constant 0 : i32
      %dma_start3A_96 = tpu.memref_slice %arg9[%dma_start3A_94, %dma_start3A_95] : memref<80x64xi32, #tpu.memory_space<vmem>> -> memref<40x64xi32, #tpu.memory_space<vmem>>
      %dma_start3A_97 = tpu.memref_slice %arg5[%add3A_93] : memref<10000xi32, #tpu.memory_space<vmem>> -> memref<40xi32, #tpu.memory_space<vmem>>
      %dma_start3A_98 = arith.constant 0 : i32
      %dma_start3A_99 = arith.constant 0 : i32
      %dma_start3A_100 = tpu.memref_slice %arg2[%dma_start3A_98, %dma_start3A_99] : memref<10000x64xi32, #tpu.memory_space<hbm>> -> memref<10000x64xi32, #tpu.memory_space<hbm>>
      tpu.enqueue_indirect_dma source(%dma_start3A_100 : memref<10000x64xi32, #tpu.memory_space<hbm>>) target(%dma_start3A_96 : memref<40x64xi32, #tpu.memory_space<vmem>>) offsets(%dma_start3A_97 : memref<40xi32, #tpu.memory_space<vmem>>) semaphore(%arg14 : memref<!tpu.dma_semaphore, #tpu.memory_space<semaphore_mem>>)
      %dma_start3A_101 = arith.constant 0 : i32
      %dma_start3A_102 = arith.constant 0 : i32
      %dma_start3A_103 = tpu.memref_slice %arg10[%dma_start3A_101, %dma_start3A_102] : memref<80x64xi32, #tpu.memory_space<vmem>> -> memref<40x64xi32, #tpu.memory_space<vmem>>
      %dma_start3A_104 = tpu.memref_slice %arg6[%mul3A_84] : memref<10000xi32, #tpu.memory_space<vmem>> -> memref<40xi32, #tpu.memory_space<vmem>>
      %dma_start3A_105 = arith.constant 0 : i32
      %dma_start3A_106 = arith.constant 0 : i32
      %dma_start3A_107 = tpu.memref_slice %arg2[%dma_start3A_105, %dma_start3A_106] : memref<10000x64xi32, #tpu.memory_space<hbm>> -> memref<10000x64xi32, #tpu.memory_space<hbm>>
      tpu.enqueue_indirect_dma source(%dma_start3A_107 : memref<10000x64xi32, #tpu.memory_space<hbm>>) target(%dma_start3A_103 : memref<40x64xi32, #tpu.memory_space<vmem>>) offsets(%dma_start3A_104 : memref<40xi32, #tpu.memory_space<vmem>>) semaphore(%arg15 : memref<!tpu.dma_semaphore, #tpu.memory_space<semaphore_mem>>)
      %add3A_108 = arith.constant 40 : i32
      %add3A_109 = arith.addi %mul3A_84, %add3A_108 : i32
      %dma_start3A_110 = arith.constant 40 : i32
      %dma_start3A_111 = arith.constant 0 : i32
      %dma_start3A_112 = tpu.memref_slice %arg10[%dma_start3A_110, %dma_start3A_111] : memref<80x64xi32, #tpu.memory_space<vmem>> -> memref<40x64xi32, #tpu.memory_space<vmem>>
      %dma_start3A_113 = tpu.memref_slice %arg6[%add3A_109] : memref<10000xi32, #tpu.memory_space<vmem>> -> memref<40xi32, #tpu.memory_space<vmem>>
      %dma_start3A_114 = arith.constant 0 : i32
      %dma_start3A_115 = arith.constant 0 : i32
      %dma_start3A_116 = tpu.memref_slice %arg2[%dma_start3A_114, %dma_start3A_115] : memref<10000x64xi32, #tpu.memory_space<hbm>> -> memref<10000x64xi32, #tpu.memory_space<hbm>>
      tpu.enqueue_indirect_dma source(%dma_start3A_116 : memref<10000x64xi32, #tpu.memory_space<hbm>>) target(%dma_start3A_112 : memref<40x64xi32, #tpu.memory_space<vmem>>) offsets(%dma_start3A_113 : memref<40xi32, #tpu.memory_space<vmem>>) semaphore(%arg15 : memref<!tpu.dma_semaphore, #tpu.memory_space<semaphore_mem>>)
      %mul3A_117 = arith.constant 80 : i32
      %mul3A_118 = arith.muli %mul3A_80, %mul3A_117 : i32
      %dma_wait3A_119 = arith.constant 0 : i32
      %dma_wait3A_120 = arith.constant 0 : i32
      %dma_wait3A_121 = tpu.memref_slice %arg7[%dma_wait3A_119, %dma_wait3A_120] : memref<80x64xi32, #tpu.memory_space<vmem>> -> memref<40x64xi32, #tpu.memory_space<vmem>>
      %dma_wait3A_122 = tpu.memref_slice %arg5[%mul3A_118] : memref<10000xi32, #tpu.memory_space<vmem>> -> memref<40xi32, #tpu.memory_space<vmem>>
      %dma_wait3A_123 = arith.constant 0 : i32
      %dma_wait3A_124 = arith.constant 0 : i32
      %dma_wait3A_125 = tpu.memref_slice %arg2[%dma_wait3A_123, %dma_wait3A_124] : memref<10000x64xi32, #tpu.memory_space<hbm>> -> memref<10000x64xi32, #tpu.memory_space<hbm>>
      tpu.wait_indirect_dma semaphore(%arg12 : memref<!tpu.dma_semaphore, #tpu.memory_space<semaphore_mem>>) src(%dma_wait3A_125 : memref<10000x64xi32, #tpu.memory_space<hbm>>) dst(%dma_wait3A_121 : memref<40x64xi32, #tpu.memory_space<vmem>>)
      %add3A_126 = arith.constant 40 : i32
      %add3A_127 = arith.addi %mul3A_118, %add3A_126 : i32
      %dma_wait3A_128 = arith.constant 40 : i32
      %dma_wait3A_129 = arith.constant 0 : i32
      %dma_wait3A_130 = tpu.memref_slice %arg7[%dma_wait3A_128, %dma_wait3A_129] : memref<80x64xi32, #tpu.memory_space<vmem>> -> memref<40x64xi32, #tpu.memory_space<vmem>>
      %dma_wait3A_131 = tpu.memref_slice %arg5[%add3A_127] : memref<10000xi32, #tpu.memory_space<vmem>> -> memref<40xi32, #tpu.memory_space<vmem>>
      %dma_wait3A_132 = arith.constant 0 : i32
      %dma_wait3A_133 = arith.constant 0 : i32
      %dma_wait3A_134 = tpu.memref_slice %arg2[%dma_wait3A_132, %dma_wait3A_133] : memref<10000x64xi32, #tpu.memory_space<hbm>> -> memref<10000x64xi32, #tpu.memory_space<hbm>>
      tpu.wait_indirect_dma semaphore(%arg12 : memref<!tpu.dma_semaphore, #tpu.memory_space<semaphore_mem>>) src(%dma_wait3A_134 : memref<10000x64xi32, #tpu.memory_space<hbm>>) dst(%dma_wait3A_130 : memref<40x64xi32, #tpu.memory_space<vmem>>)
      %dma_wait3A_135 = arith.constant 0 : i32
      %dma_wait3A_136 = arith.constant 0 : i32
      %dma_wait3A_137 = tpu.memref_slice %arg8[%dma_wait3A_135, %dma_wait3A_136] : memref<80x64xi32, #tpu.memory_space<vmem>> -> memref<40x64xi32, #tpu.memory_space<vmem>>
      %dma_wait3A_138 = tpu.memref_slice %arg6[%mul3A_118] : memref<10000xi32, #tpu.memory_space<vmem>> -> memref<40xi32, #tpu.memory_space<vmem>>
      %dma_wait3A_139 = arith.constant 0 : i32
      %dma_wait3A_140 = arith.constant 0 : i32
      %dma_wait3A_141 = tpu.memref_slice %arg2[%dma_wait3A_139, %dma_wait3A_140] : memref<10000x64xi32, #tpu.memory_space<hbm>> -> memref<10000x64xi32, #tpu.memory_space<hbm>>
      tpu.wait_indirect_dma semaphore(%arg13 : memref<!tpu.dma_semaphore, #tpu.memory_space<semaphore_mem>>) src(%dma_wait3A_141 : memref<10000x64xi32, #tpu.memory_space<hbm>>) dst(%dma_wait3A_137 : memref<40x64xi32, #tpu.memory_space<vmem>>)
      %add3A_142 = arith.constant 40 : i32
      %add3A_143 = arith.addi %mul3A_118, %add3A_142 : i32
      %dma_wait3A_144 = arith.constant 40 : i32
      %dma_wait3A_145 = arith.constant 0 : i32
      %dma_wait3A_146 = tpu.memref_slice %arg8[%dma_wait3A_144, %dma_wait3A_145] : memref<80x64xi32, #tpu.memory_space<vmem>> -> memref<40x64xi32, #tpu.memory_space<vmem>>
      %dma_wait3A_147 = tpu.memref_slice %arg6[%add3A_143] : memref<10000xi32, #tpu.memory_space<vmem>> -> memref<40xi32, #tpu.memory_space<vmem>>
      %dma_wait3A_148 = arith.constant 0 : i32
      %dma_wait3A_149 = arith.constant 0 : i32
      %dma_wait3A_150 = tpu.memref_slice %arg2[%dma_wait3A_148, %dma_wait3A_149] : memref<10000x64xi32, #tpu.memory_space<hbm>> -> memref<10000x64xi32, #tpu.memory_space<hbm>>
      tpu.wait_indirect_dma semaphore(%arg13 : memref<!tpu.dma_semaphore, #tpu.memory_space<semaphore_mem>>) src(%dma_wait3A_150 : memref<10000x64xi32, #tpu.memory_space<hbm>>) dst(%dma_wait3A_146 : memref<40x64xi32, #tpu.memory_space<vmem>>)
      %scan3A_151 = arith.constant 0 : i32
      %scan3A_152 = arith.constant 0 : i32
      %scan3A_153 = arith.constant 5 : i32
      %scan3A_154 = arith.addi %scan3A_152, %scan3A_153 : i32
      %scan3A_155 = arith.constant 1 : i32
      scf.for %scan3A_237 = %scan3A_152 to %scan3A_154 step %scan3A_155  : i32 {
        %mul3A_238 = arith.constant 16 : i32
        %mul3A_239 = arith.muli %scan3A_237, %mul3A_238 : i32
        %add3A_240 = vector.broadcast %mul3A_239 : i32 to vector<16xi32>
        %add3A_241 = arith.addi %add3A_240, %iota3A : vector<16xi32>
        %broadcast_in_dim3A = arith.constant 0.000000e+00 : f32
        %broadcast_in_dim3A_242 = vector.broadcast %broadcast_in_dim3A : f32 to vector<16xf32>
        %scan3A_243 = arith.constant 0 : i32
        %scan3A_244 = arith.constant 16 : i32
        %scan3A_245 = arith.addi %scan3A_243, %scan3A_244 : i32
        %scan3A_246 = arith.constant 8 : i32
        %scan3A_247:4 = scf.for %scan3A_258 = %scan3A_243 to %scan3A_245 step %scan3A_246 iter_args(%scan3A_259 = %broadcast_in_dim3A_242, %scan3A_260 = %broadcast_in_dim3A_242, %scan3A_261 = %broadcast_in_dim3A_242, %scan3A_262 = %broadcast_in_dim3A_242) -> (vector<16xf32>, vector<16xf32>, vector<16xf32>, vector<16xf32>)  : i32 {
          %mul3A_263 = arith.constant 4 : i32
          %mul3A_264 = arith.muli %scan3A_258, %mul3A_263 : i32
          %xor3A = vector.broadcast %mul3A_264 : i32 to vector<16xi32>
          %xor3A_265 = arith.xori %xor3A, %iota3A : vector<16xi32>
          %gather3A = tpu.vector_load_idx %arg7[%add3A_241, %xor3A_265] : memref<80x64xi32, #tpu.memory_space<vmem>>[vector<16xi32>, vector<16xi32>], vector<16xi32>,
          %gather3A_266 = tpu.vector_load_idx %arg8[%add3A_241, %xor3A_265] : memref<80x64xi32, #tpu.memory_space<vmem>>[vector<16xi32>, vector<16xi32>], vector<16xi32>,
          %bitcast3A = vector.bitcast %gather3A : vector<16xi32> to vector<32xbf16>
          %bitcast3A_267 = vector.bitcast %gather3A_266 : vector<16xi32> to vector<32xbf16>
          %mul3A_268 = arith.mulf %bitcast3A, %bitcast3A_267 : vector<32xbf16>
          %unpack3A = tpu.unpack_subelements %mul3A_268, 0 {pack_format = #tpu.pack_format<interleaved>} : vector<32xbf16> -> vector<16xf32>
          %unpack3A_269 = tpu.unpack_subelements %mul3A_268, 1 {pack_format = #tpu.pack_format<interleaved>} : vector<32xbf16> -> vector<16xf32>
          %add3A_270 = arith.addf %unpack3A, %unpack3A_269 : vector<16xf32>
          %add3A_271 = arith.addf %scan3A_259, %add3A_270 : vector<16xf32>
          %add3A_272 = arith.constant 1 : i32
          %add3A_273 = arith.addi %mul3A_264, %add3A_272 : i32
          %xor3A_274 = vector.broadcast %add3A_273 : i32 to vector<16xi32>
          %xor3A_275 = arith.xori %xor3A_274, %iota3A : vector<16xi32>
          %gather3A_276 = tpu.vector_load_idx %arg7[%add3A_241, %xor3A_275] : memref<80x64xi32, #tpu.memory_space<vmem>>[vector<16xi32>, vector<16xi32>], vector<16xi32>,
          %gather3A_277 = tpu.vector_load_idx %arg8[%add3A_241, %xor3A_275] : memref<80x64xi32, #tpu.memory_space<vmem>>[vector<16xi32>, vector<16xi32>], vector<16xi32>,
          %bitcast3A_278 = vector.bitcast %gather3A_276 : vector<16xi32> to vector<32xbf16>
          %bitcast3A_279 = vector.bitcast %gather3A_277 : vector<16xi32> to vector<32xbf16>
          %mul3A_280 = arith.mulf %bitcast3A_278, %bitcast3A_279 : vector<32xbf16>
          %unpack3A_281 = tpu.unpack_subelements %mul3A_280, 0 {pack_format = #tpu.pack_format<interleaved>} : vector<32xbf16> -> vector<16xf32>
          %unpack3A_282 = tpu.unpack_subelements %mul3A_280, 1 {pack_format = #tpu.pack_format<interleaved>} : vector<32xbf16> -> vector<16xf32>
          %add3A_283 = arith.addf %unpack3A_281, %unpack3A_282 : vector<16xf32>
          %add3A_284 = arith.addf %scan3A_260, %add3A_283 : vector<16xf32>
          %add3A_285 = arith.constant 2 : i32
          %add3A_286 = arith.addi %mul3A_264, %add3A_285 : i32
          %xor3A_287 = vector.broadcast %add3A_286 : i32 to vector<16xi32>
          %xor3A_288 = arith.xori %xor3A_287, %iota3A : vector<16xi32>
          %gather3A_289 = tpu.vector_load_idx %arg7[%add3A_241, %xor3A_288] : memref<80x64xi32, #tpu.memory_space<vmem>>[vector<16xi32>, vector<16xi32>], vector<16xi32>,
          %gather3A_290 = tpu.vector_load_idx %arg8[%add3A_241, %xor3A_288] : memref<80x64xi32, #tpu.memory_space<vmem>>[vector<16xi32>, vector<16xi32>], vector<16xi32>,
          %bitcast3A_291 = vector.bitcast %gather3A_289 : vector<16xi32> to vector<32xbf16>
          %bitcast3A_292 = vector.bitcast %gather3A_290 : vector<16xi32> to vector<32xbf16>
          %mul3A_293 = arith.mulf %bitcast3A_291, %bitcast3A_292 : vector<32xbf16>
          %unpack3A_294 = tpu.unpack_subelements %mul3A_293, 0 {pack_format = #tpu.pack_format<interleaved>} : vector<32xbf16> -> vector<16xf32>
          %unpack3A_295 = tpu.unpack_subelements %mul3A_293, 1 {pack_format = #tpu.pack_format<interleaved>} : vector<32xbf16> -> vector<16xf32>
          %add3A_296 = arith.addf %unpack3A_294, %unpack3A_295 : vector<16xf32>
          %add3A_297 = arith.addf %scan3A_261, %add3A_296 : vector<16xf32>
          %add3A_298 = arith.constant 3 : i32
          %add3A_299 = arith.addi %mul3A_264, %add3A_298 : i32
          %xor3A_300 = vector.broadcast %add3A_299 : i32 to vector<16xi32>
          %xor3A_301 = arith.xori %xor3A_300, %iota3A : vector<16xi32>
          %gather3A_302 = tpu.vector_load_idx %arg7[%add3A_241, %xor3A_301] : memref<80x64xi32, #tpu.memory_space<vmem>>[vector<16xi32>, vector<16xi32>], vector<16xi32>,
          %gather3A_303 = tpu.vector_load_idx %arg8[%add3A_241, %xor3A_301] : memref<80x64xi32, #tpu.memory_space<vmem>>[vector<16xi32>, vector<16xi32>], vector<16xi32>,
          %bitcast3A_304 = vector.bitcast %gather3A_302 : vector<16xi32> to vector<32xbf16>
          %bitcast3A_305 = vector.bitcast %gather3A_303 : vector<16xi32> to vector<32xbf16>
          %mul3A_306 = arith.mulf %bitcast3A_304, %bitcast3A_305 : vector<32xbf16>
          %unpack3A_307 = tpu.unpack_subelements %mul3A_306, 0 {pack_format = #tpu.pack_format<interleaved>} : vector<32xbf16> -> vector<16xf32>
          %unpack3A_308 = tpu.unpack_subelements %mul3A_306, 1 {pack_format = #tpu.pack_format<interleaved>} : vector<32xbf16> -> vector<16xf32>
          %add3A_309 = arith.addf %unpack3A_307, %unpack3A_308 : vector<16xf32>
          %add3A_310 = arith.addf %scan3A_262, %add3A_309 : vector<16xf32>
          %scan3A_311 = arith.constant 1 : i32
          %scan3A_312 = arith.addi %scan3A_258, %scan3A_311 : i32
          %mul3A_313 = arith.constant 4 : i32
          %mul3A_314 = arith.muli %scan3A_312, %mul3A_313 : i32
          %xor3A_315 = vector.broadcast %mul3A_314 : i32 to vector<16xi32>
          %xor3A_316 = arith.xori %xor3A_315, %iota3A : vector<16xi32>
          %gather3A_317 = tpu.vector_load_idx %arg7[%add3A_241, %xor3A_316] : memref<80x64xi32, #tpu.memory_space<vmem>>[vector<16xi32>, vector<16xi32>], vector<16xi32>,
          %gather3A_318 = tpu.vector_load_idx %arg8[%add3A_241, %xor3A_316] : memref<80x64xi32, #tpu.memory_space<vmem>>[vector<16xi32>, vector<16xi32>], vector<16xi32>,
          %bitcast3A_319 = vector.bitcast %gather3A_317 : vector<16xi32> to vector<32xbf16>
          %bitcast3A_320 = vector.bitcast %gather3A_318 : vector<16xi32> to vector<32xbf16>
          %mul3A_321 = arith.mulf %bitcast3A_319, %bitcast3A_320 : vector<32xbf16>
          %unpack3A_322 = tpu.unpack_subelements %mul3A_321, 0 {pack_format = #tpu.pack_format<interleaved>} : vector<32xbf16> -> vector<16xf32>
          %unpack3A_323 = tpu.unpack_subelements %mul3A_321, 1 {pack_format = #tpu.pack_format<interleaved>} : vector<32xbf16> -> vector<16xf32>
          %add3A_324 = arith.addf %unpack3A_322, %unpack3A_323 : vector<16xf32>
          %add3A_325 = arith.addf %add3A_271, %add3A_324 : vector<16xf32>
          %add3A_326 = arith.constant 1 : i32
          %add3A_327 = arith.addi %mul3A_314, %add3A_326 : i32
          %xor3A_328 = vector.broadcast %add3A_327 : i32 to vector<16xi32>
          %xor3A_329 = arith.xori %xor3A_328, %iota3A : vector<16xi32>
          %gather3A_330 = tpu.vector_load_idx %arg7[%add3A_241, %xor3A_329] : memref<80x64xi32, #tpu.memory_space<vmem>>[vector<16xi32>, vector<16xi32>], vector<16xi32>,
          %gather3A_331 = tpu.vector_load_idx %arg8[%add3A_241, %xor3A_329] : memref<80x64xi32, #tpu.memory_space<vmem>>[vector<16xi32>, vector<16xi32>], vector<16xi32>,
          %bitcast3A_332 = vector.bitcast %gather3A_330 : vector<16xi32> to vector<32xbf16>
          %bitcast3A_333 = vector.bitcast %gather3A_331 : vector<16xi32> to vector<32xbf16>
          %mul3A_334 = arith.mulf %bitcast3A_332, %bitcast3A_333 : vector<32xbf16>
          %unpack3A_335 = tpu.unpack_subelements %mul3A_334, 0 {pack_format = #tpu.pack_format<interleaved>} : vector<32xbf16> -> vector<16xf32>
          %unpack3A_336 = tpu.unpack_subelements %mul3A_334, 1 {pack_format = #tpu.pack_format<interleaved>} : vector<32xbf16> -> vector<16xf32>
          %add3A_337 = arith.addf %unpack3A_335, %unpack3A_336 : vector<16xf32>
          %add3A_338 = arith.addf %add3A_284, %add3A_337 : vector<16xf32>
          %add3A_339 = arith.constant 2 : i32
          %add3A_340 = arith.addi %mul3A_314, %add3A_339 : i32
          %xor3A_341 = vector.broadcast %add3A_340 : i32 to vector<16xi32>
          %xor3A_342 = arith.xori %xor3A_341, %iota3A : vector<16xi32>
          %gather3A_343 = tpu.vector_load_idx %arg7[%add3A_241, %xor3A_342] : memref<80x64xi32, #tpu.memory_space<vmem>>[vector<16xi32>, vector<16xi32>], vector<16xi32>,
          %gather3A_344 = tpu.vector_load_idx %arg8[%add3A_241, %xor3A_342] : memref<80x64xi32, #tpu.memory_space<vmem>>[vector<16xi32>, vector<16xi32>], vector<16xi32>,
          %bitcast3A_345 = vector.bitcast %gather3A_343 : vector<16xi32> to vector<32xbf16>
          %bitcast3A_346 = vector.bitcast %gather3A_344 : vector<16xi32> to vector<32xbf16>
          %mul3A_347 = arith.mulf %bitcast3A_345, %bitcast3A_346 : vector<32xbf16>
          %unpack3A_348 = tpu.unpack_subelements %mul3A_347, 0 {pack_format = #tpu.pack_format<interleaved>} : vector<32xbf16> -> vector<16xf32>
          %unpack3A_349 = tpu.unpack_subelements %mul3A_347, 1 {pack_format = #tpu.pack_format<interleaved>} : vector<32xbf16> -> vector<16xf32>
          %add3A_350 = arith.addf %unpack3A_348, %unpack3A_349 : vector<16xf32>
          %add3A_351 = arith.addf %add3A_297, %add3A_350 : vector<16xf32>
          %add3A_352 = arith.constant 3 : i32
          %add3A_353 = arith.addi %mul3A_314, %add3A_352 : i32
          %xor3A_354 = vector.broadcast %add3A_353 : i32 to vector<16xi32>
          %xor3A_355 = arith.xori %xor3A_354, %iota3A : vector<16xi32>
          %gather3A_356 = tpu.vector_load_idx %arg7[%add3A_241, %xor3A_355] : memref<80x64xi32, #tpu.memory_space<vmem>>[vector<16xi32>, vector<16xi32>], vector<16xi32>,
          %gather3A_357 = tpu.vector_load_idx %arg8[%add3A_241, %xor3A_355] : memref<80x64xi32, #tpu.memory_space<vmem>>[vector<16xi32>, vector<16xi32>], vector<16xi32>,
          %bitcast3A_358 = vector.bitcast %gather3A_356 : vector<16xi32> to vector<32xbf16>
          %bitcast3A_359 = vector.bitcast %gather3A_357 : vector<16xi32> to vector<32xbf16>
          %mul3A_360 = arith.mulf %bitcast3A_358, %bitcast3A_359 : vector<32xbf16>
          %unpack3A_361 = tpu.unpack_subelements %mul3A_360, 0 {pack_format = #tpu.pack_format<interleaved>} : vector<32xbf16> -> vector<16xf32>
          %unpack3A_362 = tpu.unpack_subelements %mul3A_360, 1 {pack_format = #tpu.pack_format<interleaved>} : vector<32xbf16> -> vector<16xf32>
          %add3A_363 = arith.addf %unpack3A_361, %unpack3A_362 : vector<16xf32>
          %add3A_364 = arith.addf %add3A_310, %add3A_363 : vector<16xf32>
          %scan3A_365 = arith.constant 2 : i32
          %scan3A_366 = arith.addi %scan3A_258, %scan3A_365 : i32
          %mul3A_367 = arith.constant 4 : i32
          %mul3A_368 = arith.muli %scan3A_366, %mul3A_367 : i32
          %xor3A_369 = vector.broadcast %mul3A_368 : i32 to vector<16xi32>
          %xor3A_370 = arith.xori %xor3A_369, %iota3A : vector<16xi32>
          %gather3A_371 = tpu.vector_load_idx %arg7[%add3A_241, %xor3A_370] : memref<80x64xi32, #tpu.memory_space<vmem>>[vector<16xi32>, vector<16xi32>], vector<16xi32>,
          %gather3A_372 = tpu.vector_load_idx %arg8[%add3A_241, %xor3A_370] : memref<80x64xi32, #tpu.memory_space<vmem>>[vector<16xi32>, vector<16xi32>], vector<16xi32>,
          %bitcast3A_373 = vector.bitcast %gather3A_371 : vector<16xi32> to vector<32xbf16>
          %bitcast3A_374 = vector.bitcast %gather3A_372 : vector<16xi32> to vector<32xbf16>
          %mul3A_375 = arith.mulf %bitcast3A_373, %bitcast3A_374 : vector<32xbf16>
          %unpack3A_376 = tpu.unpack_subelements %mul3A_375, 0 {pack_format = #tpu.pack_format<interleaved>} : vector<32xbf16> -> vector<16xf32>
          %unpack3A_377 = tpu.unpack_subelements %mul3A_375, 1 {pack_format = #tpu.pack_format<interleaved>} : vector<32xbf16> -> vector<16xf32>
          %add3A_378 = arith.addf %unpack3A_376, %unpack3A_377 : vector<16xf32>
          %add3A_379 = arith.addf %add3A_325, %add3A_378 : vector<16xf32>
          %add3A_380 = arith.constant 1 : i32
          %add3A_381 = arith.addi %mul3A_368, %add3A_380 : i32
          %xor3A_382 = vector.broadcast %add3A_381 : i32 to vector<16xi32>
          %xor3A_383 = arith.xori %xor3A_382, %iota3A : vector<16xi32>
          %gather3A_384 = tpu.vector_load_idx %arg7[%add3A_241, %xor3A_383] : memref<80x64xi32, #tpu.memory_space<vmem>>[vector<16xi32>, vector<16xi32>], vector<16xi32>,
          %gather3A_385 = tpu.vector_load_idx %arg8[%add3A_241, %xor3A_383] : memref<80x64xi32, #tpu.memory_space<vmem>>[vector<16xi32>, vector<16xi32>], vector<16xi32>,
          %bitcast3A_386 = vector.bitcast %gather3A_384 : vector<16xi32> to vector<32xbf16>
          %bitcast3A_387 = vector.bitcast %gather3A_385 : vector<16xi32> to vector<32xbf16>
          %mul3A_388 = arith.mulf %bitcast3A_386, %bitcast3A_387 : vector<32xbf16>
          %unpack3A_389 = tpu.unpack_subelements %mul3A_388, 0 {pack_format = #tpu.pack_format<interleaved>} : vector<32xbf16> -> vector<16xf32>
          %unpack3A_390 = tpu.unpack_subelements %mul3A_388, 1 {pack_format = #tpu.pack_format<interleaved>} : vector<32xbf16> -> vector<16xf32>
          %add3A_391 = arith.addf %unpack3A_389, %unpack3A_390 : vector<16xf32>
          %add3A_392 = arith.addf %add3A_338, %add3A_391 : vector<16xf32>
          %add3A_393 = arith.constant 2 : i32
          %add3A_394 = arith.addi %mul3A_368, %add3A_393 : i32
          %xor3A_395 = vector.broadcast %add3A_394 : i32 to vector<16xi32>
          %xor3A_396 = arith.xori %xor3A_395, %iota3A : vector<16xi32>
          %gather3A_397 = tpu.vector_load_idx %arg7[%add3A_241, %xor3A_396] : memref<80x64xi32, #tpu.memory_space<vmem>>[vector<16xi32>, vector<16xi32>], vector<16xi32>,
          %gather3A_398 = tpu.vector_load_idx %arg8[%add3A_241, %xor3A_396] : memref<80x64xi32, #tpu.memory_space<vmem>>[vector<16xi32>, vector<16xi32>], vector<16xi32>,
          %bitcast3A_399 = vector.bitcast %gather3A_397 : vector<16xi32> to vector<32xbf16>
          %bitcast3A_400 = vector.bitcast %gather3A_398 : vector<16xi32> to vector<32xbf16>
          %mul3A_401 = arith.mulf %bitcast3A_399, %bitcast3A_400 : vector<32xbf16>
          %unpack3A_402 = tpu.unpack_subelements %mul3A_401, 0 {pack_format = #tpu.pack_format<interleaved>} : vector<32xbf16> -> vector<16xf32>
          %unpack3A_403 = tpu.unpack_subelements %mul3A_401, 1 {pack_format = #tpu.pack_format<interleaved>} : vector<32xbf16> -> vector<16xf32>
          %add3A_404 = arith.addf %unpack3A_402, %unpack3A_403 : vector<16xf32>
          %add3A_405 = arith.addf %add3A_351, %add3A_404 : vector<16xf32>
          %add3A_406 = arith.constant 3 : i32
          %add3A_407 = arith.addi %mul3A_368, %add3A_406 : i32
          %xor3A_408 = vector.broadcast %add3A_407 : i32 to vector<16xi32>
          %xor3A_409 = arith.xori %xor3A_408, %iota3A : vector<16xi32>
          %gather3A_410 = tpu.vector_load_idx %arg7[%add3A_241, %xor3A_409] : memref<80x64xi32, #tpu.memory_space<vmem>>[vector<16xi32>, vector<16xi32>], vector<16xi32>,
          %gather3A_411 = tpu.vector_load_idx %arg8[%add3A_241, %xor3A_409] : memref<80x64xi32, #tpu.memory_space<vmem>>[vector<16xi32>, vector<16xi32>], vector<16xi32>,
          %bitcast3A_412 = vector.bitcast %gather3A_410 : vector<16xi32> to vector<32xbf16>
          %bitcast3A_413 = vector.bitcast %gather3A_411 : vector<16xi32> to vector<32xbf16>
          %mul3A_414 = arith.mulf %bitcast3A_412, %bitcast3A_413 : vector<32xbf16>
          %unpack3A_415 = tpu.unpack_subelements %mul3A_414, 0 {pack_format = #tpu.pack_format<interleaved>} : vector<32xbf16> -> vector<16xf32>
          %unpack3A_416 = tpu.unpack_subelements %mul3A_414, 1 {pack_format = #tpu.pack_format<interleaved>} : vector<32xbf16> -> vector<16xf32>
          %add3A_417 = arith.addf %unpack3A_415, %unpack3A_416 : vector<16xf32>
          %add3A_418 = arith.addf %add3A_364, %add3A_417 : vector<16xf32>
          %scan3A_419 = arith.constant 3 : i32
          %scan3A_420 = arith.addi %scan3A_258, %scan3A_419 : i32
          %mul3A_421 = arith.constant 4 : i32
          %mul3A_422 = arith.muli %scan3A_420, %mul3A_421 : i32
          %xor3A_423 = vector.broadcast %mul3A_422 : i32 to vector<16xi32>
          %xor3A_424 = arith.xori %xor3A_423, %iota3A : vector<16xi32>
          %gather3A_425 = tpu.vector_load_idx %arg7[%add3A_241, %xor3A_424] : memref<80x64xi32, #tpu.memory_space<vmem>>[vector<16xi32>, vector<16xi32>], vector<16xi32>,
          %gather3A_426 = tpu.vector_load_idx %arg8[%add3A_241, %xor3A_424] : memref<80x64xi32, #tpu.memory_space<vmem>>[vector<16xi32>, vector<16xi32>], vector<16xi32>,
          %bitcast3A_427 = vector.bitcast %gather3A_425 : vector<16xi32> to vector<32xbf16>
          %bitcast3A_428 = vector.bitcast %gather3A_426 : vector<16xi32> to vector<32xbf16>
          %mul3A_429 = arith.mulf %bitcast3A_427, %bitcast3A_428 : vector<32xbf16>
          %unpack3A_430 = tpu.unpack_subelements %mul3A_429, 0 {pack_format = #tpu.pack_format<interleaved>} : vector<32xbf16> -> vector<16xf32>
          %unpack3A_431 = tpu.unpack_subelements %mul3A_429, 1 {pack_format = #tpu.pack_format<interleaved>} : vector<32xbf16> -> vector<16xf32>
          %add3A_432 = arith.addf %unpack3A_430, %unpack3A_431 : vector<16xf32>
          %add3A_433 = arith.addf %add3A_379, %add3A_432 : vector<16xf32>
          %add3A_434 = arith.constant 1 : i32
          %add3A_435 = arith.addi %mul3A_422, %add3A_434 : i32
          %xor3A_436 = vector.broadcast %add3A_435 : i32 to vector<16xi32>
          %xor3A_437 = arith.xori %xor3A_436, %iota3A : vector<16xi32>
          %gather3A_438 = tpu.vector_load_idx %arg7[%add3A_241, %xor3A_437] : memref<80x64xi32, #tpu.memory_space<vmem>>[vector<16xi32>, vector<16xi32>], vector<16xi32>,
          %gather3A_439 = tpu.vector_load_idx %arg8[%add3A_241, %xor3A_437] : memref<80x64xi32, #tpu.memory_space<vmem>>[vector<16xi32>, vector<16xi32>], vector<16xi32>,
          %bitcast3A_440 = vector.bitcast %gather3A_438 : vector<16xi32> to vector<32xbf16>
          %bitcast3A_441 = vector.bitcast %gather3A_439 : vector<16xi32> to vector<32xbf16>
          %mul3A_442 = arith.mulf %bitcast3A_440, %bitcast3A_441 : vector<32xbf16>
          %unpack3A_443 = tpu.unpack_subelements %mul3A_442, 0 {pack_format = #tpu.pack_format<interleaved>} : vector<32xbf16> -> vector<16xf32>
          %unpack3A_444 = tpu.unpack_subelements %mul3A_442, 1 {pack_format = #tpu.pack_format<interleaved>} : vector<32xbf16> -> vector<16xf32>
          %add3A_445 = arith.addf %unpack3A_443, %unpack3A_444 : vector<16xf32>
          %add3A_446 = arith.addf %add3A_392, %add3A_445 : vector<16xf32>
          %add3A_447 = arith.constant 2 : i32
          %add3A_448 = arith.addi %mul3A_422, %add3A_447 : i32
          %xor3A_449 = vector.broadcast %add3A_448 : i32 to vector<16xi32>
          %xor3A_450 = arith.xori %xor3A_449, %iota3A : vector<16xi32>
          %gather3A_451 = tpu.vector_load_idx %arg7[%add3A_241, %xor3A_450] : memref<80x64xi32, #tpu.memory_space<vmem>>[vector<16xi32>, vector<16xi32>], vector<16xi32>,
          %gather3A_452 = tpu.vector_load_idx %arg8[%add3A_241, %xor3A_450] : memref<80x64xi32, #tpu.memory_space<vmem>>[vector<16xi32>, vector<16xi32>], vector<16xi32>,
          %bitcast3A_453 = vector.bitcast %gather3A_451 : vector<16xi32> to vector<32xbf16>
          %bitcast3A_454 = vector.bitcast %gather3A_452 : vector<16xi32> to vector<32xbf16>
          %mul3A_455 = arith.mulf %bitcast3A_453, %bitcast3A_454 : vector<32xbf16>
          %unpack3A_456 = tpu.unpack_subelements %mul3A_455, 0 {pack_format = #tpu.pack_format<interleaved>} : vector<32xbf16> -> vector<16xf32>
          %unpack3A_457 = tpu.unpack_subelements %mul3A_455, 1 {pack_format = #tpu.pack_format<interleaved>} : vector<32xbf16> -> vector<16xf32>
          %add3A_458 = arith.addf %unpack3A_456, %unpack3A_457 : vector<16xf32>
          %add3A_459 = arith.addf %add3A_405, %add3A_458 : vector<16xf32>
          %add3A_460 = arith.constant 3 : i32
          %add3A_461 = arith.addi %mul3A_422, %add3A_460 : i32
          %xor3A_462 = vector.broadcast %add3A_461 : i32 to vector<16xi32>
          %xor3A_463 = arith.xori %xor3A_462, %iota3A : vector<16xi32>
          %gather3A_464 = tpu.vector_load_idx %arg7[%add3A_241, %xor3A_463] : memref<80x64xi32, #tpu.memory_space<vmem>>[vector<16xi32>, vector<16xi32>], vector<16xi32>,
          %gather3A_465 = tpu.vector_load_idx %arg8[%add3A_241, %xor3A_463] : memref<80x64xi32, #tpu.memory_space<vmem>>[vector<16xi32>, vector<16xi32>], vector<16xi32>,
          %bitcast3A_466 = vector.bitcast %gather3A_464 : vector<16xi32> to vector<32xbf16>
          %bitcast3A_467 = vector.bitcast %gather3A_465 : vector<16xi32> to vector<32xbf16>
          %mul3A_468 = arith.mulf %bitcast3A_466, %bitcast3A_467 : vector<32xbf16>
          %unpack3A_469 = tpu.unpack_subelements %mul3A_468, 0 {pack_format = #tpu.pack_format<interleaved>} : vector<32xbf16> -> vector<16xf32>
          %unpack3A_470 = tpu.unpack_subelements %mul3A_468, 1 {pack_format = #tpu.pack_format<interleaved>} : vector<32xbf16> -> vector<16xf32>
          %add3A_471 = arith.addf %unpack3A_469, %unpack3A_470 : vector<16xf32>
          %add3A_472 = arith.addf %add3A_418, %add3A_471 : vector<16xf32>
          %scan3A_473 = arith.constant 4 : i32
          %scan3A_474 = arith.addi %scan3A_258, %scan3A_473 : i32
          %mul3A_475 = arith.constant 4 : i32
          %mul3A_476 = arith.muli %scan3A_474, %mul3A_475 : i32
          %xor3A_477 = vector.broadcast %mul3A_476 : i32 to vector<16xi32>
          %xor3A_478 = arith.xori %xor3A_477, %iota3A : vector<16xi32>
          %gather3A_479 = tpu.vector_load_idx %arg7[%add3A_241, %xor3A_478] : memref<80x64xi32, #tpu.memory_space<vmem>>[vector<16xi32>, vector<16xi32>], vector<16xi32>,
          %gather3A_480 = tpu.vector_load_idx %arg8[%add3A_241, %xor3A_478] : memref<80x64xi32, #tpu.memory_space<vmem>>[vector<16xi32>, vector<16xi32>], vector<16xi32>,
          %bitcast3A_481 = vector.bitcast %gather3A_479 : vector<16xi32> to vector<32xbf16>
          %bitcast3A_482 = vector.bitcast %gather3A_480 : vector<16xi32> to vector<32xbf16>
          %mul3A_483 = arith.mulf %bitcast3A_481, %bitcast3A_482 : vector<32xbf16>
          %unpack3A_484 = tpu.unpack_subelements %mul3A_483, 0 {pack_format = #tpu.pack_format<interleaved>} : vector<32xbf16> -> vector<16xf32>
          %unpack3A_485 = tpu.unpack_subelements %mul3A_483, 1 {pack_format = #tpu.pack_format<interleaved>} : vector<32xbf16> -> vector<16xf32>
          %add3A_486 = arith.addf %unpack3A_484, %unpack3A_485 : vector<16xf32>
          %add3A_487 = arith.addf %add3A_433, %add3A_486 : vector<16xf32>
          %add3A_488 = arith.constant 1 : i32
          %add3A_489 = arith.addi %mul3A_476, %add3A_488 : i32
          %xor3A_490 = vector.broadcast %add3A_489 : i32 to vector<16xi32>
          %xor3A_491 = arith.xori %xor3A_490, %iota3A : vector<16xi32>
          %gather3A_492 = tpu.vector_load_idx %arg7[%add3A_241, %xor3A_491] : memref<80x64xi32, #tpu.memory_space<vmem>>[vector<16xi32>, vector<16xi32>], vector<16xi32>,
          %gather3A_493 = tpu.vector_load_idx %arg8[%add3A_241, %xor3A_491] : memref<80x64xi32, #tpu.memory_space<vmem>>[vector<16xi32>, vector<16xi32>], vector<16xi32>,
          %bitcast3A_494 = vector.bitcast %gather3A_492 : vector<16xi32> to vector<32xbf16>
          %bitcast3A_495 = vector.bitcast %gather3A_493 : vector<16xi32> to vector<32xbf16>
          %mul3A_496 = arith.mulf %bitcast3A_494, %bitcast3A_495 : vector<32xbf16>
          %unpack3A_497 = tpu.unpack_subelements %mul3A_496, 0 {pack_format = #tpu.pack_format<interleaved>} : vector<32xbf16> -> vector<16xf32>
          %unpack3A_498 = tpu.unpack_subelements %mul3A_496, 1 {pack_format = #tpu.pack_format<interleaved>} : vector<32xbf16> -> vector<16xf32>
          %add3A_499 = arith.addf %unpack3A_497, %unpack3A_498 : vector<16xf32>
          %add3A_500 = arith.addf %add3A_446, %add3A_499 : vector<16xf32>
          %add3A_501 = arith.constant 2 : i32
          %add3A_502 = arith.addi %mul3A_476, %add3A_501 : i32
          %xor3A_503 = vector.broadcast %add3A_502 : i32 to vector<16xi32>
          %xor3A_504 = arith.xori %xor3A_503, %iota3A : vector<16xi32>
          %gather3A_505 = tpu.vector_load_idx %arg7[%add3A_241, %xor3A_504] : memref<80x64xi32, #tpu.memory_space<vmem>>[vector<16xi32>, vector<16xi32>], vector<16xi32>,
          %gather3A_506 = tpu.vector_load_idx %arg8[%add3A_241, %xor3A_504] : memref<80x64xi32, #tpu.memory_space<vmem>>[vector<16xi32>, vector<16xi32>], vector<16xi32>,
          %bitcast3A_507 = vector.bitcast %gather3A_505 : vector<16xi32> to vector<32xbf16>
          %bitcast3A_508 = vector.bitcast %gather3A_506 : vector<16xi32> to vector<32xbf16>
          %mul3A_509 = arith.mulf %bitcast3A_507, %bitcast3A_508 : vector<32xbf16>
          %unpack3A_510 = tpu.unpack_subelements %mul3A_509, 0 {pack_format = #tpu.pack_format<interleaved>} : vector<32xbf16> -> vector<16xf32>
          %unpack3A_511 = tpu.unpack_subelements %mul3A_509, 1 {pack_format = #tpu.pack_format<interleaved>} : vector<32xbf16> -> vector<16xf32>
          %add3A_512 = arith.addf %unpack3A_510, %unpack3A_511 : vector<16xf32>
          %add3A_513 = arith.addf %add3A_459, %add3A_512 : vector<16xf32>
          %add3A_514 = arith.constant 3 : i32
          %add3A_515 = arith.addi %mul3A_476, %add3A_514 : i32
          %xor3A_516 = vector.broadcast %add3A_515 : i32 to vector<16xi32>
          %xor3A_517 = arith.xori %xor3A_516, %iota3A : vector<16xi32>
          %gather3A_518 = tpu.vector_load_idx %arg7[%add3A_241, %xor3A_517] : memref<80x64xi32, #tpu.memory_space<vmem>>[vector<16xi32>, vector<16xi32>], vector<16xi32>,
          %gather3A_519 = tpu.vector_load_idx %arg8[%add3A_241, %xor3A_517] : memref<80x64xi32, #tpu.memory_space<vmem>>[vector<16xi32>, vector<16xi32>], vector<16xi32>,
          %bitcast3A_520 = vector.bitcast %gather3A_518 : vector<16xi32> to vector<32xbf16>
          %bitcast3A_521 = vector.bitcast %gather3A_519 : vector<16xi32> to vector<32xbf16>
          %mul3A_522 = arith.mulf %bitcast3A_520, %bitcast3A_521 : vector<32xbf16>
          %unpack3A_523 = tpu.unpack_subelements %mul3A_522, 0 {pack_format = #tpu.pack_format<interleaved>} : vector<32xbf16> -> vector<16xf32>
          %unpack3A_524 = tpu.unpack_subelements %mul3A_522, 1 {pack_format = #tpu.pack_format<interleaved>} : vector<32xbf16> -> vector<16xf32>
          %add3A_525 = arith.addf %unpack3A_523, %unpack3A_524 : vector<16xf32>
          %add3A_526 = arith.addf %add3A_472, %add3A_525 : vector<16xf32>
          %scan3A_527 = arith.constant 5 : i32
          %scan3A_528 = arith.addi %scan3A_258, %scan3A_527 : i32
          %mul3A_529 = arith.constant 4 : i32
          %mul3A_530 = arith.muli %scan3A_528, %mul3A_529 : i32
          %xor3A_531 = vector.broadcast %mul3A_530 : i32 to vector<16xi32>
          %xor3A_532 = arith.xori %xor3A_531, %iota3A : vector<16xi32>
          %gather3A_533 = tpu.vector_load_idx %arg7[%add3A_241, %xor3A_532] : memref<80x64xi32, #tpu.memory_space<vmem>>[vector<16xi32>, vector<16xi32>], vector<16xi32>,
          %gather3A_534 = tpu.vector_load_idx %arg8[%add3A_241, %xor3A_532] : memref<80x64xi32, #tpu.memory_space<vmem>>[vector<16xi32>, vector<16xi32>], vector<16xi32>,
          %bitcast3A_535 = vector.bitcast %gather3A_533 : vector<16xi32> to vector<32xbf16>
          %bitcast3A_536 = vector.bitcast %gather3A_534 : vector<16xi32> to vector<32xbf16>
          %mul3A_537 = arith.mulf %bitcast3A_535, %bitcast3A_536 : vector<32xbf16>
          %unpack3A_538 = tpu.unpack_subelements %mul3A_537, 0 {pack_format = #tpu.pack_format<interleaved>} : vector<32xbf16> -> vector<16xf32>
          %unpack3A_539 = tpu.unpack_subelements %mul3A_537, 1 {pack_format = #tpu.pack_format<interleaved>} : vector<32xbf16> -> vector<16xf32>
          %add3A_540 = arith.addf %unpack3A_538, %unpack3A_539 : vector<16xf32>
          %add3A_541 = arith.addf %add3A_487, %add3A_540 : vector<16xf32>
          %add3A_542 = arith.constant 1 : i32
          %add3A_543 = arith.addi %mul3A_530, %add3A_542 : i32
          %xor3A_544 = vector.broadcast %add3A_543 : i32 to vector<16xi32>
          %xor3A_545 = arith.xori %xor3A_544, %iota3A : vector<16xi32>
          %gather3A_546 = tpu.vector_load_idx %arg7[%add3A_241, %xor3A_545] : memref<80x64xi32, #tpu.memory_space<vmem>>[vector<16xi32>, vector<16xi32>], vector<16xi32>,
          %gather3A_547 = tpu.vector_load_idx %arg8[%add3A_241, %xor3A_545] : memref<80x64xi32, #tpu.memory_space<vmem>>[vector<16xi32>, vector<16xi32>], vector<16xi32>,
          %bitcast3A_548 = vector.bitcast %gather3A_546 : vector<16xi32> to vector<32xbf16>
          %bitcast3A_549 = vector.bitcast %gather3A_547 : vector<16xi32> to vector<32xbf16>
          %mul3A_550 = arith.mulf %bitcast3A_548, %bitcast3A_549 : vector<32xbf16>
          %unpack3A_551 = tpu.unpack_subelements %mul3A_550, 0 {pack_format = #tpu.pack_format<interleaved>} : vector<32xbf16> -> vector<16xf32>
          %unpack3A_552 = tpu.unpack_subelements %mul3A_550, 1 {pack_format = #tpu.pack_format<interleaved>} : vector<32xbf16> -> vector<16xf32>
          %add3A_553 = arith.addf %unpack3A_551, %unpack3A_552 : vector<16xf32>
          %add3A_554 = arith.addf %add3A_500, %add3A_553 : vector<16xf32>
          %add3A_555 = arith.constant 2 : i32
          %add3A_556 = arith.addi %mul3A_530, %add3A_555 : i32
          %xor3A_557 = vector.broadcast %add3A_556 : i32 to vector<16xi32>
          %xor3A_558 = arith.xori %xor3A_557, %iota3A : vector<16xi32>
          %gather3A_559 = tpu.vector_load_idx %arg7[%add3A_241, %xor3A_558] : memref<80x64xi32, #tpu.memory_space<vmem>>[vector<16xi32>, vector<16xi32>], vector<16xi32>,
          %gather3A_560 = tpu.vector_load_idx %arg8[%add3A_241, %xor3A_558] : memref<80x64xi32, #tpu.memory_space<vmem>>[vector<16xi32>, vector<16xi32>], vector<16xi32>,
          %bitcast3A_561 = vector.bitcast %gather3A_559 : vector<16xi32> to vector<32xbf16>
          %bitcast3A_562 = vector.bitcast %gather3A_560 : vector<16xi32> to vector<32xbf16>
          %mul3A_563 = arith.mulf %bitcast3A_561, %bitcast3A_562 : vector<32xbf16>
          %unpack3A_564 = tpu.unpack_subelements %mul3A_563, 0 {pack_format = #tpu.pack_format<interleaved>} : vector<32xbf16> -> vector<16xf32>
          %unpack3A_565 = tpu.unpack_subelements %mul3A_563, 1 {pack_format = #tpu.pack_format<interleaved>} : vector<32xbf16> -> vector<16xf32>
          %add3A_566 = arith.addf %unpack3A_564, %unpack3A_565 : vector<16xf32>
          %add3A_567 = arith.addf %add3A_513, %add3A_566 : vector<16xf32>
          %add3A_568 = arith.constant 3 : i32
          %add3A_569 = arith.addi %mul3A_530, %add3A_568 : i32
          %xor3A_570 = vector.broadcast %add3A_569 : i32 to vector<16xi32>
          %xor3A_571 = arith.xori %xor3A_570, %iota3A : vector<16xi32>
          %gather3A_572 = tpu.vector_load_idx %arg7[%add3A_241, %xor3A_571] : memref<80x64xi32, #tpu.memory_space<vmem>>[vector<16xi32>, vector<16xi32>], vector<16xi32>,
          %gather3A_573 = tpu.vector_load_idx %arg8[%add3A_241, %xor3A_571] : memref<80x64xi32, #tpu.memory_space<vmem>>[vector<16xi32>, vector<16xi32>], vector<16xi32>,
          %bitcast3A_574 = vector.bitcast %gather3A_572 : vector<16xi32> to vector<32xbf16>
          %bitcast3A_575 = vector.bitcast %gather3A_573 : vector<16xi32> to vector<32xbf16>
          %mul3A_576 = arith.mulf %bitcast3A_574, %bitcast3A_575 : vector<32xbf16>
          %unpack3A_577 = tpu.unpack_subelements %mul3A_576, 0 {pack_format = #tpu.pack_format<interleaved>} : vector<32xbf16> -> vector<16xf32>
          %unpack3A_578 = tpu.unpack_subelements %mul3A_576, 1 {pack_format = #tpu.pack_format<interleaved>} : vector<32xbf16> -> vector<16xf32>
          %add3A_579 = arith.addf %unpack3A_577, %unpack3A_578 : vector<16xf32>
          %add3A_580 = arith.addf %add3A_526, %add3A_579 : vector<16xf32>
          %scan3A_581 = arith.constant 6 : i32
          %scan3A_582 = arith.addi %scan3A_258, %scan3A_581 : i32
          %mul3A_583 = arith.constant 4 : i32
          %mul3A_584 = arith.muli %scan3A_582, %mul3A_583 : i32
          %xor3A_585 = vector.broadcast %mul3A_584 : i32 to vector<16xi32>
          %xor3A_586 = arith.xori %xor3A_585, %iota3A : vector<16xi32>
          %gather3A_587 = tpu.vector_load_idx %arg7[%add3A_241, %xor3A_586] : memref<80x64xi32, #tpu.memory_space<vmem>>[vector<16xi32>, vector<16xi32>], vector<16xi32>,
          %gather3A_588 = tpu.vector_load_idx %arg8[%add3A_241, %xor3A_586] : memref<80x64xi32, #tpu.memory_space<vmem>>[vector<16xi32>, vector<16xi32>], vector<16xi32>,
          %bitcast3A_589 = vector.bitcast %gather3A_587 : vector<16xi32> to vector<32xbf16>
          %bitcast3A_590 = vector.bitcast %gather3A_588 : vector<16xi32> to vector<32xbf16>
          %mul3A_591 = arith.mulf %bitcast3A_589, %bitcast3A_590 : vector<32xbf16>
          %unpack3A_592 = tpu.unpack_subelements %mul3A_591, 0 {pack_format = #tpu.pack_format<interleaved>} : vector<32xbf16> -> vector<16xf32>
          %unpack3A_593 = tpu.unpack_subelements %mul3A_591, 1 {pack_format = #tpu.pack_format<interleaved>} : vector<32xbf16> -> vector<16xf32>
          %add3A_594 = arith.addf %unpack3A_592, %unpack3A_593 : vector<16xf32>
          %add3A_595 = arith.addf %add3A_541, %add3A_594 : vector<16xf32>
          %add3A_596 = arith.constant 1 : i32
          %add3A_597 = arith.addi %mul3A_584, %add3A_596 : i32
          %xor3A_598 = vector.broadcast %add3A_597 : i32 to vector<16xi32>
          %xor3A_599 = arith.xori %xor3A_598, %iota3A : vector<16xi32>
          %gather3A_600 = tpu.vector_load_idx %arg7[%add3A_241, %xor3A_599] : memref<80x64xi32, #tpu.memory_space<vmem>>[vector<16xi32>, vector<16xi32>], vector<16xi32>,
          %gather3A_601 = tpu.vector_load_idx %arg8[%add3A_241, %xor3A_599] : memref<80x64xi32, #tpu.memory_space<vmem>>[vector<16xi32>, vector<16xi32>], vector<16xi32>,
          %bitcast3A_602 = vector.bitcast %gather3A_600 : vector<16xi32> to vector<32xbf16>
          %bitcast3A_603 = vector.bitcast %gather3A_601 : vector<16xi32> to vector<32xbf16>
          %mul3A_604 = arith.mulf %bitcast3A_602, %bitcast3A_603 : vector<32xbf16>
          %unpack3A_605 = tpu.unpack_subelements %mul3A_604, 0 {pack_format = #tpu.pack_format<interleaved>} : vector<32xbf16> -> vector<16xf32>
          %unpack3A_606 = tpu.unpack_subelements %mul3A_604, 1 {pack_format = #tpu.pack_format<interleaved>} : vector<32xbf16> -> vector<16xf32>
          %add3A_607 = arith.addf %unpack3A_605, %unpack3A_606 : vector<16xf32>
          %add3A_608 = arith.addf %add3A_554, %add3A_607 : vector<16xf32>
          %add3A_609 = arith.constant 2 : i32
          %add3A_610 = arith.addi %mul3A_584, %add3A_609 : i32
          %xor3A_611 = vector.broadcast %add3A_610 : i32 to vector<16xi32>
          %xor3A_612 = arith.xori %xor3A_611, %iota3A : vector<16xi32>
          %gather3A_613 = tpu.vector_load_idx %arg7[%add3A_241, %xor3A_612] : memref<80x64xi32, #tpu.memory_space<vmem>>[vector<16xi32>, vector<16xi32>], vector<16xi32>,
          %gather3A_614 = tpu.vector_load_idx %arg8[%add3A_241, %xor3A_612] : memref<80x64xi32, #tpu.memory_space<vmem>>[vector<16xi32>, vector<16xi32>], vector<16xi32>,
          %bitcast3A_615 = vector.bitcast %gather3A_613 : vector<16xi32> to vector<32xbf16>
          %bitcast3A_616 = vector.bitcast %gather3A_614 : vector<16xi32> to vector<32xbf16>
          %mul3A_617 = arith.mulf %bitcast3A_615, %bitcast3A_616 : vector<32xbf16>
          %unpack3A_618 = tpu.unpack_subelements %mul3A_617, 0 {pack_format = #tpu.pack_format<interleaved>} : vector<32xbf16> -> vector<16xf32>
          %unpack3A_619 = tpu.unpack_subelements %mul3A_617, 1 {pack_format = #tpu.pack_format<interleaved>} : vector<32xbf16> -> vector<16xf32>
          %add3A_620 = arith.addf %unpack3A_618, %unpack3A_619 : vector<16xf32>
          %add3A_621 = arith.addf %add3A_567, %add3A_620 : vector<16xf32>
          %add3A_622 = arith.constant 3 : i32
          %add3A_623 = arith.addi %mul3A_584, %add3A_622 : i32
          %xor3A_624 = vector.broadcast %add3A_623 : i32 to vector<16xi32>
          %xor3A_625 = arith.xori %xor3A_624, %iota3A : vector<16xi32>
          %gather3A_626 = tpu.vector_load_idx %arg7[%add3A_241, %xor3A_625] : memref<80x64xi32, #tpu.memory_space<vmem>>[vector<16xi32>, vector<16xi32>], vector<16xi32>,
          %gather3A_627 = tpu.vector_load_idx %arg8[%add3A_241, %xor3A_625] : memref<80x64xi32, #tpu.memory_space<vmem>>[vector<16xi32>, vector<16xi32>], vector<16xi32>,
          %bitcast3A_628 = vector.bitcast %gather3A_626 : vector<16xi32> to vector<32xbf16>
          %bitcast3A_629 = vector.bitcast %gather3A_627 : vector<16xi32> to vector<32xbf16>
          %mul3A_630 = arith.mulf %bitcast3A_628, %bitcast3A_629 : vector<32xbf16>
          %unpack3A_631 = tpu.unpack_subelements %mul3A_630, 0 {pack_format = #tpu.pack_format<interleaved>} : vector<32xbf16> -> vector<16xf32>
          %unpack3A_632 = tpu.unpack_subelements %mul3A_630, 1 {pack_format = #tpu.pack_format<interleaved>} : vector<32xbf16> -> vector<16xf32>
          %add3A_633 = arith.addf %unpack3A_631, %unpack3A_632 : vector<16xf32>
          %add3A_634 = arith.addf %add3A_580, %add3A_633 : vector<16xf32>
          %scan3A_635 = arith.constant 7 : i32
          %scan3A_636 = arith.addi %scan3A_258, %scan3A_635 : i32
          %mul3A_637 = arith.constant 4 : i32
          %mul3A_638 = arith.muli %scan3A_636, %mul3A_637 : i32
          %xor3A_639 = vector.broadcast %mul3A_638 : i32 to vector<16xi32>
          %xor3A_640 = arith.xori %xor3A_639, %iota3A : vector<16xi32>
          %gather3A_641 = tpu.vector_load_idx %arg7[%add3A_241, %xor3A_640] : memref<80x64xi32, #tpu.memory_space<vmem>>[vector<16xi32>, vector<16xi32>], vector<16xi32>,
          %gather3A_642 = tpu.vector_load_idx %arg8[%add3A_241, %xor3A_640] : memref<80x64xi32, #tpu.memory_space<vmem>>[vector<16xi32>, vector<16xi32>], vector<16xi32>,
          %bitcast3A_643 = vector.bitcast %gather3A_641 : vector<16xi32> to vector<32xbf16>
          %bitcast3A_644 = vector.bitcast %gather3A_642 : vector<16xi32> to vector<32xbf16>
          %mul3A_645 = arith.mulf %bitcast3A_643, %bitcast3A_644 : vector<32xbf16>
          %unpack3A_646 = tpu.unpack_subelements %mul3A_645, 0 {pack_format = #tpu.pack_format<interleaved>} : vector<32xbf16> -> vector<16xf32>
          %unpack3A_647 = tpu.unpack_subelements %mul3A_645, 1 {pack_format = #tpu.pack_format<interleaved>} : vector<32xbf16> -> vector<16xf32>
          %add3A_648 = arith.addf %unpack3A_646, %unpack3A_647 : vector<16xf32>
          %add3A_649 = arith.addf %add3A_595, %add3A_648 : vector<16xf32>
          %add3A_650 = arith.constant 1 : i32
          %add3A_651 = arith.addi %mul3A_638, %add3A_650 : i32
          %xor3A_652 = vector.broadcast %add3A_651 : i32 to vector<16xi32>
          %xor3A_653 = arith.xori %xor3A_652, %iota3A : vector<16xi32>
          %gather3A_654 = tpu.vector_load_idx %arg7[%add3A_241, %xor3A_653] : memref<80x64xi32, #tpu.memory_space<vmem>>[vector<16xi32>, vector<16xi32>], vector<16xi32>,
          %gather3A_655 = tpu.vector_load_idx %arg8[%add3A_241, %xor3A_653] : memref<80x64xi32, #tpu.memory_space<vmem>>[vector<16xi32>, vector<16xi32>], vector<16xi32>,
          %bitcast3A_656 = vector.bitcast %gather3A_654 : vector<16xi32> to vector<32xbf16>
          %bitcast3A_657 = vector.bitcast %gather3A_655 : vector<16xi32> to vector<32xbf16>
          %mul3A_658 = arith.mulf %bitcast3A_656, %bitcast3A_657 : vector<32xbf16>
          %unpack3A_659 = tpu.unpack_subelements %mul3A_658, 0 {pack_format = #tpu.pack_format<interleaved>} : vector<32xbf16> -> vector<16xf32>
          %unpack3A_660 = tpu.unpack_subelements %mul3A_658, 1 {pack_format = #tpu.pack_format<interleaved>} : vector<32xbf16> -> vector<16xf32>
          %add3A_661 = arith.addf %unpack3A_659, %unpack3A_660 : vector<16xf32>
          %add3A_662 = arith.addf %add3A_608, %add3A_661 : vector<16xf32>
          %add3A_663 = arith.constant 2 : i32
          %add3A_664 = arith.addi %mul3A_638, %add3A_663 : i32
          %xor3A_665 = vector.broadcast %add3A_664 : i32 to vector<16xi32>
          %xor3A_666 = arith.xori %xor3A_665, %iota3A : vector<16xi32>
          %gather3A_667 = tpu.vector_load_idx %arg7[%add3A_241, %xor3A_666] : memref<80x64xi32, #tpu.memory_space<vmem>>[vector<16xi32>, vector<16xi32>], vector<16xi32>,
          %gather3A_668 = tpu.vector_load_idx %arg8[%add3A_241, %xor3A_666] : memref<80x64xi32, #tpu.memory_space<vmem>>[vector<16xi32>, vector<16xi32>], vector<16xi32>,
          %bitcast3A_669 = vector.bitcast %gather3A_667 : vector<16xi32> to vector<32xbf16>
          %bitcast3A_670 = vector.bitcast %gather3A_668 : vector<16xi32> to vector<32xbf16>
          %mul3A_671 = arith.mulf %bitcast3A_669, %bitcast3A_670 : vector<32xbf16>
          %unpack3A_672 = tpu.unpack_subelements %mul3A_671, 0 {pack_format = #tpu.pack_format<interleaved>} : vector<32xbf16> -> vector<16xf32>
          %unpack3A_673 = tpu.unpack_subelements %mul3A_671, 1 {pack_format = #tpu.pack_format<interleaved>} : vector<32xbf16> -> vector<16xf32>
          %add3A_674 = arith.addf %unpack3A_672, %unpack3A_673 : vector<16xf32>
          %add3A_675 = arith.addf %add3A_621, %add3A_674 : vector<16xf32>
          %add3A_676 = arith.constant 3 : i32
          %add3A_677 = arith.addi %mul3A_638, %add3A_676 : i32
          %xor3A_678 = vector.broadcast %add3A_677 : i32 to vector<16xi32>
          %xor3A_679 = arith.xori %xor3A_678, %iota3A : vector<16xi32>
          %gather3A_680 = tpu.vector_load_idx %arg7[%add3A_241, %xor3A_679] : memref<80x64xi32, #tpu.memory_space<vmem>>[vector<16xi32>, vector<16xi32>], vector<16xi32>,
          %gather3A_681 = tpu.vector_load_idx %arg8[%add3A_241, %xor3A_679] : memref<80x64xi32, #tpu.memory_space<vmem>>[vector<16xi32>, vector<16xi32>], vector<16xi32>,
          %bitcast3A_682 = vector.bitcast %gather3A_680 : vector<16xi32> to vector<32xbf16>
          %bitcast3A_683 = vector.bitcast %gather3A_681 : vector<16xi32> to vector<32xbf16>
          %mul3A_684 = arith.mulf %bitcast3A_682, %bitcast3A_683 : vector<32xbf16>
          %unpack3A_685 = tpu.unpack_subelements %mul3A_684, 0 {pack_format = #tpu.pack_format<interleaved>} : vector<32xbf16> -> vector<16xf32>
          %unpack3A_686 = tpu.unpack_subelements %mul3A_684, 1 {pack_format = #tpu.pack_format<interleaved>} : vector<32xbf16> -> vector<16xf32>
          %add3A_687 = arith.addf %unpack3A_685, %unpack3A_686 : vector<16xf32>
          %add3A_688 = arith.addf %add3A_634, %add3A_687 : vector<16xf32>
          scf.yield %add3A_649, %add3A_662, %add3A_675, %add3A_688 : vector<16xf32>, vector<16xf32>, vector<16xf32>, vector<16xf32>
        }
        %scan3A_248 = arith.constant 16 : i32
        %add3A_249 = arith.addf %scan3A_247#0, %scan3A_247#1 : vector<16xf32>
        %add3A_250 = arith.addf %scan3A_247#2, %scan3A_247#3 : vector<16xf32>
        %add3A_251 = arith.addf %add3A_249, %add3A_250 : vector<16xf32>
        %mul3A_252 = arith.constant 80 : i32
        %mul3A_253 = arith.muli %mul3A_80, %mul3A_252 : i32
        %mul3A_254 = arith.constant 16 : i32
        %mul3A_255 = arith.muli %scan3A_237, %mul3A_254 : i32
        %add3A_256 = arith.addi %mul3A_253, %mul3A_255 : i32
        %swap3A = arith.index_cast %add3A_256 : i32 to index
        %swap3A_257 = tpu.vector_load %arg11[%swap3A] {strides = array<i32>} : memref<10000xf32, #tpu.memory_space<vmem>>, vector<16xf32>,
        tpu.vector_store %arg11[%swap3A], %add3A_251 {strides = array<i32>} : memref<10000xf32, #tpu.memory_space<vmem>>, vector<16xf32>,
      }
      %scan3A_156 = arith.constant 5 : i32
      %add3A_157 = arith.constant 2 : i32
      %add3A_158 = arith.addi %mul3A_80, %add3A_157 : i32
      %mul3A_159 = arith.constant 80 : i32
      %mul3A_160 = arith.muli %add3A_158, %mul3A_159 : i32
      %dma_start3A_161 = arith.constant 0 : i32
      %dma_start3A_162 = arith.constant 0 : i32
      %dma_start3A_163 = tpu.memref_slice %arg7[%dma_start3A_161, %dma_start3A_162] : memref<80x64xi32, #tpu.memory_space<vmem>> -> memref<40x64xi32, #tpu.memory_space<vmem>>
      %dma_start3A_164 = tpu.memref_slice %arg5[%mul3A_160] : memref<10000xi32, #tpu.memory_space<vmem>> -> memref<40xi32, #tpu.memory_space<vmem>>
      %dma_start3A_165 = arith.constant 0 : i32
      %dma_start3A_166 = arith.constant 0 : i32
      %dma_start3A_167 = tpu.memref_slice %arg2[%dma_start3A_165, %dma_start3A_166] : memref<10000x64xi32, #tpu.memory_space<hbm>> -> memref<10000x64xi32, #tpu.memory_space<hbm>>
      tpu.enqueue_indirect_dma source(%dma_start3A_167 : memref<10000x64xi32, #tpu.memory_space<hbm>>) target(%dma_start3A_163 : memref<40x64xi32, #tpu.memory_space<vmem>>) offsets(%dma_start3A_164 : memref<40xi32, #tpu.memory_space<vmem>>) semaphore(%arg12 : memref<!tpu.dma_semaphore, #tpu.memory_space<semaphore_mem>>)
      %add3A_168 = arith.constant 40 : i32
      %add3A_169 = arith.addi %mul3A_160, %add3A_168 : i32
      %dma_start3A_170 = arith.constant 40 : i32
      %dma_start3A_171 = arith.constant 0 : i32
      %dma_start3A_172 = tpu.memref_slice %arg7[%dma_start3A_170, %dma_start3A_171] : memref<80x64xi32, #tpu.memory_space<vmem>> -> memref<40x64xi32, #tpu.memory_space<vmem>>
      %dma_start3A_173 = tpu.memref_slice %arg5[%add3A_169] : memref<10000xi32, #tpu.memory_space<vmem>> -> memref<40xi32, #tpu.memory_space<vmem>>
      %dma_start3A_174 = arith.constant 0 : i32
      %dma_start3A_175 = arith.constant 0 : i32
      %dma_start3A_176 = tpu.memref_slice %arg2[%dma_start3A_174, %dma_start3A_175] : memref<10000x64xi32, #tpu.memory_space<hbm>> -> memref<10000x64xi32, #tpu.memory_space<hbm>>
      tpu.enqueue_indirect_dma source(%dma_start3A_176 : memref<10000x64xi32, #tpu.memory_space<hbm>>) target(%dma_start3A_172 : memref<40x64xi32, #tpu.memory_space<vmem>>) offsets(%dma_start3A_173 : memref<40xi32, #tpu.memory_space<vmem>>) semaphore(%arg12 : memref<!tpu.dma_semaphore, #tpu.memory_space<semaphore_mem>>)
      %dma_start3A_177 = arith.constant 0 : i32
      %dma_start3A_178 = arith.constant 0 : i32
      %dma_start3A_179 = tpu.memref_slice %arg8[%dma_start3A_177, %dma_start3A_178] : memref<80x64xi32, #tpu.memory_space<vmem>> -> memref<40x64xi32, #tpu.memory_space<vmem>>
      %dma_start3A_180 = tpu.memref_slice %arg6[%mul3A_160] : memref<10000xi32, #tpu.memory_space<vmem>> -> memref<40xi32, #tpu.memory_space<vmem>>
      %dma_start3A_181 = arith.constant 0 : i32
      %dma_start3A_182 = arith.constant 0 : i32
      %dma_start3A_183 = tpu.memref_slice %arg2[%dma_start3A_181, %dma_start3A_182] : memref<10000x64xi32, #tpu.memory_space<hbm>> -> memref<10000x64xi32, #tpu.memory_space<hbm>>
      tpu.enqueue_indirect_dma source(%dma_start3A_183 : memref<10000x64xi32, #tpu.memory_space<hbm>>) target(%dma_start3A_179 : memref<40x64xi32, #tpu.memory_space<vmem>>) offsets(%dma_start3A_180 : memref<40xi32, #tpu.memory_space<vmem>>) semaphore(%arg13 : memref<!tpu.dma_semaphore, #tpu.memory_space<semaphore_mem>>)
      %add3A_184 = arith.constant 40 : i32
      %add3A_185 = arith.addi %mul3A_160, %add3A_184 : i32
      %dma_start3A_186 = arith.constant 40 : i32
      %dma_start3A_187 = arith.constant 0 : i32
      %dma_start3A_188 = tpu.memref_slice %arg8[%dma_start3A_186, %dma_start3A_187] : memref<80x64xi32, #tpu.memory_space<vmem>> -> memref<40x64xi32, #tpu.memory_space<vmem>>
      %dma_start3A_189 = tpu.memref_slice %arg6[%add3A_185] : memref<10000xi32, #tpu.memory_space<vmem>> -> memref<40xi32, #tpu.memory_space<vmem>>
      %dma_start3A_190 = arith.constant 0 : i32
      %dma_start3A_191 = arith.constant 0 : i32
      %dma_start3A_192 = tpu.memref_slice %arg2[%dma_start3A_190, %dma_start3A_191] : memref<10000x64xi32, #tpu.memory_space<hbm>> -> memref<10000x64xi32, #tpu.memory_space<hbm>>
      tpu.enqueue_indirect_dma source(%dma_start3A_192 : memref<10000x64xi32, #tpu.memory_space<hbm>>) target(%dma_start3A_188 : memref<40x64xi32, #tpu.memory_space<vmem>>) offsets(%dma_start3A_189 : memref<40xi32, #tpu.memory_space<vmem>>) semaphore(%arg13 : memref<!tpu.dma_semaphore, #tpu.memory_space<semaphore_mem>>)
      %add3A_193 = arith.constant 1 : i32
      %add3A_194 = arith.addi %mul3A_80, %add3A_193 : i32
      %mul3A_195 = arith.constant 80 : i32
      %mul3A_196 = arith.muli %add3A_194, %mul3A_195 : i32
      %dma_wait3A_197 = arith.constant 0 : i32
      %dma_wait3A_198 = arith.constant 0 : i32
      %dma_wait3A_199 = tpu.memref_slice %arg9[%dma_wait3A_197, %dma_wait3A_198] : memref<80x64xi32, #tpu.memory_space<vmem>> -> memref<40x64xi32, #tpu.memory_space<vmem>>
      %dma_wait3A_200 = tpu.memref_slice %arg5[%mul3A_196] : memref<10000xi32, #tpu.memory_space<vmem>> -> memref<40xi32, #tpu.memory_space<vmem>>
      %dma_wait3A_201 = arith.constant 0 : i32
      %dma_wait3A_202 = arith.constant 0 : i32
      %dma_wait3A_203 = tpu.memref_slice %arg2[%dma_wait3A_201, %dma_wait3A_202] : memref<10000x64xi32, #tpu.memory_space<hbm>> -> memref<10000x64xi32, #tpu.memory_space<hbm>>
      tpu.wait_indirect_dma semaphore(%arg14 : memref<!tpu.dma_semaphore, #tpu.memory_space<semaphore_mem>>) src(%dma_wait3A_203 : memref<10000x64xi32, #tpu.memory_space<hbm>>) dst(%dma_wait3A_199 : memref<40x64xi32, #tpu.memory_space<vmem>>)
      %add3A_204 = arith.constant 40 : i32
      %add3A_205 = arith.addi %mul3A_196, %add3A_204 : i32
      %dma_wait3A_206 = arith.constant 40 : i32
      %dma_wait3A_207 = arith.constant 0 : i32
      %dma_wait3A_208 = tpu.memref_slice %arg9[%dma_wait3A_206, %dma_wait3A_207] : memref<80x64xi32, #tpu.memory_space<vmem>> -> memref<40x64xi32, #tpu.memory_space<vmem>>
      %dma_wait3A_209 = tpu.memref_slice %arg5[%add3A_205] : memref<10000xi32, #tpu.memory_space<vmem>> -> memref<40xi32, #tpu.memory_space<vmem>>
      %dma_wait3A_210 = arith.constant 0 : i32
      %dma_wait3A_211 = arith.constant 0 : i32
      %dma_wait3A_212 = tpu.memref_slice %arg2[%dma_wait3A_210, %dma_wait3A_211] : memref<10000x64xi32, #tpu.memory_space<hbm>> -> memref<10000x64xi32, #tpu.memory_space<hbm>>
      tpu.wait_indirect_dma semaphore(%arg14 : memref<!tpu.dma_semaphore, #tpu.memory_space<semaphore_mem>>) src(%dma_wait3A_212 : memref<10000x64xi32, #tpu.memory_space<hbm>>) dst(%dma_wait3A_208 : memref<40x64xi32, #tpu.memory_space<vmem>>)
      %dma_wait3A_213 = arith.constant 0 : i32
      %dma_wait3A_214 = arith.constant 0 : i32
      %dma_wait3A_215 = tpu.memref_slice %arg10[%dma_wait3A_213, %dma_wait3A_214] : memref<80x64xi32, #tpu.memory_space<vmem>> -> memref<40x64xi32, #tpu.memory_space<vmem>>
      %dma_wait3A_216 = tpu.memref_slice %arg6[%mul3A_196] : memref<10000xi32, #tpu.memory_space<vmem>> -> memref<40xi32, #tpu.memory_space<vmem>>
      %dma_wait3A_217 = arith.constant 0 : i32
      %dma_wait3A_218 = arith.constant 0 : i32
      %dma_wait3A_219 = tpu.memref_slice %arg2[%dma_wait3A_217, %dma_wait3A_218] : memref<10000x64xi32, #tpu.memory_space<hbm>> -> memref<10000x64xi32, #tpu.memory_space<hbm>>
      tpu.wait_indirect_dma semaphore(%arg15 : memref<!tpu.dma_semaphore, #tpu.memory_space<semaphore_mem>>) src(%dma_wait3A_219 : memref<10000x64xi32, #tpu.memory_space<hbm>>) dst(%dma_wait3A_215 : memref<40x64xi32, #tpu.memory_space<vmem>>)
      %add3A_220 = arith.constant 40 : i32
      %add3A_221 = arith.addi %mul3A_196, %add3A_220 : i32
      %dma_wait3A_222 = arith.constant 40 : i32
      %dma_wait3A_223 = arith.constant 0 : i32
      %dma_wait3A_224 = tpu.memref_slice %arg10[%dma_wait3A_222, %dma_wait3A_223] : memref<80x64xi32, #tpu.memory_space<vmem>> -> memref<40x64xi32, #tpu.memory_space<vmem>>
      %dma_wait3A_225 = tpu.memref_slice %arg6[%add3A_221] : memref<10000xi32, #tpu.memory_space<vmem>> -> memref<40xi32, #tpu.memory_space<vmem>>
      %dma_wait3A_226 = arith.constant 0 : i32
      %dma_wait3A_227 = arith.constant 0 : i32
      %dma_wait3A_228 = tpu.memref_slice %arg2[%dma_wait3A_226, %dma_wait3A_227] : memref<10000x64xi32, #tpu.memory_space<hbm>> -> memref<10000x64xi32, #tpu.memory_space<hbm>>
      tpu.wait_indirect_dma semaphore(%arg15 : memref<!tpu.dma_semaphore, #tpu.memory_space<semaphore_mem>>) src(%dma_wait3A_228 : memref<10000x64xi32, #tpu.memory_space<hbm>>) dst(%dma_wait3A_224 : memref<40x64xi32, #tpu.memory_space<vmem>>)
      %add3A_229 = arith.constant 1 : i32
      %add3A_230 = arith.addi %mul3A_80, %add3A_229 : i32
      %scan3A_231 = arith.constant 0 : i32
      %scan3A_232 = arith.constant 0 : i32
      %scan3A_233 = arith.constant 5 : i32
      %scan3A_234 = arith.addi %scan3A_232, %scan3A_233 : i32
      %scan3A_235 = arith.constant 1 : i32
      scf.for %scan3A_237 = %scan3A_232 to %scan3A_234 step %scan3A_235  : i32 {
        %mul3A_238 = arith.constant 16 : i32
        %mul3A_239 = arith.muli %scan3A_237, %mul3A_238 : i32
        %add3A_240 = vector.broadcast %mul3A_239 : i32 to vector<16xi32>
        %add3A_241 = arith.addi %add3A_240, %iota3A : vector<16xi32>
        %broadcast_in_dim3A = arith.constant 0.000000e+00 : f32
        %broadcast_in_dim3A_242 = vector.broadcast %broadcast_in_dim3A : f32 to vector<16xf32>
        %scan3A_243 = arith.constant 0 : i32
        %scan3A_244 = arith.constant 16 : i32
        %scan3A_245 = arith.addi %scan3A_243, %scan3A_244 : i32
        %scan3A_246 = arith.constant 8 : i32
        %scan3A_247:4 = scf.for %scan3A_258 = %scan3A_243 to %scan3A_245 step %scan3A_246 iter_args(%scan3A_259 = %broadcast_in_dim3A_242, %scan3A_260 = %broadcast_in_dim3A_242, %scan3A_261 = %broadcast_in_dim3A_242, %scan3A_262 = %broadcast_in_dim3A_242) -> (vector<16xf32>, vector<16xf32>, vector<16xf32>, vector<16xf32>)  : i32 {
          %mul3A_263 = arith.constant 4 : i32
          %mul3A_264 = arith.muli %scan3A_258, %mul3A_263 : i32
          %xor3A = vector.broadcast %mul3A_264 : i32 to vector<16xi32>
          %xor3A_265 = arith.xori %xor3A, %iota3A : vector<16xi32>
          %gather3A = tpu.vector_load_idx %arg9[%add3A_241, %xor3A_265] : memref<80x64xi32, #tpu.memory_space<vmem>>[vector<16xi32>, vector<16xi32>], vector<16xi32>,
          %gather3A_266 = tpu.vector_load_idx %arg10[%add3A_241, %xor3A_265] : memref<80x64xi32, #tpu.memory_space<vmem>>[vector<16xi32>, vector<16xi32>], vector<16xi32>,
          %bitcast3A = vector.bitcast %gather3A : vector<16xi32> to vector<32xbf16>
          %bitcast3A_267 = vector.bitcast %gather3A_266 : vector<16xi32> to vector<32xbf16>
          %mul3A_268 = arith.mulf %bitcast3A, %bitcast3A_267 : vector<32xbf16>
          %unpack3A = tpu.unpack_subelements %mul3A_268, 0 {pack_format = #tpu.pack_format<interleaved>} : vector<32xbf16> -> vector<16xf32>
          %unpack3A_269 = tpu.unpack_subelements %mul3A_268, 1 {pack_format = #tpu.pack_format<interleaved>} : vector<32xbf16> -> vector<16xf32>
          %add3A_270 = arith.addf %unpack3A, %unpack3A_269 : vector<16xf32>
          %add3A_271 = arith.addf %scan3A_259, %add3A_270 : vector<16xf32>
          %add3A_272 = arith.constant 1 : i32
          %add3A_273 = arith.addi %mul3A_264, %add3A_272 : i32
          %xor3A_274 = vector.broadcast %add3A_273 : i32 to vector<16xi32>
          %xor3A_275 = arith.xori %xor3A_274, %iota3A : vector<16xi32>
          %gather3A_276 = tpu.vector_load_idx %arg9[%add3A_241, %xor3A_275] : memref<80x64xi32, #tpu.memory_space<vmem>>[vector<16xi32>, vector<16xi32>], vector<16xi32>,
          %gather3A_277 = tpu.vector_load_idx %arg10[%add3A_241, %xor3A_275] : memref<80x64xi32, #tpu.memory_space<vmem>>[vector<16xi32>, vector<16xi32>], vector<16xi32>,
          %bitcast3A_278 = vector.bitcast %gather3A_276 : vector<16xi32> to vector<32xbf16>
          %bitcast3A_279 = vector.bitcast %gather3A_277 : vector<16xi32> to vector<32xbf16>
          %mul3A_280 = arith.mulf %bitcast3A_278, %bitcast3A_279 : vector<32xbf16>
          %unpack3A_281 = tpu.unpack_subelements %mul3A_280, 0 {pack_format = #tpu.pack_format<interleaved>} : vector<32xbf16> -> vector<16xf32>
          %unpack3A_282 = tpu.unpack_subelements %mul3A_280, 1 {pack_format = #tpu.pack_format<interleaved>} : vector<32xbf16> -> vector<16xf32>
          %add3A_283 = arith.addf %unpack3A_281, %unpack3A_282 : vector<16xf32>
          %add3A_284 = arith.addf %scan3A_260, %add3A_283 : vector<16xf32>
          %add3A_285 = arith.constant 2 : i32
          %add3A_286 = arith.addi %mul3A_264, %add3A_285 : i32
          %xor3A_287 = vector.broadcast %add3A_286 : i32 to vector<16xi32>
          %xor3A_288 = arith.xori %xor3A_287, %iota3A : vector<16xi32>
          %gather3A_289 = tpu.vector_load_idx %arg9[%add3A_241, %xor3A_288] : memref<80x64xi32, #tpu.memory_space<vmem>>[vector<16xi32>, vector<16xi32>], vector<16xi32>,
          %gather3A_290 = tpu.vector_load_idx %arg10[%add3A_241, %xor3A_288] : memref<80x64xi32, #tpu.memory_space<vmem>>[vector<16xi32>, vector<16xi32>], vector<16xi32>,
          %bitcast3A_291 = vector.bitcast %gather3A_289 : vector<16xi32> to vector<32xbf16>
          %bitcast3A_292 = vector.bitcast %gather3A_290 : vector<16xi32> to vector<32xbf16>
          %mul3A_293 = arith.mulf %bitcast3A_291, %bitcast3A_292 : vector<32xbf16>
          %unpack3A_294 = tpu.unpack_subelements %mul3A_293, 0 {pack_format = #tpu.pack_format<interleaved>} : vector<32xbf16> -> vector<16xf32>
          %unpack3A_295 = tpu.unpack_subelements %mul3A_293, 1 {pack_format = #tpu.pack_format<interleaved>} : vector<32xbf16> -> vector<16xf32>
          %add3A_296 = arith.addf %unpack3A_294, %unpack3A_295 : vector<16xf32>
          %add3A_297 = arith.addf %scan3A_261, %add3A_296 : vector<16xf32>
          %add3A_298 = arith.constant 3 : i32
          %add3A_299 = arith.addi %mul3A_264, %add3A_298 : i32
          %xor3A_300 = vector.broadcast %add3A_299 : i32 to vector<16xi32>
          %xor3A_301 = arith.xori %xor3A_300, %iota3A : vector<16xi32>
          %gather3A_302 = tpu.vector_load_idx %arg9[%add3A_241, %xor3A_301] : memref<80x64xi32, #tpu.memory_space<vmem>>[vector<16xi32>, vector<16xi32>], vector<16xi32>,
          %gather3A_303 = tpu.vector_load_idx %arg10[%add3A_241, %xor3A_301] : memref<80x64xi32, #tpu.memory_space<vmem>>[vector<16xi32>, vector<16xi32>], vector<16xi32>,
          %bitcast3A_304 = vector.bitcast %gather3A_302 : vector<16xi32> to vector<32xbf16>
          %bitcast3A_305 = vector.bitcast %gather3A_303 : vector<16xi32> to vector<32xbf16>
          %mul3A_306 = arith.mulf %bitcast3A_304, %bitcast3A_305 : vector<32xbf16>
          %unpack3A_307 = tpu.unpack_subelements %mul3A_306, 0 {pack_format = #tpu.pack_format<interleaved>} : vector<32xbf16> -> vector<16xf32>
          %unpack3A_308 = tpu.unpack_subelements %mul3A_306, 1 {pack_format = #tpu.pack_format<interleaved>} : vector<32xbf16> -> vector<16xf32>
          %add3A_309 = arith.addf %unpack3A_307, %unpack3A_308 : vector<16xf32>
          %add3A_310 = arith.addf %scan3A_262, %add3A_309 : vector<16xf32>
          %scan3A_311 = arith.constant 1 : i32
          %scan3A_312 = arith.addi %scan3A_258, %scan3A_311 : i32
          %mul3A_313 = arith.constant 4 : i32
          %mul3A_314 = arith.muli %scan3A_312, %mul3A_313 : i32
          %xor3A_315 = vector.broadcast %mul3A_314 : i32 to vector<16xi32>
          %xor3A_316 = arith.xori %xor3A_315, %iota3A : vector<16xi32>
          %gather3A_317 = tpu.vector_load_idx %arg9[%add3A_241, %xor3A_316] : memref<80x64xi32, #tpu.memory_space<vmem>>[vector<16xi32>, vector<16xi32>], vector<16xi32>,
          %gather3A_318 = tpu.vector_load_idx %arg10[%add3A_241, %xor3A_316] : memref<80x64xi32, #tpu.memory_space<vmem>>[vector<16xi32>, vector<16xi32>], vector<16xi32>,
          %bitcast3A_319 = vector.bitcast %gather3A_317 : vector<16xi32> to vector<32xbf16>
          %bitcast3A_320 = vector.bitcast %gather3A_318 : vector<16xi32> to vector<32xbf16>
          %mul3A_321 = arith.mulf %bitcast3A_319, %bitcast3A_320 : vector<32xbf16>
          %unpack3A_322 = tpu.unpack_subelements %mul3A_321, 0 {pack_format = #tpu.pack_format<interleaved>} : vector<32xbf16> -> vector<16xf32>
          %unpack3A_323 = tpu.unpack_subelements %mul3A_321, 1 {pack_format = #tpu.pack_format<interleaved>} : vector<32xbf16> -> vector<16xf32>
          %add3A_324 = arith.addf %unpack3A_322, %unpack3A_323 : vector<16xf32>
          %add3A_325 = arith.addf %add3A_271, %add3A_324 : vector<16xf32>
          %add3A_326 = arith.constant 1 : i32
          %add3A_327 = arith.addi %mul3A_314, %add3A_326 : i32
          %xor3A_328 = vector.broadcast %add3A_327 : i32 to vector<16xi32>
          %xor3A_329 = arith.xori %xor3A_328, %iota3A : vector<16xi32>
          %gather3A_330 = tpu.vector_load_idx %arg9[%add3A_241, %xor3A_329] : memref<80x64xi32, #tpu.memory_space<vmem>>[vector<16xi32>, vector<16xi32>], vector<16xi32>,
          %gather3A_331 = tpu.vector_load_idx %arg10[%add3A_241, %xor3A_329] : memref<80x64xi32, #tpu.memory_space<vmem>>[vector<16xi32>, vector<16xi32>], vector<16xi32>,
          %bitcast3A_332 = vector.bitcast %gather3A_330 : vector<16xi32> to vector<32xbf16>
          %bitcast3A_333 = vector.bitcast %gather3A_331 : vector<16xi32> to vector<32xbf16>
          %mul3A_334 = arith.mulf %bitcast3A_332, %bitcast3A_333 : vector<32xbf16>
          %unpack3A_335 = tpu.unpack_subelements %mul3A_334, 0 {pack_format = #tpu.pack_format<interleaved>} : vector<32xbf16> -> vector<16xf32>
          %unpack3A_336 = tpu.unpack_subelements %mul3A_334, 1 {pack_format = #tpu.pack_format<interleaved>} : vector<32xbf16> -> vector<16xf32>
          %add3A_337 = arith.addf %unpack3A_335, %unpack3A_336 : vector<16xf32>
          %add3A_338 = arith.addf %add3A_284, %add3A_337 : vector<16xf32>
          %add3A_339 = arith.constant 2 : i32
          %add3A_340 = arith.addi %mul3A_314, %add3A_339 : i32
          %xor3A_341 = vector.broadcast %add3A_340 : i32 to vector<16xi32>
          %xor3A_342 = arith.xori %xor3A_341, %iota3A : vector<16xi32>
          %gather3A_343 = tpu.vector_load_idx %arg9[%add3A_241, %xor3A_342] : memref<80x64xi32, #tpu.memory_space<vmem>>[vector<16xi32>, vector<16xi32>], vector<16xi32>,
          %gather3A_344 = tpu.vector_load_idx %arg10[%add3A_241, %xor3A_342] : memref<80x64xi32, #tpu.memory_space<vmem>>[vector<16xi32>, vector<16xi32>], vector<16xi32>,
          %bitcast3A_345 = vector.bitcast %gather3A_343 : vector<16xi32> to vector<32xbf16>
          %bitcast3A_346 = vector.bitcast %gather3A_344 : vector<16xi32> to vector<32xbf16>
          %mul3A_347 = arith.mulf %bitcast3A_345, %bitcast3A_346 : vector<32xbf16>
          %unpack3A_348 = tpu.unpack_subelements %mul3A_347, 0 {pack_format = #tpu.pack_format<interleaved>} : vector<32xbf16> -> vector<16xf32>
          %unpack3A_349 = tpu.unpack_subelements %mul3A_347, 1 {pack_format = #tpu.pack_format<interleaved>} : vector<32xbf16> -> vector<16xf32>
          %add3A_350 = arith.addf %unpack3A_348, %unpack3A_349 : vector<16xf32>
          %add3A_351 = arith.addf %add3A_297, %add3A_350 : vector<16xf32>
          %add3A_352 = arith.constant 3 : i32
          %add3A_353 = arith.addi %mul3A_314, %add3A_352 : i32
          %xor3A_354 = vector.broadcast %add3A_353 : i32 to vector<16xi32>
          %xor3A_355 = arith.xori %xor3A_354, %iota3A : vector<16xi32>
          %gather3A_356 = tpu.vector_load_idx %arg9[%add3A_241, %xor3A_355] : memref<80x64xi32, #tpu.memory_space<vmem>>[vector<16xi32>, vector<16xi32>], vector<16xi32>,
          %gather3A_357 = tpu.vector_load_idx %arg10[%add3A_241, %xor3A_355] : memref<80x64xi32, #tpu.memory_space<vmem>>[vector<16xi32>, vector<16xi32>], vector<16xi32>,
          %bitcast3A_358 = vector.bitcast %gather3A_356 : vector<16xi32> to vector<32xbf16>
          %bitcast3A_359 = vector.bitcast %gather3A_357 : vector<16xi32> to vector<32xbf16>
          %mul3A_360 = arith.mulf %bitcast3A_358, %bitcast3A_359 : vector<32xbf16>
          %unpack3A_361 = tpu.unpack_subelements %mul3A_360, 0 {pack_format = #tpu.pack_format<interleaved>} : vector<32xbf16> -> vector<16xf32>
          %unpack3A_362 = tpu.unpack_subelements %mul3A_360, 1 {pack_format = #tpu.pack_format<interleaved>} : vector<32xbf16> -> vector<16xf32>
          %add3A_363 = arith.addf %unpack3A_361, %unpack3A_362 : vector<16xf32>
          %add3A_364 = arith.addf %add3A_310, %add3A_363 : vector<16xf32>
          %scan3A_365 = arith.constant 2 : i32
          %scan3A_366 = arith.addi %scan3A_258, %scan3A_365 : i32
          %mul3A_367 = arith.constant 4 : i32
          %mul3A_368 = arith.muli %scan3A_366, %mul3A_367 : i32
          %xor3A_369 = vector.broadcast %mul3A_368 : i32 to vector<16xi32>
          %xor3A_370 = arith.xori %xor3A_369, %iota3A : vector<16xi32>
          %gather3A_371 = tpu.vector_load_idx %arg9[%add3A_241, %xor3A_370] : memref<80x64xi32, #tpu.memory_space<vmem>>[vector<16xi32>, vector<16xi32>], vector<16xi32>,
          %gather3A_372 = tpu.vector_load_idx %arg10[%add3A_241, %xor3A_370] : memref<80x64xi32, #tpu.memory_space<vmem>>[vector<16xi32>, vector<16xi32>], vector<16xi32>,
          %bitcast3A_373 = vector.bitcast %gather3A_371 : vector<16xi32> to vector<32xbf16>
          %bitcast3A_374 = vector.bitcast %gather3A_372 : vector<16xi32> to vector<32xbf16>
          %mul3A_375 = arith.mulf %bitcast3A_373, %bitcast3A_374 : vector<32xbf16>
          %unpack3A_376 = tpu.unpack_subelements %mul3A_375, 0 {pack_format = #tpu.pack_format<interleaved>} : vector<32xbf16> -> vector<16xf32>
          %unpack3A_377 = tpu.unpack_subelements %mul3A_375, 1 {pack_format = #tpu.pack_format<interleaved>} : vector<32xbf16> -> vector<16xf32>
          %add3A_378 = arith.addf %unpack3A_376, %unpack3A_377 : vector<16xf32>
          %add3A_379 = arith.addf %add3A_325, %add3A_378 : vector<16xf32>
          %add3A_380 = arith.constant 1 : i32
          %add3A_381 = arith.addi %mul3A_368, %add3A_380 : i32
          %xor3A_382 = vector.broadcast %add3A_381 : i32 to vector<16xi32>
          %xor3A_383 = arith.xori %xor3A_382, %iota3A : vector<16xi32>
          %gather3A_384 = tpu.vector_load_idx %arg9[%add3A_241, %xor3A_383] : memref<80x64xi32, #tpu.memory_space<vmem>>[vector<16xi32>, vector<16xi32>], vector<16xi32>,
          %gather3A_385 = tpu.vector_load_idx %arg10[%add3A_241, %xor3A_383] : memref<80x64xi32, #tpu.memory_space<vmem>>[vector<16xi32>, vector<16xi32>], vector<16xi32>,
          %bitcast3A_386 = vector.bitcast %gather3A_384 : vector<16xi32> to vector<32xbf16>
          %bitcast3A_387 = vector.bitcast %gather3A_385 : vector<16xi32> to vector<32xbf16>
          %mul3A_388 = arith.mulf %bitcast3A_386, %bitcast3A_387 : vector<32xbf16>
          %unpack3A_389 = tpu.unpack_subelements %mul3A_388, 0 {pack_format = #tpu.pack_format<interleaved>} : vector<32xbf16> -> vector<16xf32>
          %unpack3A_390 = tpu.unpack_subelements %mul3A_388, 1 {pack_format = #tpu.pack_format<interleaved>} : vector<32xbf16> -> vector<16xf32>
          %add3A_391 = arith.addf %unpack3A_389, %unpack3A_390 : vector<16xf32>
          %add3A_392 = arith.addf %add3A_338, %add3A_391 : vector<16xf32>
          %add3A_393 = arith.constant 2 : i32
          %add3A_394 = arith.addi %mul3A_368, %add3A_393 : i32
          %xor3A_395 = vector.broadcast %add3A_394 : i32 to vector<16xi32>
          %xor3A_396 = arith.xori %xor3A_395, %iota3A : vector<16xi32>
          %gather3A_397 = tpu.vector_load_idx %arg9[%add3A_241, %xor3A_396] : memref<80x64xi32, #tpu.memory_space<vmem>>[vector<16xi32>, vector<16xi32>], vector<16xi32>,
          %gather3A_398 = tpu.vector_load_idx %arg10[%add3A_241, %xor3A_396] : memref<80x64xi32, #tpu.memory_space<vmem>>[vector<16xi32>, vector<16xi32>], vector<16xi32>,
          %bitcast3A_399 = vector.bitcast %gather3A_397 : vector<16xi32> to vector<32xbf16>
          %bitcast3A_400 = vector.bitcast %gather3A_398 : vector<16xi32> to vector<32xbf16>
          %mul3A_401 = arith.mulf %bitcast3A_399, %bitcast3A_400 : vector<32xbf16>
          %unpack3A_402 = tpu.unpack_subelements %mul3A_401, 0 {pack_format = #tpu.pack_format<interleaved>} : vector<32xbf16> -> vector<16xf32>
          %unpack3A_403 = tpu.unpack_subelements %mul3A_401, 1 {pack_format = #tpu.pack_format<interleaved>} : vector<32xbf16> -> vector<16xf32>
          %add3A_404 = arith.addf %unpack3A_402, %unpack3A_403 : vector<16xf32>
          %add3A_405 = arith.addf %add3A_351, %add3A_404 : vector<16xf32>
          %add3A_406 = arith.constant 3 : i32
          %add3A_407 = arith.addi %mul3A_368, %add3A_406 : i32
          %xor3A_408 = vector.broadcast %add3A_407 : i32 to vector<16xi32>
          %xor3A_409 = arith.xori %xor3A_408, %iota3A : vector<16xi32>
          %gather3A_410 = tpu.vector_load_idx %arg9[%add3A_241, %xor3A_409] : memref<80x64xi32, #tpu.memory_space<vmem>>[vector<16xi32>, vector<16xi32>], vector<16xi32>,
          %gather3A_411 = tpu.vector_load_idx %arg10[%add3A_241, %xor3A_409] : memref<80x64xi32, #tpu.memory_space<vmem>>[vector<16xi32>, vector<16xi32>], vector<16xi32>,
          %bitcast3A_412 = vector.bitcast %gather3A_410 : vector<16xi32> to vector<32xbf16>
          %bitcast3A_413 = vector.bitcast %gather3A_411 : vector<16xi32> to vector<32xbf16>
          %mul3A_414 = arith.mulf %bitcast3A_412, %bitcast3A_413 : vector<32xbf16>
          %unpack3A_415 = tpu.unpack_subelements %mul3A_414, 0 {pack_format = #tpu.pack_format<interleaved>} : vector<32xbf16> -> vector<16xf32>
          %unpack3A_416 = tpu.unpack_subelements %mul3A_414, 1 {pack_format = #tpu.pack_format<interleaved>} : vector<32xbf16> -> vector<16xf32>
          %add3A_417 = arith.addf %unpack3A_415, %unpack3A_416 : vector<16xf32>
          %add3A_418 = arith.addf %add3A_364, %add3A_417 : vector<16xf32>
          %scan3A_419 = arith.constant 3 : i32
          %scan3A_420 = arith.addi %scan3A_258, %scan3A_419 : i32
          %mul3A_421 = arith.constant 4 : i32
          %mul3A_422 = arith.muli %scan3A_420, %mul3A_421 : i32
          %xor3A_423 = vector.broadcast %mul3A_422 : i32 to vector<16xi32>
          %xor3A_424 = arith.xori %xor3A_423, %iota3A : vector<16xi32>
          %gather3A_425 = tpu.vector_load_idx %arg9[%add3A_241, %xor3A_424] : memref<80x64xi32, #tpu.memory_space<vmem>>[vector<16xi32>, vector<16xi32>], vector<16xi32>,
          %gather3A_426 = tpu.vector_load_idx %arg10[%add3A_241, %xor3A_424] : memref<80x64xi32, #tpu.memory_space<vmem>>[vector<16xi32>, vector<16xi32>], vector<16xi32>,
          %bitcast3A_427 = vector.bitcast %gather3A_425 : vector<16xi32> to vector<32xbf16>
          %bitcast3A_428 = vector.bitcast %gather3A_426 : vector<16xi32> to vector<32xbf16>
          %mul3A_429 = arith.mulf %bitcast3A_427, %bitcast3A_428 : vector<32xbf16>
          %unpack3A_430 = tpu.unpack_subelements %mul3A_429, 0 {pack_format = #tpu.pack_format<interleaved>} : vector<32xbf16> -> vector<16xf32>
          %unpack3A_431 = tpu.unpack_subelements %mul3A_429, 1 {pack_format = #tpu.pack_format<interleaved>} : vector<32xbf16> -> vector<16xf32>
          %add3A_432 = arith.addf %unpack3A_430, %unpack3A_431 : vector<16xf32>
          %add3A_433 = arith.addf %add3A_379, %add3A_432 : vector<16xf32>
          %add3A_434 = arith.constant 1 : i32
          %add3A_435 = arith.addi %mul3A_422, %add3A_434 : i32
          %xor3A_436 = vector.broadcast %add3A_435 : i32 to vector<16xi32>
          %xor3A_437 = arith.xori %xor3A_436, %iota3A : vector<16xi32>
          %gather3A_438 = tpu.vector_load_idx %arg9[%add3A_241, %xor3A_437] : memref<80x64xi32, #tpu.memory_space<vmem>>[vector<16xi32>, vector<16xi32>], vector<16xi32>,
          %gather3A_439 = tpu.vector_load_idx %arg10[%add3A_241, %xor3A_437] : memref<80x64xi32, #tpu.memory_space<vmem>>[vector<16xi32>, vector<16xi32>], vector<16xi32>,
          %bitcast3A_440 = vector.bitcast %gather3A_438 : vector<16xi32> to vector<32xbf16>
          %bitcast3A_441 = vector.bitcast %gather3A_439 : vector<16xi32> to vector<32xbf16>
          %mul3A_442 = arith.mulf %bitcast3A_440, %bitcast3A_441 : vector<32xbf16>
          %unpack3A_443 = tpu.unpack_subelements %mul3A_442, 0 {pack_format = #tpu.pack_format<interleaved>} : vector<32xbf16> -> vector<16xf32>
          %unpack3A_444 = tpu.unpack_subelements %mul3A_442, 1 {pack_format = #tpu.pack_format<interleaved>} : vector<32xbf16> -> vector<16xf32>
          %add3A_445 = arith.addf %unpack3A_443, %unpack3A_444 : vector<16xf32>
          %add3A_446 = arith.addf %add3A_392, %add3A_445 : vector<16xf32>
          %add3A_447 = arith.constant 2 : i32
          %add3A_448 = arith.addi %mul3A_422, %add3A_447 : i32
          %xor3A_449 = vector.broadcast %add3A_448 : i32 to vector<16xi32>
          %xor3A_450 = arith.xori %xor3A_449, %iota3A : vector<16xi32>
          %gather3A_451 = tpu.vector_load_idx %arg9[%add3A_241, %xor3A_450] : memref<80x64xi32, #tpu.memory_space<vmem>>[vector<16xi32>, vector<16xi32>], vector<16xi32>,
          %gather3A_452 = tpu.vector_load_idx %arg10[%add3A_241, %xor3A_450] : memref<80x64xi32, #tpu.memory_space<vmem>>[vector<16xi32>, vector<16xi32>], vector<16xi32>,
          %bitcast3A_453 = vector.bitcast %gather3A_451 : vector<16xi32> to vector<32xbf16>
          %bitcast3A_454 = vector.bitcast %gather3A_452 : vector<16xi32> to vector<32xbf16>
          %mul3A_455 = arith.mulf %bitcast3A_453, %bitcast3A_454 : vector<32xbf16>
          %unpack3A_456 = tpu.unpack_subelements %mul3A_455, 0 {pack_format = #tpu.pack_format<interleaved>} : vector<32xbf16> -> vector<16xf32>
          %unpack3A_457 = tpu.unpack_subelements %mul3A_455, 1 {pack_format = #tpu.pack_format<interleaved>} : vector<32xbf16> -> vector<16xf32>
          %add3A_458 = arith.addf %unpack3A_456, %unpack3A_457 : vector<16xf32>
          %add3A_459 = arith.addf %add3A_405, %add3A_458 : vector<16xf32>
          %add3A_460 = arith.constant 3 : i32
          %add3A_461 = arith.addi %mul3A_422, %add3A_460 : i32
          %xor3A_462 = vector.broadcast %add3A_461 : i32 to vector<16xi32>
          %xor3A_463 = arith.xori %xor3A_462, %iota3A : vector<16xi32>
          %gather3A_464 = tpu.vector_load_idx %arg9[%add3A_241, %xor3A_463] : memref<80x64xi32, #tpu.memory_space<vmem>>[vector<16xi32>, vector<16xi32>], vector<16xi32>,
          %gather3A_465 = tpu.vector_load_idx %arg10[%add3A_241, %xor3A_463] : memref<80x64xi32, #tpu.memory_space<vmem>>[vector<16xi32>, vector<16xi32>], vector<16xi32>,
          %bitcast3A_466 = vector.bitcast %gather3A_464 : vector<16xi32> to vector<32xbf16>
          %bitcast3A_467 = vector.bitcast %gather3A_465 : vector<16xi32> to vector<32xbf16>
          %mul3A_468 = arith.mulf %bitcast3A_466, %bitcast3A_467 : vector<32xbf16>
          %unpack3A_469 = tpu.unpack_subelements %mul3A_468, 0 {pack_format = #tpu.pack_format<interleaved>} : vector<32xbf16> -> vector<16xf32>
          %unpack3A_470 = tpu.unpack_subelements %mul3A_468, 1 {pack_format = #tpu.pack_format<interleaved>} : vector<32xbf16> -> vector<16xf32>
          %add3A_471 = arith.addf %unpack3A_469, %unpack3A_470 : vector<16xf32>
          %add3A_472 = arith.addf %add3A_418, %add3A_471 : vector<16xf32>
          %scan3A_473 = arith.constant 4 : i32
          %scan3A_474 = arith.addi %scan3A_258, %scan3A_473 : i32
          %mul3A_475 = arith.constant 4 : i32
          %mul3A_476 = arith.muli %scan3A_474, %mul3A_475 : i32
          %xor3A_477 = vector.broadcast %mul3A_476 : i32 to vector<16xi32>
          %xor3A_478 = arith.xori %xor3A_477, %iota3A : vector<16xi32>
          %gather3A_479 = tpu.vector_load_idx %arg9[%add3A_241, %xor3A_478] : memref<80x64xi32, #tpu.memory_space<vmem>>[vector<16xi32>, vector<16xi32>], vector<16xi32>,
          %gather3A_480 = tpu.vector_load_idx %arg10[%add3A_241, %xor3A_478] : memref<80x64xi32, #tpu.memory_space<vmem>>[vector<16xi32>, vector<16xi32>], vector<16xi32>,
          %bitcast3A_481 = vector.bitcast %gather3A_479 : vector<16xi32> to vector<32xbf16>
          %bitcast3A_482 = vector.bitcast %gather3A_480 : vector<16xi32> to vector<32xbf16>
          %mul3A_483 = arith.mulf %bitcast3A_481, %bitcast3A_482 : vector<32xbf16>
          %unpack3A_484 = tpu.unpack_subelements %mul3A_483, 0 {pack_format = #tpu.pack_format<interleaved>} : vector<32xbf16> -> vector<16xf32>
          %unpack3A_485 = tpu.unpack_subelements %mul3A_483, 1 {pack_format = #tpu.pack_format<interleaved>} : vector<32xbf16> -> vector<16xf32>
          %add3A_486 = arith.addf %unpack3A_484, %unpack3A_485 : vector<16xf32>
          %add3A_487 = arith.addf %add3A_433, %add3A_486 : vector<16xf32>
          %add3A_488 = arith.constant 1 : i32
          %add3A_489 = arith.addi %mul3A_476, %add3A_488 : i32
          %xor3A_490 = vector.broadcast %add3A_489 : i32 to vector<16xi32>
          %xor3A_491 = arith.xori %xor3A_490, %iota3A : vector<16xi32>
          %gather3A_492 = tpu.vector_load_idx %arg9[%add3A_241, %xor3A_491] : memref<80x64xi32, #tpu.memory_space<vmem>>[vector<16xi32>, vector<16xi32>], vector<16xi32>,
          %gather3A_493 = tpu.vector_load_idx %arg10[%add3A_241, %xor3A_491] : memref<80x64xi32, #tpu.memory_space<vmem>>[vector<16xi32>, vector<16xi32>], vector<16xi32>,
          %bitcast3A_494 = vector.bitcast %gather3A_492 : vector<16xi32> to vector<32xbf16>
          %bitcast3A_495 = vector.bitcast %gather3A_493 : vector<16xi32> to vector<32xbf16>
          %mul3A_496 = arith.mulf %bitcast3A_494, %bitcast3A_495 : vector<32xbf16>
          %unpack3A_497 = tpu.unpack_subelements %mul3A_496, 0 {pack_format = #tpu.pack_format<interleaved>} : vector<32xbf16> -> vector<16xf32>
          %unpack3A_498 = tpu.unpack_subelements %mul3A_496, 1 {pack_format = #tpu.pack_format<interleaved>} : vector<32xbf16> -> vector<16xf32>
          %add3A_499 = arith.addf %unpack3A_497, %unpack3A_498 : vector<16xf32>
          %add3A_500 = arith.addf %add3A_446, %add3A_499 : vector<16xf32>
          %add3A_501 = arith.constant 2 : i32
          %add3A_502 = arith.addi %mul3A_476, %add3A_501 : i32
          %xor3A_503 = vector.broadcast %add3A_502 : i32 to vector<16xi32>
          %xor3A_504 = arith.xori %xor3A_503, %iota3A : vector<16xi32>
          %gather3A_505 = tpu.vector_load_idx %arg9[%add3A_241, %xor3A_504] : memref<80x64xi32, #tpu.memory_space<vmem>>[vector<16xi32>, vector<16xi32>], vector<16xi32>,
          %gather3A_506 = tpu.vector_load_idx %arg10[%add3A_241, %xor3A_504] : memref<80x64xi32, #tpu.memory_space<vmem>>[vector<16xi32>, vector<16xi32>], vector<16xi32>,
          %bitcast3A_507 = vector.bitcast %gather3A_505 : vector<16xi32> to vector<32xbf16>
          %bitcast3A_508 = vector.bitcast %gather3A_506 : vector<16xi32> to vector<32xbf16>
          %mul3A_509 = arith.mulf %bitcast3A_507, %bitcast3A_508 : vector<32xbf16>
          %unpack3A_510 = tpu.unpack_subelements %mul3A_509, 0 {pack_format = #tpu.pack_format<interleaved>} : vector<32xbf16> -> vector<16xf32>
          %unpack3A_511 = tpu.unpack_subelements %mul3A_509, 1 {pack_format = #tpu.pack_format<interleaved>} : vector<32xbf16> -> vector<16xf32>
          %add3A_512 = arith.addf %unpack3A_510, %unpack3A_511 : vector<16xf32>
          %add3A_513 = arith.addf %add3A_459, %add3A_512 : vector<16xf32>
          %add3A_514 = arith.constant 3 : i32
          %add3A_515 = arith.addi %mul3A_476, %add3A_514 : i32
          %xor3A_516 = vector.broadcast %add3A_515 : i32 to vector<16xi32>
          %xor3A_517 = arith.xori %xor3A_516, %iota3A : vector<16xi32>
          %gather3A_518 = tpu.vector_load_idx %arg9[%add3A_241, %xor3A_517] : memref<80x64xi32, #tpu.memory_space<vmem>>[vector<16xi32>, vector<16xi32>], vector<16xi32>,
          %gather3A_519 = tpu.vector_load_idx %arg10[%add3A_241, %xor3A_517] : memref<80x64xi32, #tpu.memory_space<vmem>>[vector<16xi32>, vector<16xi32>], vector<16xi32>,
          %bitcast3A_520 = vector.bitcast %gather3A_518 : vector<16xi32> to vector<32xbf16>
          %bitcast3A_521 = vector.bitcast %gather3A_519 : vector<16xi32> to vector<32xbf16>
          %mul3A_522 = arith.mulf %bitcast3A_520, %bitcast3A_521 : vector<32xbf16>
          %unpack3A_523 = tpu.unpack_subelements %mul3A_522, 0 {pack_format = #tpu.pack_format<interleaved>} : vector<32xbf16> -> vector<16xf32>
          %unpack3A_524 = tpu.unpack_subelements %mul3A_522, 1 {pack_format = #tpu.pack_format<interleaved>} : vector<32xbf16> -> vector<16xf32>
          %add3A_525 = arith.addf %unpack3A_523, %unpack3A_524 : vector<16xf32>
          %add3A_526 = arith.addf %add3A_472, %add3A_525 : vector<16xf32>
          %scan3A_527 = arith.constant 5 : i32
          %scan3A_528 = arith.addi %scan3A_258, %scan3A_527 : i32
          %mul3A_529 = arith.constant 4 : i32
          %mul3A_530 = arith.muli %scan3A_528, %mul3A_529 : i32
          %xor3A_531 = vector.broadcast %mul3A_530 : i32 to vector<16xi32>
          %xor3A_532 = arith.xori %xor3A_531, %iota3A : vector<16xi32>
          %gather3A_533 = tpu.vector_load_idx %arg9[%add3A_241, %xor3A_532] : memref<80x64xi32, #tpu.memory_space<vmem>>[vector<16xi32>, vector<16xi32>], vector<16xi32>,
          %gather3A_534 = tpu.vector_load_idx %arg10[%add3A_241, %xor3A_532] : memref<80x64xi32, #tpu.memory_space<vmem>>[vector<16xi32>, vector<16xi32>], vector<16xi32>,
          %bitcast3A_535 = vector.bitcast %gather3A_533 : vector<16xi32> to vector<32xbf16>
          %bitcast3A_536 = vector.bitcast %gather3A_534 : vector<16xi32> to vector<32xbf16>
          %mul3A_537 = arith.mulf %bitcast3A_535, %bitcast3A_536 : vector<32xbf16>
          %unpack3A_538 = tpu.unpack_subelements %mul3A_537, 0 {pack_format = #tpu.pack_format<interleaved>} : vector<32xbf16> -> vector<16xf32>
          %unpack3A_539 = tpu.unpack_subelements %mul3A_537, 1 {pack_format = #tpu.pack_format<interleaved>} : vector<32xbf16> -> vector<16xf32>
          %add3A_540 = arith.addf %unpack3A_538, %unpack3A_539 : vector<16xf32>
          %add3A_541 = arith.addf %add3A_487, %add3A_540 : vector<16xf32>
          %add3A_542 = arith.constant 1 : i32
          %add3A_543 = arith.addi %mul3A_530, %add3A_542 : i32
          %xor3A_544 = vector.broadcast %add3A_543 : i32 to vector<16xi32>
          %xor3A_545 = arith.xori %xor3A_544, %iota3A : vector<16xi32>
          %gather3A_546 = tpu.vector_load_idx %arg9[%add3A_241, %xor3A_545] : memref<80x64xi32, #tpu.memory_space<vmem>>[vector<16xi32>, vector<16xi32>], vector<16xi32>,
          %gather3A_547 = tpu.vector_load_idx %arg10[%add3A_241, %xor3A_545] : memref<80x64xi32, #tpu.memory_space<vmem>>[vector<16xi32>, vector<16xi32>], vector<16xi32>,
          %bitcast3A_548 = vector.bitcast %gather3A_546 : vector<16xi32> to vector<32xbf16>
          %bitcast3A_549 = vector.bitcast %gather3A_547 : vector<16xi32> to vector<32xbf16>
          %mul3A_550 = arith.mulf %bitcast3A_548, %bitcast3A_549 : vector<32xbf16>
          %unpack3A_551 = tpu.unpack_subelements %mul3A_550, 0 {pack_format = #tpu.pack_format<interleaved>} : vector<32xbf16> -> vector<16xf32>
          %unpack3A_552 = tpu.unpack_subelements %mul3A_550, 1 {pack_format = #tpu.pack_format<interleaved>} : vector<32xbf16> -> vector<16xf32>
          %add3A_553 = arith.addf %unpack3A_551, %unpack3A_552 : vector<16xf32>
          %add3A_554 = arith.addf %add3A_500, %add3A_553 : vector<16xf32>
          %add3A_555 = arith.constant 2 : i32
          %add3A_556 = arith.addi %mul3A_530, %add3A_555 : i32
          %xor3A_557 = vector.broadcast %add3A_556 : i32 to vector<16xi32>
          %xor3A_558 = arith.xori %xor3A_557, %iota3A : vector<16xi32>
          %gather3A_559 = tpu.vector_load_idx %arg9[%add3A_241, %xor3A_558] : memref<80x64xi32, #tpu.memory_space<vmem>>[vector<16xi32>, vector<16xi32>], vector<16xi32>,
          %gather3A_560 = tpu.vector_load_idx %arg10[%add3A_241, %xor3A_558] : memref<80x64xi32, #tpu.memory_space<vmem>>[vector<16xi32>, vector<16xi32>], vector<16xi32>,
          %bitcast3A_561 = vector.bitcast %gather3A_559 : vector<16xi32> to vector<32xbf16>
          %bitcast3A_562 = vector.bitcast %gather3A_560 : vector<16xi32> to vector<32xbf16>
          %mul3A_563 = arith.mulf %bitcast3A_561, %bitcast3A_562 : vector<32xbf16>
          %unpack3A_564 = tpu.unpack_subelements %mul3A_563, 0 {pack_format = #tpu.pack_format<interleaved>} : vector<32xbf16> -> vector<16xf32>
          %unpack3A_565 = tpu.unpack_subelements %mul3A_563, 1 {pack_format = #tpu.pack_format<interleaved>} : vector<32xbf16> -> vector<16xf32>
          %add3A_566 = arith.addf %unpack3A_564, %unpack3A_565 : vector<16xf32>
          %add3A_567 = arith.addf %add3A_513, %add3A_566 : vector<16xf32>
          %add3A_568 = arith.constant 3 : i32
          %add3A_569 = arith.addi %mul3A_530, %add3A_568 : i32
          %xor3A_570 = vector.broadcast %add3A_569 : i32 to vector<16xi32>
          %xor3A_571 = arith.xori %xor3A_570, %iota3A : vector<16xi32>
          %gather3A_572 = tpu.vector_load_idx %arg9[%add3A_241, %xor3A_571] : memref<80x64xi32, #tpu.memory_space<vmem>>[vector<16xi32>, vector<16xi32>], vector<16xi32>,
          %gather3A_573 = tpu.vector_load_idx %arg10[%add3A_241, %xor3A_571] : memref<80x64xi32, #tpu.memory_space<vmem>>[vector<16xi32>, vector<16xi32>], vector<16xi32>,
          %bitcast3A_574 = vector.bitcast %gather3A_572 : vector<16xi32> to vector<32xbf16>
          %bitcast3A_575 = vector.bitcast %gather3A_573 : vector<16xi32> to vector<32xbf16>
          %mul3A_576 = arith.mulf %bitcast3A_574, %bitcast3A_575 : vector<32xbf16>
          %unpack3A_577 = tpu.unpack_subelements %mul3A_576, 0 {pack_format = #tpu.pack_format<interleaved>} : vector<32xbf16> -> vector<16xf32>
          %unpack3A_578 = tpu.unpack_subelements %mul3A_576, 1 {pack_format = #tpu.pack_format<interleaved>} : vector<32xbf16> -> vector<16xf32>
          %add3A_579 = arith.addf %unpack3A_577, %unpack3A_578 : vector<16xf32>
          %add3A_580 = arith.addf %add3A_526, %add3A_579 : vector<16xf32>
          %scan3A_581 = arith.constant 6 : i32
          %scan3A_582 = arith.addi %scan3A_258, %scan3A_581 : i32
          %mul3A_583 = arith.constant 4 : i32
          %mul3A_584 = arith.muli %scan3A_582, %mul3A_583 : i32
          %xor3A_585 = vector.broadcast %mul3A_584 : i32 to vector<16xi32>
          %xor3A_586 = arith.xori %xor3A_585, %iota3A : vector<16xi32>
          %gather3A_587 = tpu.vector_load_idx %arg9[%add3A_241, %xor3A_586] : memref<80x64xi32, #tpu.memory_space<vmem>>[vector<16xi32>, vector<16xi32>], vector<16xi32>,
          %gather3A_588 = tpu.vector_load_idx %arg10[%add3A_241, %xor3A_586] : memref<80x64xi32, #tpu.memory_space<vmem>>[vector<16xi32>, vector<16xi32>], vector<16xi32>,
          %bitcast3A_589 = vector.bitcast %gather3A_587 : vector<16xi32> to vector<32xbf16>
          %bitcast3A_590 = vector.bitcast %gather3A_588 : vector<16xi32> to vector<32xbf16>
          %mul3A_591 = arith.mulf %bitcast3A_589, %bitcast3A_590 : vector<32xbf16>
          %unpack3A_592 = tpu.unpack_subelements %mul3A_591, 0 {pack_format = #tpu.pack_format<interleaved>} : vector<32xbf16> -> vector<16xf32>
          %unpack3A_593 = tpu.unpack_subelements %mul3A_591, 1 {pack_format = #tpu.pack_format<interleaved>} : vector<32xbf16> -> vector<16xf32>
          %add3A_594 = arith.addf %unpack3A_592, %unpack3A_593 : vector<16xf32>
          %add3A_595 = arith.addf %add3A_541, %add3A_594 : vector<16xf32>
          %add3A_596 = arith.constant 1 : i32
          %add3A_597 = arith.addi %mul3A_584, %add3A_596 : i32
          %xor3A_598 = vector.broadcast %add3A_597 : i32 to vector<16xi32>
          %xor3A_599 = arith.xori %xor3A_598, %iota3A : vector<16xi32>
          %gather3A_600 = tpu.vector_load_idx %arg9[%add3A_241, %xor3A_599] : memref<80x64xi32, #tpu.memory_space<vmem>>[vector<16xi32>, vector<16xi32>], vector<16xi32>,
          %gather3A_601 = tpu.vector_load_idx %arg10[%add3A_241, %xor3A_599] : memref<80x64xi32, #tpu.memory_space<vmem>>[vector<16xi32>, vector<16xi32>], vector<16xi32>,
          %bitcast3A_602 = vector.bitcast %gather3A_600 : vector<16xi32> to vector<32xbf16>
          %bitcast3A_603 = vector.bitcast %gather3A_601 : vector<16xi32> to vector<32xbf16>
          %mul3A_604 = arith.mulf %bitcast3A_602, %bitcast3A_603 : vector<32xbf16>
          %unpack3A_605 = tpu.unpack_subelements %mul3A_604, 0 {pack_format = #tpu.pack_format<interleaved>} : vector<32xbf16> -> vector<16xf32>
          %unpack3A_606 = tpu.unpack_subelements %mul3A_604, 1 {pack_format = #tpu.pack_format<interleaved>} : vector<32xbf16> -> vector<16xf32>
          %add3A_607 = arith.addf %unpack3A_605, %unpack3A_606 : vector<16xf32>
          %add3A_608 = arith.addf %add3A_554, %add3A_607 : vector<16xf32>
          %add3A_609 = arith.constant 2 : i32
          %add3A_610 = arith.addi %mul3A_584, %add3A_609 : i32
          %xor3A_611 = vector.broadcast %add3A_610 : i32 to vector<16xi32>
          %xor3A_612 = arith.xori %xor3A_611, %iota3A : vector<16xi32>
          %gather3A_613 = tpu.vector_load_idx %arg9[%add3A_241, %xor3A_612] : memref<80x64xi32, #tpu.memory_space<vmem>>[vector<16xi32>, vector<16xi32>], vector<16xi32>,
          %gather3A_614 = tpu.vector_load_idx %arg10[%add3A_241, %xor3A_612] : memref<80x64xi32, #tpu.memory_space<vmem>>[vector<16xi32>, vector<16xi32>], vector<16xi32>,
          %bitcast3A_615 = vector.bitcast %gather3A_613 : vector<16xi32> to vector<32xbf16>
          %bitcast3A_616 = vector.bitcast %gather3A_614 : vector<16xi32> to vector<32xbf16>
          %mul3A_617 = arith.mulf %bitcast3A_615, %bitcast3A_616 : vector<32xbf16>
          %unpack3A_618 = tpu.unpack_subelements %mul3A_617, 0 {pack_format = #tpu.pack_format<interleaved>} : vector<32xbf16> -> vector<16xf32>
          %unpack3A_619 = tpu.unpack_subelements %mul3A_617, 1 {pack_format = #tpu.pack_format<interleaved>} : vector<32xbf16> -> vector<16xf32>
          %add3A_620 = arith.addf %unpack3A_618, %unpack3A_619 : vector<16xf32>
          %add3A_621 = arith.addf %add3A_567, %add3A_620 : vector<16xf32>
          %add3A_622 = arith.constant 3 : i32
          %add3A_623 = arith.addi %mul3A_584, %add3A_622 : i32
          %xor3A_624 = vector.broadcast %add3A_623 : i32 to vector<16xi32>
          %xor3A_625 = arith.xori %xor3A_624, %iota3A : vector<16xi32>
          %gather3A_626 = tpu.vector_load_idx %arg9[%add3A_241, %xor3A_625] : memref<80x64xi32, #tpu.memory_space<vmem>>[vector<16xi32>, vector<16xi32>], vector<16xi32>,
          %gather3A_627 = tpu.vector_load_idx %arg10[%add3A_241, %xor3A_625] : memref<80x64xi32, #tpu.memory_space<vmem>>[vector<16xi32>, vector<16xi32>], vector<16xi32>,
          %bitcast3A_628 = vector.bitcast %gather3A_626 : vector<16xi32> to vector<32xbf16>
          %bitcast3A_629 = vector.bitcast %gather3A_627 : vector<16xi32> to vector<32xbf16>
          %mul3A_630 = arith.mulf %bitcast3A_628, %bitcast3A_629 : vector<32xbf16>
          %unpack3A_631 = tpu.unpack_subelements %mul3A_630, 0 {pack_format = #tpu.pack_format<interleaved>} : vector<32xbf16> -> vector<16xf32>
          %unpack3A_632 = tpu.unpack_subelements %mul3A_630, 1 {pack_format = #tpu.pack_format<interleaved>} : vector<32xbf16> -> vector<16xf32>
          %add3A_633 = arith.addf %unpack3A_631, %unpack3A_632 : vector<16xf32>
          %add3A_634 = arith.addf %add3A_580, %add3A_633 : vector<16xf32>
          %scan3A_635 = arith.constant 7 : i32
          %scan3A_636 = arith.addi %scan3A_258, %scan3A_635 : i32
          %mul3A_637 = arith.constant 4 : i32
          %mul3A_638 = arith.muli %scan3A_636, %mul3A_637 : i32
          %xor3A_639 = vector.broadcast %mul3A_638 : i32 to vector<16xi32>
          %xor3A_640 = arith.xori %xor3A_639, %iota3A : vector<16xi32>
          %gather3A_641 = tpu.vector_load_idx %arg9[%add3A_241, %xor3A_640] : memref<80x64xi32, #tpu.memory_space<vmem>>[vector<16xi32>, vector<16xi32>], vector<16xi32>,
          %gather3A_642 = tpu.vector_load_idx %arg10[%add3A_241, %xor3A_640] : memref<80x64xi32, #tpu.memory_space<vmem>>[vector<16xi32>, vector<16xi32>], vector<16xi32>,
          %bitcast3A_643 = vector.bitcast %gather3A_641 : vector<16xi32> to vector<32xbf16>
          %bitcast3A_644 = vector.bitcast %gather3A_642 : vector<16xi32> to vector<32xbf16>
          %mul3A_645 = arith.mulf %bitcast3A_643, %bitcast3A_644 : vector<32xbf16>
          %unpack3A_646 = tpu.unpack_subelements %mul3A_645, 0 {pack_format = #tpu.pack_format<interleaved>} : vector<32xbf16> -> vector<16xf32>
          %unpack3A_647 = tpu.unpack_subelements %mul3A_645, 1 {pack_format = #tpu.pack_format<interleaved>} : vector<32xbf16> -> vector<16xf32>
          %add3A_648 = arith.addf %unpack3A_646, %unpack3A_647 : vector<16xf32>
          %add3A_649 = arith.addf %add3A_595, %add3A_648 : vector<16xf32>
          %add3A_650 = arith.constant 1 : i32
          %add3A_651 = arith.addi %mul3A_638, %add3A_650 : i32
          %xor3A_652 = vector.broadcast %add3A_651 : i32 to vector<16xi32>
          %xor3A_653 = arith.xori %xor3A_652, %iota3A : vector<16xi32>
          %gather3A_654 = tpu.vector_load_idx %arg9[%add3A_241, %xor3A_653] : memref<80x64xi32, #tpu.memory_space<vmem>>[vector<16xi32>, vector<16xi32>], vector<16xi32>,
          %gather3A_655 = tpu.vector_load_idx %arg10[%add3A_241, %xor3A_653] : memref<80x64xi32, #tpu.memory_space<vmem>>[vector<16xi32>, vector<16xi32>], vector<16xi32>,
          %bitcast3A_656 = vector.bitcast %gather3A_654 : vector<16xi32> to vector<32xbf16>
          %bitcast3A_657 = vector.bitcast %gather3A_655 : vector<16xi32> to vector<32xbf16>
          %mul3A_658 = arith.mulf %bitcast3A_656, %bitcast3A_657 : vector<32xbf16>
          %unpack3A_659 = tpu.unpack_subelements %mul3A_658, 0 {pack_format = #tpu.pack_format<interleaved>} : vector<32xbf16> -> vector<16xf32>
          %unpack3A_660 = tpu.unpack_subelements %mul3A_658, 1 {pack_format = #tpu.pack_format<interleaved>} : vector<32xbf16> -> vector<16xf32>
          %add3A_661 = arith.addf %unpack3A_659, %unpack3A_660 : vector<16xf32>
          %add3A_662 = arith.addf %add3A_608, %add3A_661 : vector<16xf32>
          %add3A_663 = arith.constant 2 : i32
          %add3A_664 = arith.addi %mul3A_638, %add3A_663 : i32
          %xor3A_665 = vector.broadcast %add3A_664 : i32 to vector<16xi32>
          %xor3A_666 = arith.xori %xor3A_665, %iota3A : vector<16xi32>
          %gather3A_667 = tpu.vector_load_idx %arg9[%add3A_241, %xor3A_666] : memref<80x64xi32, #tpu.memory_space<vmem>>[vector<16xi32>, vector<16xi32>], vector<16xi32>,
          %gather3A_668 = tpu.vector_load_idx %arg10[%add3A_241, %xor3A_666] : memref<80x64xi32, #tpu.memory_space<vmem>>[vector<16xi32>, vector<16xi32>], vector<16xi32>,
          %bitcast3A_669 = vector.bitcast %gather3A_667 : vector<16xi32> to vector<32xbf16>
          %bitcast3A_670 = vector.bitcast %gather3A_668 : vector<16xi32> to vector<32xbf16>
          %mul3A_671 = arith.mulf %bitcast3A_669, %bitcast3A_670 : vector<32xbf16>
          %unpack3A_672 = tpu.unpack_subelements %mul3A_671, 0 {pack_format = #tpu.pack_format<interleaved>} : vector<32xbf16> -> vector<16xf32>
          %unpack3A_673 = tpu.unpack_subelements %mul3A_671, 1 {pack_format = #tpu.pack_format<interleaved>} : vector<32xbf16> -> vector<16xf32>
          %add3A_674 = arith.addf %unpack3A_672, %unpack3A_673 : vector<16xf32>
          %add3A_675 = arith.addf %add3A_621, %add3A_674 : vector<16xf32>
          %add3A_676 = arith.constant 3 : i32
          %add3A_677 = arith.addi %mul3A_638, %add3A_676 : i32
          %xor3A_678 = vector.broadcast %add3A_677 : i32 to vector<16xi32>
          %xor3A_679 = arith.xori %xor3A_678, %iota3A : vector<16xi32>
          %gather3A_680 = tpu.vector_load_idx %arg9[%add3A_241, %xor3A_679] : memref<80x64xi32, #tpu.memory_space<vmem>>[vector<16xi32>, vector<16xi32>], vector<16xi32>,
          %gather3A_681 = tpu.vector_load_idx %arg10[%add3A_241, %xor3A_679] : memref<80x64xi32, #tpu.memory_space<vmem>>[vector<16xi32>, vector<16xi32>], vector<16xi32>,
          %bitcast3A_682 = vector.bitcast %gather3A_680 : vector<16xi32> to vector<32xbf16>
          %bitcast3A_683 = vector.bitcast %gather3A_681 : vector<16xi32> to vector<32xbf16>
          %mul3A_684 = arith.mulf %bitcast3A_682, %bitcast3A_683 : vector<32xbf16>
          %unpack3A_685 = tpu.unpack_subelements %mul3A_684, 0 {pack_format = #tpu.pack_format<interleaved>} : vector<32xbf16> -> vector<16xf32>
          %unpack3A_686 = tpu.unpack_subelements %mul3A_684, 1 {pack_format = #tpu.pack_format<interleaved>} : vector<32xbf16> -> vector<16xf32>
          %add3A_687 = arith.addf %unpack3A_685, %unpack3A_686 : vector<16xf32>
          %add3A_688 = arith.addf %add3A_634, %add3A_687 : vector<16xf32>
          scf.yield %add3A_649, %add3A_662, %add3A_675, %add3A_688 : vector<16xf32>, vector<16xf32>, vector<16xf32>, vector<16xf32>
        }
        %scan3A_248 = arith.constant 16 : i32
        %add3A_249 = arith.addf %scan3A_247#0, %scan3A_247#1 : vector<16xf32>
        %add3A_250 = arith.addf %scan3A_247#2, %scan3A_247#3 : vector<16xf32>
        %add3A_251 = arith.addf %add3A_249, %add3A_250 : vector<16xf32>
        %mul3A_252 = arith.constant 80 : i32
        %mul3A_253 = arith.muli %add3A_230, %mul3A_252 : i32
        %mul3A_254 = arith.constant 16 : i32
        %mul3A_255 = arith.muli %scan3A_237, %mul3A_254 : i32
        %add3A_256 = arith.addi %mul3A_253, %mul3A_255 : i32
        %swap3A = arith.index_cast %add3A_256 : i32 to index
        %swap3A_257 = tpu.vector_load %arg11[%swap3A] {strides = array<i32>} : memref<10000xf32, #tpu.memory_space<vmem>>, vector<16xf32>,
        tpu.vector_store %arg11[%swap3A], %add3A_251 {strides = array<i32>} : memref<10000xf32, #tpu.memory_space<vmem>>, vector<16xf32>,
      }
      %scan3A_236 = arith.constant 5 : i32
    }
    %scan3A_40 = arith.constant 62 : i32
    %dma_wait3A = arith.constant 0 : i32
    %dma_wait3A_41 = arith.constant 0 : i32
    %dma_wait3A_42 = tpu.memref_slice %arg7[%dma_wait3A, %dma_wait3A_41] : memref<80x64xi32, #tpu.memory_space<vmem>> -> memref<40x64xi32, #tpu.memory_space<vmem>>
    %dma_wait3A_43 = arith.constant 9920 : i32
    %dma_wait3A_44 = tpu.memref_slice %arg5[%dma_wait3A_43] : memref<10000xi32, #tpu.memory_space<vmem>> -> memref<40xi32, #tpu.memory_space<vmem>>
    %dma_wait3A_45 = arith.constant 0 : i32
    %dma_wait3A_46 = arith.constant 0 : i32
    %dma_wait3A_47 = tpu.memref_slice %arg2[%dma_wait3A_45, %dma_wait3A_46] : memref<10000x64xi32, #tpu.memory_space<hbm>> -> memref<10000x64xi32, #tpu.memory_space<hbm>>
    tpu.wait_indirect_dma semaphore(%arg12 : memref<!tpu.dma_semaphore, #tpu.memory_space<semaphore_mem>>) src(%dma_wait3A_47 : memref<10000x64xi32, #tpu.memory_space<hbm>>) dst(%dma_wait3A_42 : memref<40x64xi32, #tpu.memory_space<vmem>>)
    %dma_wait3A_48 = arith.constant 40 : i32
    %dma_wait3A_49 = arith.constant 0 : i32
    %dma_wait3A_50 = tpu.memref_slice %arg7[%dma_wait3A_48, %dma_wait3A_49] : memref<80x64xi32, #tpu.memory_space<vmem>> -> memref<40x64xi32, #tpu.memory_space<vmem>>
    %dma_wait3A_51 = arith.constant 9960 : i32
    %dma_wait3A_52 = tpu.memref_slice %arg5[%dma_wait3A_51] : memref<10000xi32, #tpu.memory_space<vmem>> -> memref<40xi32, #tpu.memory_space<vmem>>
    %dma_wait3A_53 = arith.constant 0 : i32
    %dma_wait3A_54 = arith.constant 0 : i32
    %dma_wait3A_55 = tpu.memref_slice %arg2[%dma_wait3A_53, %dma_wait3A_54] : memref<10000x64xi32, #tpu.memory_space<hbm>> -> memref<10000x64xi32, #tpu.memory_space<hbm>>
    tpu.wait_indirect_dma semaphore(%arg12 : memref<!tpu.dma_semaphore, #tpu.memory_space<semaphore_mem>>) src(%dma_wait3A_55 : memref<10000x64xi32, #tpu.memory_space<hbm>>) dst(%dma_wait3A_50 : memref<40x64xi32, #tpu.memory_space<vmem>>)
    %dma_wait3A_56 = arith.constant 0 : i32
    %dma_wait3A_57 = arith.constant 0 : i32
    %dma_wait3A_58 = tpu.memref_slice %arg8[%dma_wait3A_56, %dma_wait3A_57] : memref<80x64xi32, #tpu.memory_space<vmem>> -> memref<40x64xi32, #tpu.memory_space<vmem>>
    %dma_wait3A_59 = arith.constant 9920 : i32
    %dma_wait3A_60 = tpu.memref_slice %arg6[%dma_wait3A_59] : memref<10000xi32, #tpu.memory_space<vmem>> -> memref<40xi32, #tpu.memory_space<vmem>>
    %dma_wait3A_61 = arith.constant 0 : i32
    %dma_wait3A_62 = arith.constant 0 : i32
    %dma_wait3A_63 = tpu.memref_slice %arg2[%dma_wait3A_61, %dma_wait3A_62] : memref<10000x64xi32, #tpu.memory_space<hbm>> -> memref<10000x64xi32, #tpu.memory_space<hbm>>
    tpu.wait_indirect_dma semaphore(%arg13 : memref<!tpu.dma_semaphore, #tpu.memory_space<semaphore_mem>>) src(%dma_wait3A_63 : memref<10000x64xi32, #tpu.memory_space<hbm>>) dst(%dma_wait3A_58 : memref<40x64xi32, #tpu.memory_space<vmem>>)
    %dma_wait3A_64 = arith.constant 40 : i32
    %dma_wait3A_65 = arith.constant 0 : i32
    %dma_wait3A_66 = tpu.memref_slice %arg8[%dma_wait3A_64, %dma_wait3A_65] : memref<80x64xi32, #tpu.memory_space<vmem>> -> memref<40x64xi32, #tpu.memory_space<vmem>>
    %dma_wait3A_67 = arith.constant 9960 : i32
    %dma_wait3A_68 = tpu.memref_slice %arg6[%dma_wait3A_67] : memref<10000xi32, #tpu.memory_space<vmem>> -> memref<40xi32, #tpu.memory_space<vmem>>
    %dma_wait3A_69 = arith.constant 0 : i32
    %dma_wait3A_70 = arith.constant 0 : i32
    %dma_wait3A_71 = tpu.memref_slice %arg2[%dma_wait3A_69, %dma_wait3A_70] : memref<10000x64xi32, #tpu.memory_space<hbm>> -> memref<10000x64xi32, #tpu.memory_space<hbm>>
    tpu.wait_indirect_dma semaphore(%arg13 : memref<!tpu.dma_semaphore, #tpu.memory_space<semaphore_mem>>) src(%dma_wait3A_71 : memref<10000x64xi32, #tpu.memory_space<hbm>>) dst(%dma_wait3A_66 : memref<40x64xi32, #tpu.memory_space<vmem>>)
    %scan3A_72 = arith.constant 0 : i32
    %scan3A_73 = arith.constant 0 : i32
    %scan3A_74 = arith.constant 5 : i32
    %scan3A_75 = arith.addi %scan3A_73, %scan3A_74 : i32
    %scan3A_76 = arith.constant 1 : i32
    scf.for %scan3A_78 = %scan3A_73 to %scan3A_75 step %scan3A_76  : i32 {
      %mul3A_79 = arith.constant 16 : i32
      %mul3A_80 = arith.muli %scan3A_78, %mul3A_79 : i32
      %add3A_81 = vector.broadcast %mul3A_80 : i32 to vector<16xi32>
      %add3A_82 = arith.addi %add3A_81, %iota3A : vector<16xi32>
      %broadcast_in_dim3A = arith.constant 0.000000e+00 : f32
      %broadcast_in_dim3A_83 = vector.broadcast %broadcast_in_dim3A : f32 to vector<16xf32>
      %scan3A_84 = arith.constant 0 : i32
      %scan3A_85 = arith.constant 16 : i32
      %scan3A_86 = arith.addi %scan3A_84, %scan3A_85 : i32
      %scan3A_87 = arith.constant 8 : i32
      %scan3A_88:4 = scf.for %scan3A_98 = %scan3A_84 to %scan3A_86 step %scan3A_87 iter_args(%scan3A_99 = %broadcast_in_dim3A_83, %scan3A_100 = %broadcast_in_dim3A_83, %scan3A_101 = %broadcast_in_dim3A_83, %scan3A_102 = %broadcast_in_dim3A_83) -> (vector<16xf32>, vector<16xf32>, vector<16xf32>, vector<16xf32>)  : i32 {
        %mul3A_103 = arith.constant 4 : i32
        %mul3A_104 = arith.muli %scan3A_98, %mul3A_103 : i32
        %xor3A = vector.broadcast %mul3A_104 : i32 to vector<16xi32>
        %xor3A_105 = arith.xori %xor3A, %iota3A : vector<16xi32>
        %gather3A = tpu.vector_load_idx %arg7[%add3A_82, %xor3A_105] : memref<80x64xi32, #tpu.memory_space<vmem>>[vector<16xi32>, vector<16xi32>], vector<16xi32>,
        %gather3A_106 = tpu.vector_load_idx %arg8[%add3A_82, %xor3A_105] : memref<80x64xi32, #tpu.memory_space<vmem>>[vector<16xi32>, vector<16xi32>], vector<16xi32>,
        %bitcast3A = vector.bitcast %gather3A : vector<16xi32> to vector<32xbf16>
        %bitcast3A_107 = vector.bitcast %gather3A_106 : vector<16xi32> to vector<32xbf16>
        %mul3A_108 = arith.mulf %bitcast3A, %bitcast3A_107 : vector<32xbf16>
        %unpack3A = tpu.unpack_subelements %mul3A_108, 0 {pack_format = #tpu.pack_format<interleaved>} : vector<32xbf16> -> vector<16xf32>
        %unpack3A_109 = tpu.unpack_subelements %mul3A_108, 1 {pack_format = #tpu.pack_format<interleaved>} : vector<32xbf16> -> vector<16xf32>
        %add3A_110 = arith.addf %unpack3A, %unpack3A_109 : vector<16xf32>
        %add3A_111 = arith.addf %scan3A_99, %add3A_110 : vector<16xf32>
        %add3A_112 = arith.constant 1 : i32
        %add3A_113 = arith.addi %mul3A_104, %add3A_112 : i32
        %xor3A_114 = vector.broadcast %add3A_113 : i32 to vector<16xi32>
        %xor3A_115 = arith.xori %xor3A_114, %iota3A : vector<16xi32>
        %gather3A_116 = tpu.vector_load_idx %arg7[%add3A_82, %xor3A_115] : memref<80x64xi32, #tpu.memory_space<vmem>>[vector<16xi32>, vector<16xi32>], vector<16xi32>,
        %gather3A_117 = tpu.vector_load_idx %arg8[%add3A_82, %xor3A_115] : memref<80x64xi32, #tpu.memory_space<vmem>>[vector<16xi32>, vector<16xi32>], vector<16xi32>,
        %bitcast3A_118 = vector.bitcast %gather3A_116 : vector<16xi32> to vector<32xbf16>
        %bitcast3A_119 = vector.bitcast %gather3A_117 : vector<16xi32> to vector<32xbf16>
        %mul3A_120 = arith.mulf %bitcast3A_118, %bitcast3A_119 : vector<32xbf16>
        %unpack3A_121 = tpu.unpack_subelements %mul3A_120, 0 {pack_format = #tpu.pack_format<interleaved>} : vector<32xbf16> -> vector<16xf32>
        %unpack3A_122 = tpu.unpack_subelements %mul3A_120, 1 {pack_format = #tpu.pack_format<interleaved>} : vector<32xbf16> -> vector<16xf32>
        %add3A_123 = arith.addf %unpack3A_121, %unpack3A_122 : vector<16xf32>
        %add3A_124 = arith.addf %scan3A_100, %add3A_123 : vector<16xf32>
        %add3A_125 = arith.constant 2 : i32
        %add3A_126 = arith.addi %mul3A_104, %add3A_125 : i32
        %xor3A_127 = vector.broadcast %add3A_126 : i32 to vector<16xi32>
        %xor3A_128 = arith.xori %xor3A_127, %iota3A : vector<16xi32>
        %gather3A_129 = tpu.vector_load_idx %arg7[%add3A_82, %xor3A_128] : memref<80x64xi32, #tpu.memory_space<vmem>>[vector<16xi32>, vector<16xi32>], vector<16xi32>,
        %gather3A_130 = tpu.vector_load_idx %arg8[%add3A_82, %xor3A_128] : memref<80x64xi32, #tpu.memory_space<vmem>>[vector<16xi32>, vector<16xi32>], vector<16xi32>,
        %bitcast3A_131 = vector.bitcast %gather3A_129 : vector<16xi32> to vector<32xbf16>
        %bitcast3A_132 = vector.bitcast %gather3A_130 : vector<16xi32> to vector<32xbf16>
        %mul3A_133 = arith.mulf %bitcast3A_131, %bitcast3A_132 : vector<32xbf16>
        %unpack3A_134 = tpu.unpack_subelements %mul3A_133, 0 {pack_format = #tpu.pack_format<interleaved>} : vector<32xbf16> -> vector<16xf32>
        %unpack3A_135 = tpu.unpack_subelements %mul3A_133, 1 {pack_format = #tpu.pack_format<interleaved>} : vector<32xbf16> -> vector<16xf32>
        %add3A_136 = arith.addf %unpack3A_134, %unpack3A_135 : vector<16xf32>
        %add3A_137 = arith.addf %scan3A_101, %add3A_136 : vector<16xf32>
        %add3A_138 = arith.constant 3 : i32
        %add3A_139 = arith.addi %mul3A_104, %add3A_138 : i32
        %xor3A_140 = vector.broadcast %add3A_139 : i32 to vector<16xi32>
        %xor3A_141 = arith.xori %xor3A_140, %iota3A : vector<16xi32>
        %gather3A_142 = tpu.vector_load_idx %arg7[%add3A_82, %xor3A_141] : memref<80x64xi32, #tpu.memory_space<vmem>>[vector<16xi32>, vector<16xi32>], vector<16xi32>,
        %gather3A_143 = tpu.vector_load_idx %arg8[%add3A_82, %xor3A_141] : memref<80x64xi32, #tpu.memory_space<vmem>>[vector<16xi32>, vector<16xi32>], vector<16xi32>,
        %bitcast3A_144 = vector.bitcast %gather3A_142 : vector<16xi32> to vector<32xbf16>
        %bitcast3A_145 = vector.bitcast %gather3A_143 : vector<16xi32> to vector<32xbf16>
        %mul3A_146 = arith.mulf %bitcast3A_144, %bitcast3A_145 : vector<32xbf16>
        %unpack3A_147 = tpu.unpack_subelements %mul3A_146, 0 {pack_format = #tpu.pack_format<interleaved>} : vector<32xbf16> -> vector<16xf32>
        %unpack3A_148 = tpu.unpack_subelements %mul3A_146, 1 {pack_format = #tpu.pack_format<interleaved>} : vector<32xbf16> -> vector<16xf32>
        %add3A_149 = arith.addf %unpack3A_147, %unpack3A_148 : vector<16xf32>
        %add3A_150 = arith.addf %scan3A_102, %add3A_149 : vector<16xf32>
        %scan3A_151 = arith.constant 1 : i32
        %scan3A_152 = arith.addi %scan3A_98, %scan3A_151 : i32
        %mul3A_153 = arith.constant 4 : i32
        %mul3A_154 = arith.muli %scan3A_152, %mul3A_153 : i32
        %xor3A_155 = vector.broadcast %mul3A_154 : i32 to vector<16xi32>
        %xor3A_156 = arith.xori %xor3A_155, %iota3A : vector<16xi32>
        %gather3A_157 = tpu.vector_load_idx %arg7[%add3A_82, %xor3A_156] : memref<80x64xi32, #tpu.memory_space<vmem>>[vector<16xi32>, vector<16xi32>], vector<16xi32>,
        %gather3A_158 = tpu.vector_load_idx %arg8[%add3A_82, %xor3A_156] : memref<80x64xi32, #tpu.memory_space<vmem>>[vector<16xi32>, vector<16xi32>], vector<16xi32>,
        %bitcast3A_159 = vector.bitcast %gather3A_157 : vector<16xi32> to vector<32xbf16>
        %bitcast3A_160 = vector.bitcast %gather3A_158 : vector<16xi32> to vector<32xbf16>
        %mul3A_161 = arith.mulf %bitcast3A_159, %bitcast3A_160 : vector<32xbf16>
        %unpack3A_162 = tpu.unpack_subelements %mul3A_161, 0 {pack_format = #tpu.pack_format<interleaved>} : vector<32xbf16> -> vector<16xf32>
        %unpack3A_163 = tpu.unpack_subelements %mul3A_161, 1 {pack_format = #tpu.pack_format<interleaved>} : vector<32xbf16> -> vector<16xf32>
        %add3A_164 = arith.addf %unpack3A_162, %unpack3A_163 : vector<16xf32>
        %add3A_165 = arith.addf %add3A_111, %add3A_164 : vector<16xf32>
        %add3A_166 = arith.constant 1 : i32
        %add3A_167 = arith.addi %mul3A_154, %add3A_166 : i32
        %xor3A_168 = vector.broadcast %add3A_167 : i32 to vector<16xi32>
        %xor3A_169 = arith.xori %xor3A_168, %iota3A : vector<16xi32>
        %gather3A_170 = tpu.vector_load_idx %arg7[%add3A_82, %xor3A_169] : memref<80x64xi32, #tpu.memory_space<vmem>>[vector<16xi32>, vector<16xi32>], vector<16xi32>,
        %gather3A_171 = tpu.vector_load_idx %arg8[%add3A_82, %xor3A_169] : memref<80x64xi32, #tpu.memory_space<vmem>>[vector<16xi32>, vector<16xi32>], vector<16xi32>,
        %bitcast3A_172 = vector.bitcast %gather3A_170 : vector<16xi32> to vector<32xbf16>
        %bitcast3A_173 = vector.bitcast %gather3A_171 : vector<16xi32> to vector<32xbf16>
        %mul3A_174 = arith.mulf %bitcast3A_172, %bitcast3A_173 : vector<32xbf16>
        %unpack3A_175 = tpu.unpack_subelements %mul3A_174, 0 {pack_format = #tpu.pack_format<interleaved>} : vector<32xbf16> -> vector<16xf32>
        %unpack3A_176 = tpu.unpack_subelements %mul3A_174, 1 {pack_format = #tpu.pack_format<interleaved>} : vector<32xbf16> -> vector<16xf32>
        %add3A_177 = arith.addf %unpack3A_175, %unpack3A_176 : vector<16xf32>
        %add3A_178 = arith.addf %add3A_124, %add3A_177 : vector<16xf32>
        %add3A_179 = arith.constant 2 : i32
        %add3A_180 = arith.addi %mul3A_154, %add3A_179 : i32
        %xor3A_181 = vector.broadcast %add3A_180 : i32 to vector<16xi32>
        %xor3A_182 = arith.xori %xor3A_181, %iota3A : vector<16xi32>
        %gather3A_183 = tpu.vector_load_idx %arg7[%add3A_82, %xor3A_182] : memref<80x64xi32, #tpu.memory_space<vmem>>[vector<16xi32>, vector<16xi32>], vector<16xi32>,
        %gather3A_184 = tpu.vector_load_idx %arg8[%add3A_82, %xor3A_182] : memref<80x64xi32, #tpu.memory_space<vmem>>[vector<16xi32>, vector<16xi32>], vector<16xi32>,
        %bitcast3A_185 = vector.bitcast %gather3A_183 : vector<16xi32> to vector<32xbf16>
        %bitcast3A_186 = vector.bitcast %gather3A_184 : vector<16xi32> to vector<32xbf16>
        %mul3A_187 = arith.mulf %bitcast3A_185, %bitcast3A_186 : vector<32xbf16>
        %unpack3A_188 = tpu.unpack_subelements %mul3A_187, 0 {pack_format = #tpu.pack_format<interleaved>} : vector<32xbf16> -> vector<16xf32>
        %unpack3A_189 = tpu.unpack_subelements %mul3A_187, 1 {pack_format = #tpu.pack_format<interleaved>} : vector<32xbf16> -> vector<16xf32>
        %add3A_190 = arith.addf %unpack3A_188, %unpack3A_189 : vector<16xf32>
        %add3A_191 = arith.addf %add3A_137, %add3A_190 : vector<16xf32>
        %add3A_192 = arith.constant 3 : i32
        %add3A_193 = arith.addi %mul3A_154, %add3A_192 : i32
        %xor3A_194 = vector.broadcast %add3A_193 : i32 to vector<16xi32>
        %xor3A_195 = arith.xori %xor3A_194, %iota3A : vector<16xi32>
        %gather3A_196 = tpu.vector_load_idx %arg7[%add3A_82, %xor3A_195] : memref<80x64xi32, #tpu.memory_space<vmem>>[vector<16xi32>, vector<16xi32>], vector<16xi32>,
        %gather3A_197 = tpu.vector_load_idx %arg8[%add3A_82, %xor3A_195] : memref<80x64xi32, #tpu.memory_space<vmem>>[vector<16xi32>, vector<16xi32>], vector<16xi32>,
        %bitcast3A_198 = vector.bitcast %gather3A_196 : vector<16xi32> to vector<32xbf16>
        %bitcast3A_199 = vector.bitcast %gather3A_197 : vector<16xi32> to vector<32xbf16>
        %mul3A_200 = arith.mulf %bitcast3A_198, %bitcast3A_199 : vector<32xbf16>
        %unpack3A_201 = tpu.unpack_subelements %mul3A_200, 0 {pack_format = #tpu.pack_format<interleaved>} : vector<32xbf16> -> vector<16xf32>
        %unpack3A_202 = tpu.unpack_subelements %mul3A_200, 1 {pack_format = #tpu.pack_format<interleaved>} : vector<32xbf16> -> vector<16xf32>
        %add3A_203 = arith.addf %unpack3A_201, %unpack3A_202 : vector<16xf32>
        %add3A_204 = arith.addf %add3A_150, %add3A_203 : vector<16xf32>
        %scan3A_205 = arith.constant 2 : i32
        %scan3A_206 = arith.addi %scan3A_98, %scan3A_205 : i32
        %mul3A_207 = arith.constant 4 : i32
        %mul3A_208 = arith.muli %scan3A_206, %mul3A_207 : i32
        %xor3A_209 = vector.broadcast %mul3A_208 : i32 to vector<16xi32>
        %xor3A_210 = arith.xori %xor3A_209, %iota3A : vector<16xi32>
        %gather3A_211 = tpu.vector_load_idx %arg7[%add3A_82, %xor3A_210] : memref<80x64xi32, #tpu.memory_space<vmem>>[vector<16xi32>, vector<16xi32>], vector<16xi32>,
        %gather3A_212 = tpu.vector_load_idx %arg8[%add3A_82, %xor3A_210] : memref<80x64xi32, #tpu.memory_space<vmem>>[vector<16xi32>, vector<16xi32>], vector<16xi32>,
        %bitcast3A_213 = vector.bitcast %gather3A_211 : vector<16xi32> to vector<32xbf16>
        %bitcast3A_214 = vector.bitcast %gather3A_212 : vector<16xi32> to vector<32xbf16>
        %mul3A_215 = arith.mulf %bitcast3A_213, %bitcast3A_214 : vector<32xbf16>
        %unpack3A_216 = tpu.unpack_subelements %mul3A_215, 0 {pack_format = #tpu.pack_format<interleaved>} : vector<32xbf16> -> vector<16xf32>
        %unpack3A_217 = tpu.unpack_subelements %mul3A_215, 1 {pack_format = #tpu.pack_format<interleaved>} : vector<32xbf16> -> vector<16xf32>
        %add3A_218 = arith.addf %unpack3A_216, %unpack3A_217 : vector<16xf32>
        %add3A_219 = arith.addf %add3A_165, %add3A_218 : vector<16xf32>
        %add3A_220 = arith.constant 1 : i32
        %add3A_221 = arith.addi %mul3A_208, %add3A_220 : i32
        %xor3A_222 = vector.broadcast %add3A_221 : i32 to vector<16xi32>
        %xor3A_223 = arith.xori %xor3A_222, %iota3A : vector<16xi32>
        %gather3A_224 = tpu.vector_load_idx %arg7[%add3A_82, %xor3A_223] : memref<80x64xi32, #tpu.memory_space<vmem>>[vector<16xi32>, vector<16xi32>], vector<16xi32>,
        %gather3A_225 = tpu.vector_load_idx %arg8[%add3A_82, %xor3A_223] : memref<80x64xi32, #tpu.memory_space<vmem>>[vector<16xi32>, vector<16xi32>], vector<16xi32>,
        %bitcast3A_226 = vector.bitcast %gather3A_224 : vector<16xi32> to vector<32xbf16>
        %bitcast3A_227 = vector.bitcast %gather3A_225 : vector<16xi32> to vector<32xbf16>
        %mul3A_228 = arith.mulf %bitcast3A_226, %bitcast3A_227 : vector<32xbf16>
        %unpack3A_229 = tpu.unpack_subelements %mul3A_228, 0 {pack_format = #tpu.pack_format<interleaved>} : vector<32xbf16> -> vector<16xf32>
        %unpack3A_230 = tpu.unpack_subelements %mul3A_228, 1 {pack_format = #tpu.pack_format<interleaved>} : vector<32xbf16> -> vector<16xf32>
        %add3A_231 = arith.addf %unpack3A_229, %unpack3A_230 : vector<16xf32>
        %add3A_232 = arith.addf %add3A_178, %add3A_231 : vector<16xf32>
        %add3A_233 = arith.constant 2 : i32
        %add3A_234 = arith.addi %mul3A_208, %add3A_233 : i32
        %xor3A_235 = vector.broadcast %add3A_234 : i32 to vector<16xi32>
        %xor3A_236 = arith.xori %xor3A_235, %iota3A : vector<16xi32>
        %gather3A_237 = tpu.vector_load_idx %arg7[%add3A_82, %xor3A_236] : memref<80x64xi32, #tpu.memory_space<vmem>>[vector<16xi32>, vector<16xi32>], vector<16xi32>,
        %gather3A_238 = tpu.vector_load_idx %arg8[%add3A_82, %xor3A_236] : memref<80x64xi32, #tpu.memory_space<vmem>>[vector<16xi32>, vector<16xi32>], vector<16xi32>,
        %bitcast3A_239 = vector.bitcast %gather3A_237 : vector<16xi32> to vector<32xbf16>
        %bitcast3A_240 = vector.bitcast %gather3A_238 : vector<16xi32> to vector<32xbf16>
        %mul3A_241 = arith.mulf %bitcast3A_239, %bitcast3A_240 : vector<32xbf16>
        %unpack3A_242 = tpu.unpack_subelements %mul3A_241, 0 {pack_format = #tpu.pack_format<interleaved>} : vector<32xbf16> -> vector<16xf32>
        %unpack3A_243 = tpu.unpack_subelements %mul3A_241, 1 {pack_format = #tpu.pack_format<interleaved>} : vector<32xbf16> -> vector<16xf32>
        %add3A_244 = arith.addf %unpack3A_242, %unpack3A_243 : vector<16xf32>
        %add3A_245 = arith.addf %add3A_191, %add3A_244 : vector<16xf32>
        %add3A_246 = arith.constant 3 : i32
        %add3A_247 = arith.addi %mul3A_208, %add3A_246 : i32
        %xor3A_248 = vector.broadcast %add3A_247 : i32 to vector<16xi32>
        %xor3A_249 = arith.xori %xor3A_248, %iota3A : vector<16xi32>
        %gather3A_250 = tpu.vector_load_idx %arg7[%add3A_82, %xor3A_249] : memref<80x64xi32, #tpu.memory_space<vmem>>[vector<16xi32>, vector<16xi32>], vector<16xi32>,
        %gather3A_251 = tpu.vector_load_idx %arg8[%add3A_82, %xor3A_249] : memref<80x64xi32, #tpu.memory_space<vmem>>[vector<16xi32>, vector<16xi32>], vector<16xi32>,
        %bitcast3A_252 = vector.bitcast %gather3A_250 : vector<16xi32> to vector<32xbf16>
        %bitcast3A_253 = vector.bitcast %gather3A_251 : vector<16xi32> to vector<32xbf16>
        %mul3A_254 = arith.mulf %bitcast3A_252, %bitcast3A_253 : vector<32xbf16>
        %unpack3A_255 = tpu.unpack_subelements %mul3A_254, 0 {pack_format = #tpu.pack_format<interleaved>} : vector<32xbf16> -> vector<16xf32>
        %unpack3A_256 = tpu.unpack_subelements %mul3A_254, 1 {pack_format = #tpu.pack_format<interleaved>} : vector<32xbf16> -> vector<16xf32>
        %add3A_257 = arith.addf %unpack3A_255, %unpack3A_256 : vector<16xf32>
        %add3A_258 = arith.addf %add3A_204, %add3A_257 : vector<16xf32>
        %scan3A_259 = arith.constant 3 : i32
        %scan3A_260 = arith.addi %scan3A_98, %scan3A_259 : i32
        %mul3A_261 = arith.constant 4 : i32
        %mul3A_262 = arith.muli %scan3A_260, %mul3A_261 : i32
        %xor3A_263 = vector.broadcast %mul3A_262 : i32 to vector<16xi32>
        %xor3A_264 = arith.xori %xor3A_263, %iota3A : vector<16xi32>
        %gather3A_265 = tpu.vector_load_idx %arg7[%add3A_82, %xor3A_264] : memref<80x64xi32, #tpu.memory_space<vmem>>[vector<16xi32>, vector<16xi32>], vector<16xi32>,
        %gather3A_266 = tpu.vector_load_idx %arg8[%add3A_82, %xor3A_264] : memref<80x64xi32, #tpu.memory_space<vmem>>[vector<16xi32>, vector<16xi32>], vector<16xi32>,
        %bitcast3A_267 = vector.bitcast %gather3A_265 : vector<16xi32> to vector<32xbf16>
        %bitcast3A_268 = vector.bitcast %gather3A_266 : vector<16xi32> to vector<32xbf16>
        %mul3A_269 = arith.mulf %bitcast3A_267, %bitcast3A_268 : vector<32xbf16>
        %unpack3A_270 = tpu.unpack_subelements %mul3A_269, 0 {pack_format = #tpu.pack_format<interleaved>} : vector<32xbf16> -> vector<16xf32>
        %unpack3A_271 = tpu.unpack_subelements %mul3A_269, 1 {pack_format = #tpu.pack_format<interleaved>} : vector<32xbf16> -> vector<16xf32>
        %add3A_272 = arith.addf %unpack3A_270, %unpack3A_271 : vector<16xf32>
        %add3A_273 = arith.addf %add3A_219, %add3A_272 : vector<16xf32>
        %add3A_274 = arith.constant 1 : i32
        %add3A_275 = arith.addi %mul3A_262, %add3A_274 : i32
        %xor3A_276 = vector.broadcast %add3A_275 : i32 to vector<16xi32>
        %xor3A_277 = arith.xori %xor3A_276, %iota3A : vector<16xi32>
        %gather3A_278 = tpu.vector_load_idx %arg7[%add3A_82, %xor3A_277] : memref<80x64xi32, #tpu.memory_space<vmem>>[vector<16xi32>, vector<16xi32>], vector<16xi32>,
        %gather3A_279 = tpu.vector_load_idx %arg8[%add3A_82, %xor3A_277] : memref<80x64xi32, #tpu.memory_space<vmem>>[vector<16xi32>, vector<16xi32>], vector<16xi32>,
        %bitcast3A_280 = vector.bitcast %gather3A_278 : vector<16xi32> to vector<32xbf16>
        %bitcast3A_281 = vector.bitcast %gather3A_279 : vector<16xi32> to vector<32xbf16>
        %mul3A_282 = arith.mulf %bitcast3A_280, %bitcast3A_281 : vector<32xbf16>
        %unpack3A_283 = tpu.unpack_subelements %mul3A_282, 0 {pack_format = #tpu.pack_format<interleaved>} : vector<32xbf16> -> vector<16xf32>
        %unpack3A_284 = tpu.unpack_subelements %mul3A_282, 1 {pack_format = #tpu.pack_format<interleaved>} : vector<32xbf16> -> vector<16xf32>
        %add3A_285 = arith.addf %unpack3A_283, %unpack3A_284 : vector<16xf32>
        %add3A_286 = arith.addf %add3A_232, %add3A_285 : vector<16xf32>
        %add3A_287 = arith.constant 2 : i32
        %add3A_288 = arith.addi %mul3A_262, %add3A_287 : i32
        %xor3A_289 = vector.broadcast %add3A_288 : i32 to vector<16xi32>
        %xor3A_290 = arith.xori %xor3A_289, %iota3A : vector<16xi32>
        %gather3A_291 = tpu.vector_load_idx %arg7[%add3A_82, %xor3A_290] : memref<80x64xi32, #tpu.memory_space<vmem>>[vector<16xi32>, vector<16xi32>], vector<16xi32>,
        %gather3A_292 = tpu.vector_load_idx %arg8[%add3A_82, %xor3A_290] : memref<80x64xi32, #tpu.memory_space<vmem>>[vector<16xi32>, vector<16xi32>], vector<16xi32>,
        %bitcast3A_293 = vector.bitcast %gather3A_291 : vector<16xi32> to vector<32xbf16>
        %bitcast3A_294 = vector.bitcast %gather3A_292 : vector<16xi32> to vector<32xbf16>
        %mul3A_295 = arith.mulf %bitcast3A_293, %bitcast3A_294 : vector<32xbf16>
        %unpack3A_296 = tpu.unpack_subelements %mul3A_295, 0 {pack_format = #tpu.pack_format<interleaved>} : vector<32xbf16> -> vector<16xf32>
        %unpack3A_297 = tpu.unpack_subelements %mul3A_295, 1 {pack_format = #tpu.pack_format<interleaved>} : vector<32xbf16> -> vector<16xf32>
        %add3A_298 = arith.addf %unpack3A_296, %unpack3A_297 : vector<16xf32>
        %add3A_299 = arith.addf %add3A_245, %add3A_298 : vector<16xf32>
        %add3A_300 = arith.constant 3 : i32
        %add3A_301 = arith.addi %mul3A_262, %add3A_300 : i32
        %xor3A_302 = vector.broadcast %add3A_301 : i32 to vector<16xi32>
        %xor3A_303 = arith.xori %xor3A_302, %iota3A : vector<16xi32>
        %gather3A_304 = tpu.vector_load_idx %arg7[%add3A_82, %xor3A_303] : memref<80x64xi32, #tpu.memory_space<vmem>>[vector<16xi32>, vector<16xi32>], vector<16xi32>,
        %gather3A_305 = tpu.vector_load_idx %arg8[%add3A_82, %xor3A_303] : memref<80x64xi32, #tpu.memory_space<vmem>>[vector<16xi32>, vector<16xi32>], vector<16xi32>,
        %bitcast3A_306 = vector.bitcast %gather3A_304 : vector<16xi32> to vector<32xbf16>
        %bitcast3A_307 = vector.bitcast %gather3A_305 : vector<16xi32> to vector<32xbf16>
        %mul3A_308 = arith.mulf %bitcast3A_306, %bitcast3A_307 : vector<32xbf16>
        %unpack3A_309 = tpu.unpack_subelements %mul3A_308, 0 {pack_format = #tpu.pack_format<interleaved>} : vector<32xbf16> -> vector<16xf32>
        %unpack3A_310 = tpu.unpack_subelements %mul3A_308, 1 {pack_format = #tpu.pack_format<interleaved>} : vector<32xbf16> -> vector<16xf32>
        %add3A_311 = arith.addf %unpack3A_309, %unpack3A_310 : vector<16xf32>
        %add3A_312 = arith.addf %add3A_258, %add3A_311 : vector<16xf32>
        %scan3A_313 = arith.constant 4 : i32
        %scan3A_314 = arith.addi %scan3A_98, %scan3A_313 : i32
        %mul3A_315 = arith.constant 4 : i32
        %mul3A_316 = arith.muli %scan3A_314, %mul3A_315 : i32
        %xor3A_317 = vector.broadcast %mul3A_316 : i32 to vector<16xi32>
        %xor3A_318 = arith.xori %xor3A_317, %iota3A : vector<16xi32>
        %gather3A_319 = tpu.vector_load_idx %arg7[%add3A_82, %xor3A_318] : memref<80x64xi32, #tpu.memory_space<vmem>>[vector<16xi32>, vector<16xi32>], vector<16xi32>,
        %gather3A_320 = tpu.vector_load_idx %arg8[%add3A_82, %xor3A_318] : memref<80x64xi32, #tpu.memory_space<vmem>>[vector<16xi32>, vector<16xi32>], vector<16xi32>,
        %bitcast3A_321 = vector.bitcast %gather3A_319 : vector<16xi32> to vector<32xbf16>
        %bitcast3A_322 = vector.bitcast %gather3A_320 : vector<16xi32> to vector<32xbf16>
        %mul3A_323 = arith.mulf %bitcast3A_321, %bitcast3A_322 : vector<32xbf16>
        %unpack3A_324 = tpu.unpack_subelements %mul3A_323, 0 {pack_format = #tpu.pack_format<interleaved>} : vector<32xbf16> -> vector<16xf32>
        %unpack3A_325 = tpu.unpack_subelements %mul3A_323, 1 {pack_format = #tpu.pack_format<interleaved>} : vector<32xbf16> -> vector<16xf32>
        %add3A_326 = arith.addf %unpack3A_324, %unpack3A_325 : vector<16xf32>
        %add3A_327 = arith.addf %add3A_273, %add3A_326 : vector<16xf32>
        %add3A_328 = arith.constant 1 : i32
        %add3A_329 = arith.addi %mul3A_316, %add3A_328 : i32
        %xor3A_330 = vector.broadcast %add3A_329 : i32 to vector<16xi32>
        %xor3A_331 = arith.xori %xor3A_330, %iota3A : vector<16xi32>
        %gather3A_332 = tpu.vector_load_idx %arg7[%add3A_82, %xor3A_331] : memref<80x64xi32, #tpu.memory_space<vmem>>[vector<16xi32>, vector<16xi32>], vector<16xi32>,
        %gather3A_333 = tpu.vector_load_idx %arg8[%add3A_82, %xor3A_331] : memref<80x64xi32, #tpu.memory_space<vmem>>[vector<16xi32>, vector<16xi32>], vector<16xi32>,
        %bitcast3A_334 = vector.bitcast %gather3A_332 : vector<16xi32> to vector<32xbf16>
        %bitcast3A_335 = vector.bitcast %gather3A_333 : vector<16xi32> to vector<32xbf16>
        %mul3A_336 = arith.mulf %bitcast3A_334, %bitcast3A_335 : vector<32xbf16>
        %unpack3A_337 = tpu.unpack_subelements %mul3A_336, 0 {pack_format = #tpu.pack_format<interleaved>} : vector<32xbf16> -> vector<16xf32>
        %unpack3A_338 = tpu.unpack_subelements %mul3A_336, 1 {pack_format = #tpu.pack_format<interleaved>} : vector<32xbf16> -> vector<16xf32>
        %add3A_339 = arith.addf %unpack3A_337, %unpack3A_338 : vector<16xf32>
        %add3A_340 = arith.addf %add3A_286, %add3A_339 : vector<16xf32>
        %add3A_341 = arith.constant 2 : i32
        %add3A_342 = arith.addi %mul3A_316, %add3A_341 : i32
        %xor3A_343 = vector.broadcast %add3A_342 : i32 to vector<16xi32>
        %xor3A_344 = arith.xori %xor3A_343, %iota3A : vector<16xi32>
        %gather3A_345 = tpu.vector_load_idx %arg7[%add3A_82, %xor3A_344] : memref<80x64xi32, #tpu.memory_space<vmem>>[vector<16xi32>, vector<16xi32>], vector<16xi32>,
        %gather3A_346 = tpu.vector_load_idx %arg8[%add3A_82, %xor3A_344] : memref<80x64xi32, #tpu.memory_space<vmem>>[vector<16xi32>, vector<16xi32>], vector<16xi32>,
        %bitcast3A_347 = vector.bitcast %gather3A_345 : vector<16xi32> to vector<32xbf16>
        %bitcast3A_348 = vector.bitcast %gather3A_346 : vector<16xi32> to vector<32xbf16>
        %mul3A_349 = arith.mulf %bitcast3A_347, %bitcast3A_348 : vector<32xbf16>
        %unpack3A_350 = tpu.unpack_subelements %mul3A_349, 0 {pack_format = #tpu.pack_format<interleaved>} : vector<32xbf16> -> vector<16xf32>
        %unpack3A_351 = tpu.unpack_subelements %mul3A_349, 1 {pack_format = #tpu.pack_format<interleaved>} : vector<32xbf16> -> vector<16xf32>
        %add3A_352 = arith.addf %unpack3A_350, %unpack3A_351 : vector<16xf32>
        %add3A_353 = arith.addf %add3A_299, %add3A_352 : vector<16xf32>
        %add3A_354 = arith.constant 3 : i32
        %add3A_355 = arith.addi %mul3A_316, %add3A_354 : i32
        %xor3A_356 = vector.broadcast %add3A_355 : i32 to vector<16xi32>
        %xor3A_357 = arith.xori %xor3A_356, %iota3A : vector<16xi32>
        %gather3A_358 = tpu.vector_load_idx %arg7[%add3A_82, %xor3A_357] : memref<80x64xi32, #tpu.memory_space<vmem>>[vector<16xi32>, vector<16xi32>], vector<16xi32>,
        %gather3A_359 = tpu.vector_load_idx %arg8[%add3A_82, %xor3A_357] : memref<80x64xi32, #tpu.memory_space<vmem>>[vector<16xi32>, vector<16xi32>], vector<16xi32>,
        %bitcast3A_360 = vector.bitcast %gather3A_358 : vector<16xi32> to vector<32xbf16>
        %bitcast3A_361 = vector.bitcast %gather3A_359 : vector<16xi32> to vector<32xbf16>
        %mul3A_362 = arith.mulf %bitcast3A_360, %bitcast3A_361 : vector<32xbf16>
        %unpack3A_363 = tpu.unpack_subelements %mul3A_362, 0 {pack_format = #tpu.pack_format<interleaved>} : vector<32xbf16> -> vector<16xf32>
        %unpack3A_364 = tpu.unpack_subelements %mul3A_362, 1 {pack_format = #tpu.pack_format<interleaved>} : vector<32xbf16> -> vector<16xf32>
        %add3A_365 = arith.addf %unpack3A_363, %unpack3A_364 : vector<16xf32>
        %add3A_366 = arith.addf %add3A_312, %add3A_365 : vector<16xf32>
        %scan3A_367 = arith.constant 5 : i32
        %scan3A_368 = arith.addi %scan3A_98, %scan3A_367 : i32
        %mul3A_369 = arith.constant 4 : i32
        %mul3A_370 = arith.muli %scan3A_368, %mul3A_369 : i32
        %xor3A_371 = vector.broadcast %mul3A_370 : i32 to vector<16xi32>
        %xor3A_372 = arith.xori %xor3A_371, %iota3A : vector<16xi32>
        %gather3A_373 = tpu.vector_load_idx %arg7[%add3A_82, %xor3A_372] : memref<80x64xi32, #tpu.memory_space<vmem>>[vector<16xi32>, vector<16xi32>], vector<16xi32>,
        %gather3A_374 = tpu.vector_load_idx %arg8[%add3A_82, %xor3A_372] : memref<80x64xi32, #tpu.memory_space<vmem>>[vector<16xi32>, vector<16xi32>], vector<16xi32>,
        %bitcast3A_375 = vector.bitcast %gather3A_373 : vector<16xi32> to vector<32xbf16>
        %bitcast3A_376 = vector.bitcast %gather3A_374 : vector<16xi32> to vector<32xbf16>
        %mul3A_377 = arith.mulf %bitcast3A_375, %bitcast3A_376 : vector<32xbf16>
        %unpack3A_378 = tpu.unpack_subelements %mul3A_377, 0 {pack_format = #tpu.pack_format<interleaved>} : vector<32xbf16> -> vector<16xf32>
        %unpack3A_379 = tpu.unpack_subelements %mul3A_377, 1 {pack_format = #tpu.pack_format<interleaved>} : vector<32xbf16> -> vector<16xf32>
        %add3A_380 = arith.addf %unpack3A_378, %unpack3A_379 : vector<16xf32>
        %add3A_381 = arith.addf %add3A_327, %add3A_380 : vector<16xf32>
        %add3A_382 = arith.constant 1 : i32
        %add3A_383 = arith.addi %mul3A_370, %add3A_382 : i32
        %xor3A_384 = vector.broadcast %add3A_383 : i32 to vector<16xi32>
        %xor3A_385 = arith.xori %xor3A_384, %iota3A : vector<16xi32>
        %gather3A_386 = tpu.vector_load_idx %arg7[%add3A_82, %xor3A_385] : memref<80x64xi32, #tpu.memory_space<vmem>>[vector<16xi32>, vector<16xi32>], vector<16xi32>,
        %gather3A_387 = tpu.vector_load_idx %arg8[%add3A_82, %xor3A_385] : memref<80x64xi32, #tpu.memory_space<vmem>>[vector<16xi32>, vector<16xi32>], vector<16xi32>,
        %bitcast3A_388 = vector.bitcast %gather3A_386 : vector<16xi32> to vector<32xbf16>
        %bitcast3A_389 = vector.bitcast %gather3A_387 : vector<16xi32> to vector<32xbf16>
        %mul3A_390 = arith.mulf %bitcast3A_388, %bitcast3A_389 : vector<32xbf16>
        %unpack3A_391 = tpu.unpack_subelements %mul3A_390, 0 {pack_format = #tpu.pack_format<interleaved>} : vector<32xbf16> -> vector<16xf32>
        %unpack3A_392 = tpu.unpack_subelements %mul3A_390, 1 {pack_format = #tpu.pack_format<interleaved>} : vector<32xbf16> -> vector<16xf32>
        %add3A_393 = arith.addf %unpack3A_391, %unpack3A_392 : vector<16xf32>
        %add3A_394 = arith.addf %add3A_340, %add3A_393 : vector<16xf32>
        %add3A_395 = arith.constant 2 : i32
        %add3A_396 = arith.addi %mul3A_370, %add3A_395 : i32
        %xor3A_397 = vector.broadcast %add3A_396 : i32 to vector<16xi32>
        %xor3A_398 = arith.xori %xor3A_397, %iota3A : vector<16xi32>
        %gather3A_399 = tpu.vector_load_idx %arg7[%add3A_82, %xor3A_398] : memref<80x64xi32, #tpu.memory_space<vmem>>[vector<16xi32>, vector<16xi32>], vector<16xi32>,
        %gather3A_400 = tpu.vector_load_idx %arg8[%add3A_82, %xor3A_398] : memref<80x64xi32, #tpu.memory_space<vmem>>[vector<16xi32>, vector<16xi32>], vector<16xi32>,
        %bitcast3A_401 = vector.bitcast %gather3A_399 : vector<16xi32> to vector<32xbf16>
        %bitcast3A_402 = vector.bitcast %gather3A_400 : vector<16xi32> to vector<32xbf16>
        %mul3A_403 = arith.mulf %bitcast3A_401, %bitcast3A_402 : vector<32xbf16>
        %unpack3A_404 = tpu.unpack_subelements %mul3A_403, 0 {pack_format = #tpu.pack_format<interleaved>} : vector<32xbf16> -> vector<16xf32>
        %unpack3A_405 = tpu.unpack_subelements %mul3A_403, 1 {pack_format = #tpu.pack_format<interleaved>} : vector<32xbf16> -> vector<16xf32>
        %add3A_406 = arith.addf %unpack3A_404, %unpack3A_405 : vector<16xf32>
        %add3A_407 = arith.addf %add3A_353, %add3A_406 : vector<16xf32>
        %add3A_408 = arith.constant 3 : i32
        %add3A_409 = arith.addi %mul3A_370, %add3A_408 : i32
        %xor3A_410 = vector.broadcast %add3A_409 : i32 to vector<16xi32>
        %xor3A_411 = arith.xori %xor3A_410, %iota3A : vector<16xi32>
        %gather3A_412 = tpu.vector_load_idx %arg7[%add3A_82, %xor3A_411] : memref<80x64xi32, #tpu.memory_space<vmem>>[vector<16xi32>, vector<16xi32>], vector<16xi32>,
        %gather3A_413 = tpu.vector_load_idx %arg8[%add3A_82, %xor3A_411] : memref<80x64xi32, #tpu.memory_space<vmem>>[vector<16xi32>, vector<16xi32>], vector<16xi32>,
        %bitcast3A_414 = vector.bitcast %gather3A_412 : vector<16xi32> to vector<32xbf16>
        %bitcast3A_415 = vector.bitcast %gather3A_413 : vector<16xi32> to vector<32xbf16>
        %mul3A_416 = arith.mulf %bitcast3A_414, %bitcast3A_415 : vector<32xbf16>
        %unpack3A_417 = tpu.unpack_subelements %mul3A_416, 0 {pack_format = #tpu.pack_format<interleaved>} : vector<32xbf16> -> vector<16xf32>
        %unpack3A_418 = tpu.unpack_subelements %mul3A_416, 1 {pack_format = #tpu.pack_format<interleaved>} : vector<32xbf16> -> vector<16xf32>
        %add3A_419 = arith.addf %unpack3A_417, %unpack3A_418 : vector<16xf32>
        %add3A_420 = arith.addf %add3A_366, %add3A_419 : vector<16xf32>
        %scan3A_421 = arith.constant 6 : i32
        %scan3A_422 = arith.addi %scan3A_98, %scan3A_421 : i32
        %mul3A_423 = arith.constant 4 : i32
        %mul3A_424 = arith.muli %scan3A_422, %mul3A_423 : i32
        %xor3A_425 = vector.broadcast %mul3A_424 : i32 to vector<16xi32>
        %xor3A_426 = arith.xori %xor3A_425, %iota3A : vector<16xi32>
        %gather3A_427 = tpu.vector_load_idx %arg7[%add3A_82, %xor3A_426] : memref<80x64xi32, #tpu.memory_space<vmem>>[vector<16xi32>, vector<16xi32>], vector<16xi32>,
        %gather3A_428 = tpu.vector_load_idx %arg8[%add3A_82, %xor3A_426] : memref<80x64xi32, #tpu.memory_space<vmem>>[vector<16xi32>, vector<16xi32>], vector<16xi32>,
        %bitcast3A_429 = vector.bitcast %gather3A_427 : vector<16xi32> to vector<32xbf16>
        %bitcast3A_430 = vector.bitcast %gather3A_428 : vector<16xi32> to vector<32xbf16>
        %mul3A_431 = arith.mulf %bitcast3A_429, %bitcast3A_430 : vector<32xbf16>
        %unpack3A_432 = tpu.unpack_subelements %mul3A_431, 0 {pack_format = #tpu.pack_format<interleaved>} : vector<32xbf16> -> vector<16xf32>
        %unpack3A_433 = tpu.unpack_subelements %mul3A_431, 1 {pack_format = #tpu.pack_format<interleaved>} : vector<32xbf16> -> vector<16xf32>
        %add3A_434 = arith.addf %unpack3A_432, %unpack3A_433 : vector<16xf32>
        %add3A_435 = arith.addf %add3A_381, %add3A_434 : vector<16xf32>
        %add3A_436 = arith.constant 1 : i32
        %add3A_437 = arith.addi %mul3A_424, %add3A_436 : i32
        %xor3A_438 = vector.broadcast %add3A_437 : i32 to vector<16xi32>
        %xor3A_439 = arith.xori %xor3A_438, %iota3A : vector<16xi32>
        %gather3A_440 = tpu.vector_load_idx %arg7[%add3A_82, %xor3A_439] : memref<80x64xi32, #tpu.memory_space<vmem>>[vector<16xi32>, vector<16xi32>], vector<16xi32>,
        %gather3A_441 = tpu.vector_load_idx %arg8[%add3A_82, %xor3A_439] : memref<80x64xi32, #tpu.memory_space<vmem>>[vector<16xi32>, vector<16xi32>], vector<16xi32>,
        %bitcast3A_442 = vector.bitcast %gather3A_440 : vector<16xi32> to vector<32xbf16>
        %bitcast3A_443 = vector.bitcast %gather3A_441 : vector<16xi32> to vector<32xbf16>
        %mul3A_444 = arith.mulf %bitcast3A_442, %bitcast3A_443 : vector<32xbf16>
        %unpack3A_445 = tpu.unpack_subelements %mul3A_444, 0 {pack_format = #tpu.pack_format<interleaved>} : vector<32xbf16> -> vector<16xf32>
        %unpack3A_446 = tpu.unpack_subelements %mul3A_444, 1 {pack_format = #tpu.pack_format<interleaved>} : vector<32xbf16> -> vector<16xf32>
        %add3A_447 = arith.addf %unpack3A_445, %unpack3A_446 : vector<16xf32>
        %add3A_448 = arith.addf %add3A_394, %add3A_447 : vector<16xf32>
        %add3A_449 = arith.constant 2 : i32
        %add3A_450 = arith.addi %mul3A_424, %add3A_449 : i32
        %xor3A_451 = vector.broadcast %add3A_450 : i32 to vector<16xi32>
        %xor3A_452 = arith.xori %xor3A_451, %iota3A : vector<16xi32>
        %gather3A_453 = tpu.vector_load_idx %arg7[%add3A_82, %xor3A_452] : memref<80x64xi32, #tpu.memory_space<vmem>>[vector<16xi32>, vector<16xi32>], vector<16xi32>,
        %gather3A_454 = tpu.vector_load_idx %arg8[%add3A_82, %xor3A_452] : memref<80x64xi32, #tpu.memory_space<vmem>>[vector<16xi32>, vector<16xi32>], vector<16xi32>,
        %bitcast3A_455 = vector.bitcast %gather3A_453 : vector<16xi32> to vector<32xbf16>
        %bitcast3A_456 = vector.bitcast %gather3A_454 : vector<16xi32> to vector<32xbf16>
        %mul3A_457 = arith.mulf %bitcast3A_455, %bitcast3A_456 : vector<32xbf16>
        %unpack3A_458 = tpu.unpack_subelements %mul3A_457, 0 {pack_format = #tpu.pack_format<interleaved>} : vector<32xbf16> -> vector<16xf32>
        %unpack3A_459 = tpu.unpack_subelements %mul3A_457, 1 {pack_format = #tpu.pack_format<interleaved>} : vector<32xbf16> -> vector<16xf32>
        %add3A_460 = arith.addf %unpack3A_458, %unpack3A_459 : vector<16xf32>
        %add3A_461 = arith.addf %add3A_407, %add3A_460 : vector<16xf32>
        %add3A_462 = arith.constant 3 : i32
        %add3A_463 = arith.addi %mul3A_424, %add3A_462 : i32
        %xor3A_464 = vector.broadcast %add3A_463 : i32 to vector<16xi32>
        %xor3A_465 = arith.xori %xor3A_464, %iota3A : vector<16xi32>
        %gather3A_466 = tpu.vector_load_idx %arg7[%add3A_82, %xor3A_465] : memref<80x64xi32, #tpu.memory_space<vmem>>[vector<16xi32>, vector<16xi32>], vector<16xi32>,
        %gather3A_467 = tpu.vector_load_idx %arg8[%add3A_82, %xor3A_465] : memref<80x64xi32, #tpu.memory_space<vmem>>[vector<16xi32>, vector<16xi32>], vector<16xi32>,
        %bitcast3A_468 = vector.bitcast %gather3A_466 : vector<16xi32> to vector<32xbf16>
        %bitcast3A_469 = vector.bitcast %gather3A_467 : vector<16xi32> to vector<32xbf16>
        %mul3A_470 = arith.mulf %bitcast3A_468, %bitcast3A_469 : vector<32xbf16>
        %unpack3A_471 = tpu.unpack_subelements %mul3A_470, 0 {pack_format = #tpu.pack_format<interleaved>} : vector<32xbf16> -> vector<16xf32>
        %unpack3A_472 = tpu.unpack_subelements %mul3A_470, 1 {pack_format = #tpu.pack_format<interleaved>} : vector<32xbf16> -> vector<16xf32>
        %add3A_473 = arith.addf %unpack3A_471, %unpack3A_472 : vector<16xf32>
        %add3A_474 = arith.addf %add3A_420, %add3A_473 : vector<16xf32>
        %scan3A_475 = arith.constant 7 : i32
        %scan3A_476 = arith.addi %scan3A_98, %scan3A_475 : i32
        %mul3A_477 = arith.constant 4 : i32
        %mul3A_478 = arith.muli %scan3A_476, %mul3A_477 : i32
        %xor3A_479 = vector.broadcast %mul3A_478 : i32 to vector<16xi32>
        %xor3A_480 = arith.xori %xor3A_479, %iota3A : vector<16xi32>
        %gather3A_481 = tpu.vector_load_idx %arg7[%add3A_82, %xor3A_480] : memref<80x64xi32, #tpu.memory_space<vmem>>[vector<16xi32>, vector<16xi32>], vector<16xi32>,
        %gather3A_482 = tpu.vector_load_idx %arg8[%add3A_82, %xor3A_480] : memref<80x64xi32, #tpu.memory_space<vmem>>[vector<16xi32>, vector<16xi32>], vector<16xi32>,
        %bitcast3A_483 = vector.bitcast %gather3A_481 : vector<16xi32> to vector<32xbf16>
        %bitcast3A_484 = vector.bitcast %gather3A_482 : vector<16xi32> to vector<32xbf16>
        %mul3A_485 = arith.mulf %bitcast3A_483, %bitcast3A_484 : vector<32xbf16>
        %unpack3A_486 = tpu.unpack_subelements %mul3A_485, 0 {pack_format = #tpu.pack_format<interleaved>} : vector<32xbf16> -> vector<16xf32>
        %unpack3A_487 = tpu.unpack_subelements %mul3A_485, 1 {pack_format = #tpu.pack_format<interleaved>} : vector<32xbf16> -> vector<16xf32>
        %add3A_488 = arith.addf %unpack3A_486, %unpack3A_487 : vector<16xf32>
        %add3A_489 = arith.addf %add3A_435, %add3A_488 : vector<16xf32>
        %add3A_490 = arith.constant 1 : i32
        %add3A_491 = arith.addi %mul3A_478, %add3A_490 : i32
        %xor3A_492 = vector.broadcast %add3A_491 : i32 to vector<16xi32>
        %xor3A_493 = arith.xori %xor3A_492, %iota3A : vector<16xi32>
        %gather3A_494 = tpu.vector_load_idx %arg7[%add3A_82, %xor3A_493] : memref<80x64xi32, #tpu.memory_space<vmem>>[vector<16xi32>, vector<16xi32>], vector<16xi32>,
        %gather3A_495 = tpu.vector_load_idx %arg8[%add3A_82, %xor3A_493] : memref<80x64xi32, #tpu.memory_space<vmem>>[vector<16xi32>, vector<16xi32>], vector<16xi32>,
        %bitcast3A_496 = vector.bitcast %gather3A_494 : vector<16xi32> to vector<32xbf16>
        %bitcast3A_497 = vector.bitcast %gather3A_495 : vector<16xi32> to vector<32xbf16>
        %mul3A_498 = arith.mulf %bitcast3A_496, %bitcast3A_497 : vector<32xbf16>
        %unpack3A_499 = tpu.unpack_subelements %mul3A_498, 0 {pack_format = #tpu.pack_format<interleaved>} : vector<32xbf16> -> vector<16xf32>
        %unpack3A_500 = tpu.unpack_subelements %mul3A_498, 1 {pack_format = #tpu.pack_format<interleaved>} : vector<32xbf16> -> vector<16xf32>
        %add3A_501 = arith.addf %unpack3A_499, %unpack3A_500 : vector<16xf32>
        %add3A_502 = arith.addf %add3A_448, %add3A_501 : vector<16xf32>
        %add3A_503 = arith.constant 2 : i32
        %add3A_504 = arith.addi %mul3A_478, %add3A_503 : i32
        %xor3A_505 = vector.broadcast %add3A_504 : i32 to vector<16xi32>
        %xor3A_506 = arith.xori %xor3A_505, %iota3A : vector<16xi32>
        %gather3A_507 = tpu.vector_load_idx %arg7[%add3A_82, %xor3A_506] : memref<80x64xi32, #tpu.memory_space<vmem>>[vector<16xi32>, vector<16xi32>], vector<16xi32>,
        %gather3A_508 = tpu.vector_load_idx %arg8[%add3A_82, %xor3A_506] : memref<80x64xi32, #tpu.memory_space<vmem>>[vector<16xi32>, vector<16xi32>], vector<16xi32>,
        %bitcast3A_509 = vector.bitcast %gather3A_507 : vector<16xi32> to vector<32xbf16>
        %bitcast3A_510 = vector.bitcast %gather3A_508 : vector<16xi32> to vector<32xbf16>
        %mul3A_511 = arith.mulf %bitcast3A_509, %bitcast3A_510 : vector<32xbf16>
        %unpack3A_512 = tpu.unpack_subelements %mul3A_511, 0 {pack_format = #tpu.pack_format<interleaved>} : vector<32xbf16> -> vector<16xf32>
        %unpack3A_513 = tpu.unpack_subelements %mul3A_511, 1 {pack_format = #tpu.pack_format<interleaved>} : vector<32xbf16> -> vector<16xf32>
        %add3A_514 = arith.addf %unpack3A_512, %unpack3A_513 : vector<16xf32>
        %add3A_515 = arith.addf %add3A_461, %add3A_514 : vector<16xf32>
        %add3A_516 = arith.constant 3 : i32
        %add3A_517 = arith.addi %mul3A_478, %add3A_516 : i32
        %xor3A_518 = vector.broadcast %add3A_517 : i32 to vector<16xi32>
        %xor3A_519 = arith.xori %xor3A_518, %iota3A : vector<16xi32>
        %gather3A_520 = tpu.vector_load_idx %arg7[%add3A_82, %xor3A_519] : memref<80x64xi32, #tpu.memory_space<vmem>>[vector<16xi32>, vector<16xi32>], vector<16xi32>,
        %gather3A_521 = tpu.vector_load_idx %arg8[%add3A_82, %xor3A_519] : memref<80x64xi32, #tpu.memory_space<vmem>>[vector<16xi32>, vector<16xi32>], vector<16xi32>,
        %bitcast3A_522 = vector.bitcast %gather3A_520 : vector<16xi32> to vector<32xbf16>
        %bitcast3A_523 = vector.bitcast %gather3A_521 : vector<16xi32> to vector<32xbf16>
        %mul3A_524 = arith.mulf %bitcast3A_522, %bitcast3A_523 : vector<32xbf16>
        %unpack3A_525 = tpu.unpack_subelements %mul3A_524, 0 {pack_format = #tpu.pack_format<interleaved>} : vector<32xbf16> -> vector<16xf32>
        %unpack3A_526 = tpu.unpack_subelements %mul3A_524, 1 {pack_format = #tpu.pack_format<interleaved>} : vector<32xbf16> -> vector<16xf32>
        %add3A_527 = arith.addf %unpack3A_525, %unpack3A_526 : vector<16xf32>
        %add3A_528 = arith.addf %add3A_474, %add3A_527 : vector<16xf32>
        scf.yield %add3A_489, %add3A_502, %add3A_515, %add3A_528 : vector<16xf32>, vector<16xf32>, vector<16xf32>, vector<16xf32>
      }
      %scan3A_89 = arith.constant 16 : i32
      %add3A_90 = arith.addf %scan3A_88#0, %scan3A_88#1 : vector<16xf32>
      %add3A_91 = arith.addf %scan3A_88#2, %scan3A_88#3 : vector<16xf32>
      %add3A_92 = arith.addf %add3A_90, %add3A_91 : vector<16xf32>
      %mul3A_93 = arith.constant 16 : i32
      %mul3A_94 = arith.muli %scan3A_78, %mul3A_93 : i32
      %add3A_95 = arith.constant 9920 : i32
      %add3A_96 = arith.addi %add3A_95, %mul3A_94 : i32
      %swap3A = arith.index_cast %add3A_96 : i32 to index
      %swap3A_97 = tpu.vector_load %arg11[%swap3A] {strides = array<i32>} : memref<10000xf32, #tpu.memory_space<vmem>>, vector<16xf32>,
      tpu.vector_store %arg11[%swap3A], %add3A_92 {strides = array<i32>} : memref<10000xf32, #tpu.memory_space<vmem>>, vector<16xf32>,
    }
    %scan3A_77 = arith.constant 5 : i32
    "tpu.region"() ({
      %run_scoped3A = tpu.sem_alloc : memref<!tpu.dma_semaphore, #tpu.memory_space<semaphore_mem>>
      %dma_start3A_78 = tpu.memref_slice %arg4[%mul3A_2] : memref<320000xf32, #tpu.memory_space<hbm>> -> memref<10000xf32, #tpu.memory_space<hbm>>
      %dma_start3A_79 = tpu.memref_slice %arg4[%mul3A_2] : memref<320000xf32, #tpu.memory_space<hbm>> -> memref<10000xf32, #tpu.memory_space<hbm>>
      tpu.enqueue_dma source(%arg11 : memref<10000xf32, #tpu.memory_space<vmem>>) target(%dma_start3A_79 : memref<10000xf32, #tpu.memory_space<hbm>>) target_semaphore(%run_scoped3A : memref<!tpu.dma_semaphore, #tpu.memory_space<semaphore_mem>>)
      %dma_wait3A_80 = tpu.memref_slice %arg4[%mul3A_2] : memref<320000xf32, #tpu.memory_space<hbm>> -> memref<10000xf32, #tpu.memory_space<hbm>>
      %dma_wait3A_81 = tpu.memref_slice %arg4[%mul3A_2] : memref<320000xf32, #tpu.memory_space<hbm>> -> memref<10000xf32, #tpu.memory_space<hbm>>
      tpu.wait_dma2 semaphore(%run_scoped3A : memref<!tpu.dma_semaphore, #tpu.memory_space<semaphore_mem>>) src(%arg11 : memref<10000xf32, #tpu.memory_space<vmem>>) dst(%dma_wait3A_81 : memref<10000xf32, #tpu.memory_space<hbm>>)
      tpu.yield
    }) : () -> ()
    return
  }
}

</mosaic_0001>

<sc_bundles>
// kernel: kernel.3.cloned.1.call-start
scs
__scs_entry_jumppad:
0x0: {  	(pc) =	sbr.rel $0x88, $3  }
0x1: {  	(tag) =	ssettag $0x0;
	lr =	simm.s32 $0x1  }
0x2: {  	[smem:$0x3F9F] =	sst lr;
	_ =	strace $0xD0000000  }
0x3: {  	_ = 	snop  }
0x4: {  	_ = 	snop  }
0x5: {  	_ = 	snop  }
0x6: {  	_ = 	snop  }
0x7: {  	_ = 	snop  }
__scs_overlays_trampoline_lowered:
0x8: {  	[smem:$0x3FAE] =	sst s0  }
0x9: {  	[smem:$0x3FAF] =	sst s1  }
0xa: {  	[smem:$0x3FB0] =	sst s2  }
0xb: {  	[smem:$0x3FB1] =	sst s3  }
0xc: {  	[smem:$0x3FB2] =	sst s4  }
0xd: {  	[smem:$0x3FB3] =	sst s5  }
0xe: {  	[smem:$0x3FB4] =	sst s6  }
0xf: {  	[smem:$0x3FB5] =	sst s7  }
0x10: {  	[smem:$0x3FB6] =	sst s8  }
0x11: {  	[smem:$0x3FB7] =	sst s9;
	s0 =	simm.s32 @!p0 $0x0  }
0x12: {  	s1 =	sld [smem:$0x3F9D];
	s0 =	simm.s32 @p0 $0x1  }
0x13: {  	[smem:$0x3FB8] =	sst s0;
	s0 =	simm.s32 @!p1 $0x0  }
0x14: {  	s2 =	sld [smem:$0x3F9C];
	s0 =	simm.s32 @p1 $0x1  }
0x15: {  	[smem:$0x3FB9] =	sst s0;
	s0 =	simm.s32 @!p2 $0x0  }
0x16: {  	s3 =	sld [smem:$0x3FDB];
	s0 =	simm.s32 @p2 $0x1  }
0x17: {  	s4 =	simm.s32 $0x1BF5;
	[smem:$0x3FBB] =	sst s0  }
0x18: {  	s0 =	sld [smem:$0x3F9E];
	_ =	swait.ge [sflag:s4], $0x0  }
0x19: {  	s7 =	sld [smem:$0x3F9F]  }
0x1a: {  	s8 =	sadd.s32 $0xFFFFE003, lr  }
0x1b: {  	s9 =	sadd.s32 $0xFFFFFEF7, lr;
	s5 =	simm.s32 $0xFFFFFFFF;
	p2 =	slt.u32 s8, $0xFFFFF086  }
0x1c: {  	p1 =	slt.u32 s9, $0xF7A;
	s5 =	simm.s32 @!p2 $0x0  }
0x1d: {  	s5 =	simm.s32 @p1 $0x1;
	p0 =	seq.s32 s7, s2  }
0x1e: {  	s7 =	smul.u32 @!p0 $0xF7A, s2;
	p2 =	seq.s32 @!p0 s5, $0x0  }
0x1f: {  	s9 =	smul.u32 $0xF7A, s1;
	s8 =	simm.s32 @!p0 $0x1BF5;
	p2 =	por !p2, p0  }
0x20: {  	[sflag:s8] =	ssyncset.s32 @!p0 $0xFFFFF086;
	s6 =	sadd.s32 @!p0 s3, s7;
	s7 =	simm.s32 @!p0 $0x108  }
0x21: {  	s3 =	sadd.s32 s3, s9;
	s6 =	sadd.s32 @!p0 $0x88, s6;
	s7 =	simm.s32 @p2 $0x1082  }
0x22: {  	[simem:s7], [sflag:s8] =	dma.local @!p0 [hbm:s6], $0xF7A  }
0x23: {  	s9 =	sor.u32 $0xD0000000, s2;
	s6 =	simm.s32 $0x108;
	_ =	swait.ge @!p0 [sflag:s8], $0x0  }
0x24: {  	s3 =	sadd.s32 $0x88, s3;
	s6 =	simm.s32 @!p1 $0x1082;
	[sflag:s4] =	ssyncset.s32 $0xFFFFF086  }
0x25: {  	[simem:s6], [sflag:s4] =	dma.local [hbm:s3], $0xF7A  }
0x26: {  	[smem:$0x3F9F] =	sst s1;
	(tag) =	ssettag s2;
	_ =	strace s9  }
0x27: {  	s1 =	sld [smem:$0x3FAF]  }
0x28: {  	s2 =	sld [smem:$0x3FB0]  }
0x29: {  	s4 =	sld [smem:$0x3FB2]  }
0x2a: {  	p0 =	seq.s32 s5, $0x0;
	s5 =	sld [smem:$0x3FB3]  }
0x2b: {  	s6 =	sld [smem:$0x3FB4]  }
0x2c: {  	s7 =	sld [smem:$0x3FB5]  }
0x2d: {  	s3 =	simm.s32 $0x108;
	s8 =	sld [smem:$0x3FB6]  }
0x2e: {  	s3 =	simm.s32 @!p0 $0x1082;
	s9 =	sld [smem:$0x3FB7]  }
0x2f: {  	lr =	sadd.s32 s0, s3;
	s0 =	sld [smem:$0x3FAE]  }
0x30: {  	s3 =	sld [smem:$0x3FB1]  }
0x31: {  	[smem:$0x3FBA] =	sst s10  }
0x32: {  	s10 =	sld [smem:$0x3FB8];
	_ =	sdelay $0x3  }
0x33: {  	p0 =	seq.s32 s10, $0x1;
	s10 =	sld [smem:$0x3FBA];
	_ =	sdelay $0x3  }
0x34: {  	[smem:$0x3FBA] =	sst s10  }
0x35: {  	s10 =	sld [smem:$0x3FB9];
	_ =	sdelay $0x3  }
0x36: {  	p1 =	seq.s32 s10, $0x1;
	s10 =	sld [smem:$0x3FBA];
	_ =	sdelay $0x3  }
0x37: {  	[smem:$0x3FBA] =	sst s10  }
0x38: {  	s10 =	sld [smem:$0x3FBB]  }
0x39: {  	_ = 	snop;
	(pc) =	sbr.ind lr, $3  }
0x3a: {  	_ = 	snop  }
0x3b: {  	_ = 	snop  }
0x3c: {  	p2 =	seq.s32 s10, $0x1;
	s10 =	sld [smem:$0x3FBA]  }
0x3d: {  	_ =	shalt  }
0x3e: {  	_ =	shalt  }
0x3f: {  	_ =	shalt  }
0x40: {  	_ =	shalt  }
0x41: {  	_ =	shalt  }
0x42: {  	_ =	shalt  }
0x43: {  	_ =	shalt  }
0x44: {  	_ =	shalt  }
0x45: {  	_ =	shalt  }
0x46: {  	_ =	shalt  }
0x47: {  	_ =	shalt  }
0x48: {  	_ =	shalt  }
0x49: {  	_ =	shalt  }
0x4a: {  	_ =	shalt  }
0x4b: {  	_ =	shalt  }
0x4c: {  	_ =	shalt  }
0x4d: {  	_ =	shalt  }
0x4e: {  	_ =	shalt  }
0x4f: {  	_ =	shalt  }
0x50: {  	_ =	shalt  }
0x51: {  	_ =	shalt  }
0x52: {  	_ =	shalt  }
0x53: {  	_ =	shalt  }
0x54: {  	_ =	shalt  }
0x55: {  	_ =	shalt  }
0x56: {  	_ =	shalt  }
0x57: {  	_ =	shalt  }
0x58: {  	_ =	shalt  }
0x59: {  	_ =	shalt  }
0x5a: {  	_ =	shalt  }
0x5b: {  	_ =	shalt  }
0x5c: {  	_ =	shalt  }
0x5d: {  	_ =	shalt  }
0x5e: {  	_ =	shalt  }
0x5f: {  	_ =	shalt  }
0x60: {  	_ =	shalt  }
0x61: {  	_ =	shalt  }
0x62: {  	_ =	shalt  }
0x63: {  	_ =	shalt  }
0x64: {  	_ =	shalt  }
0x65: {  	_ =	shalt  }
0x66: {  	_ =	shalt  }
0x67: {  	_ =	shalt  }
0x68: {  	_ =	shalt  }
0x69: {  	_ =	shalt  }
0x6a: {  	_ =	shalt  }
0x6b: {  	_ =	shalt  }
0x6c: {  	_ =	shalt  }
0x6d: {  	_ =	shalt  }
0x6e: {  	_ =	shalt  }
0x6f: {  	_ =	shalt  }
0x70: {  	_ =	shalt  }
0x71: {  	_ =	shalt  }
0x72: {  	_ =	shalt  }
0x73: {  	_ =	shalt  }
0x74: {  	_ =	shalt  }
0x75: {  	_ =	shalt  }
0x76: {  	_ =	shalt  }
0x77: {  	_ =	shalt  }
0x78: {  	_ =	shalt  }
0x79: {  	_ =	shalt  }
0x7a: {  	_ =	shalt  }
0x7b: {  	_ =	shalt  }
0x7c: {  	_ =	shalt  }
0x7d: {  	_ =	shalt  }
0x7e: {  	_ =	shalt  }
0x7f: {  	_ =	shalt  }
0x80: {  	_ =	shalt  }
0x81: {  	_ =	shalt  }
0x82: {  	_ =	shalt  }
0x83: {  	_ =	shalt  }
0x84: {  	_ =	shalt  }
0x85: {  	_ =	shalt  }
0x86: {  	_ =	shalt  }
0x87: {  	_ =	shalt  }
.Lfunc_end0:
.L_simem_size_0:
called_computation_lowered:
.L_overlay_start_0:
0x88: {  	s2 =	sld [smem:$0x3FD9]  }
0x89: {  	s3 =	sld [smem:$0x3FFE];
	_ =	sdelay $0x1  }
0x8a: {  	s1 =	srdreg.scid  }
0x8b: {  	s0 =	sand.u32 $0x1, s1  }
0x8c: {  	s17 =	sshll.u32 s0, $0xA;
	s2 =	sadd.s32 s3, s2  }
0x8d: {  	s2 =	sadd.s32 s2, s17  }
0x8e: {  	[smem:$0x3FC6] =	sst s2  }
0x8f: {  	_ = 	snop  }
0x90: {  	s2 =	sld [smem:$0x3FD0];
	(tm) =	ssettm $0x1  }
0x91: {  	s18 =	sld [smem:$0x3FFB];
	_ =	sdelay $0x3  }
0x92: {  	_ =	strace s18  }
0x93: {  	s3 =	sld [smem:$0x3FFC];
	_ =	sdelay $0x3  }
0x94: {  	_ =	strace s3  }
0x95: {  	s3 =	sld [smem:$0x3FFD];
	_ =	sdelay $0x3  }
0x96: {  	_ =	strace s3  }
0x97: {  	_ =	strace $0x8FFFFFFF  }
0x98: {  	s19 =	sld [smem:$0x3FDB];
	_ =	sdelay $0x1  }
0x99: {  	s4 =	simm.s32 $_scs_section_size  }
0x9a: {  	s5 =	simm.s32 $_size__tile_overlayer_lowered;
	s6 =	simm.s32 $_tile_overlayer_lowered  }
0x9b: {  	s22 =	simm.s32 $0x1BFF;
	s21 =	sshll.u32 s6, $0x1;
	s3 =	sadd.s32 s4, s19  }
0x9c: {  	s7 =	simm.s32 $0x0;
	s20 =	sshll.u32 s5, $0x1;
	s5 =	sadd.s32 s21, s3  }
0x9d: {  	[timem:s7], [sflag:s22] =	dma.local [hbm:s5], s20  }
0x9e: {  	_ =	swait.ge [sflag:s22], s20  }
0x9f: {  	s4 =	ssub.s32 $0x0, s20;
	[sflag:s22] =	ssyncset.done $0x0  }
0xa0: {  	[sflag:s22] =	ssyncadd.s32 s4;
	_ =	sdelay $0x1  }
0xa1: {  	s23 =	simm.s32 $0x1B8B  }
0xa2: {  	_ =	swait.ge [sflag:s23], $0x1  }
0xa3: {  	[sflag:s23] =	ssyncset.done $0x0  }
0xa4: {  	s25 =	simm.s32 $0x1B8E;
	s24 =	sld [smem:$0x3FFE];
	[sflag:s23] =	ssyncadd.s32 $0xFFFFFFFF  }
0xa5: {  	s26 =	simm.s32 $execute0_lowered;
	[smem:$0x3FD2] =	sst s25  }
0xa6: {  	s5 =	sshll.u32 s26, $0x1;
	_ =	strace $0x80000046;
	[dreg:$0x1] =	wrdreg $0xFFFFFFFF  }
0xa7: {  	s28 =	simm.s32 $_size_execute0_lowered;
	s3 =	sadd.s32 s3, s5;
	[dreg:$0x0] =	wrdreg $0x0  }
0xa8: {  	s5 =	sshll.u32 s28, $0x1;
	[dreg:$0x2] =	wrdreg s3  }
0xa9: {  	[dreg:$0x3] =	wrdreg s5  }
0xaa: {  	[dreg:$0x4] =	wrdreg $0xC0  }
0xab: {  	_ =	task [dreg:s7], $0x5FFFF  }
0xac: {  	[dreg:$0x1] =	wrdreg $0xFFFFFFFF  }
0xad: {  	[dreg:$0x0] =	wrdreg $0x60  }
0xae: {  	[dreg:$0x2] =	wrdreg s24  }
0xaf: {  	[dreg:$0x3] =	wrdreg s2  }
0xb0: {  	[dreg:$0x4] =	wrdreg $0x9  }
0xb1: {  	_ =	task.clear_ibuf [dreg:s7], $0x5FFFF;
	_ =	strace $0x90000046  }
0xb2: {  	s29 =	simm.s32 $0x9;
	_ =	strace $0x80000048  }
0xb3: {  	_ =	swait.ge [sflag:s29], $0x1  }
0xb4: {  	[sflag:s29] =	ssyncadd.s32 $0xFFFFFFFF  }
0xb5: {  	_ =	strace $0x90000048  }
0xb6: {  	_ =	sfence  }
0xb7: {  	s30 =	sld [smem:$0x0];
	_ =	sdelay $0x2  }
0xb8: {  	s31 =	sshll.u32 s1, $0xD;
	s1 =	sshrl.u32 s1, $0x2  }
0xb9: {  	s3 =	sand.u32 $0x4000, s31;
	s1 =	sadd.s32 s1, s30  }
0xba: {  	s0 =	sor.u32 s3, s0;
	s1 =	sshll.u32 s1, $0x11  }
0xbb: {  	s0 =	sor.u32 s1, s0  }
0xbc: {  	s0 =	sadd.s32 $0x8F2B, s0  }
0xbd: {  	[sflag:s0] =	ssyncadd.remote.s32 $0x1  }
0xbe: {  	_ =	sfence.sel $0xFFFF  }
0xbf: {  	[dreg:$0x0] =	wrdreg $0xFFFFFFFF;
	(pc) =	sbr.abs _section_cstart, $3  }
0xc0: {  	[dreg:$0x1] =	wrdreg $0xFFFFFFFF  }
0xc1: {  	_ =	task.clear_ibuf [dreg:s7], $0x2FFFF;
	_ =	strace $0x9FFFFFFF  }
0xc2: {  	(tm) =	ssettm $0x7FFFFFFF  }
0xc3: {  	_ =	shalt  }
tec
execute0_lowered:
.L_overlay_start_1:
0x0: {  	(tag) =	ssettag $0x1  }
0x1: {  	s1 =	srdreg.scid  }
0x2: {  	s0 =	stileid.u32;
	s3 =	rddreg [dreg:$0x0]  }
0x3: {  	s6 =	rddreg [dreg:$0x1];
	s8 =	simm.s32 $0x5;
	s9 =	simm.s32 $0x2710  }
0x4: {  	s10 =	simm.s32 $0x28;
	s11 =	simm.s32 $0x4E20;
	s12 =	simm.s32 $0x5820  }
0x5: {  	s13 =	simm.s32 $0x6220;
	s14 =	simm.s32 $0x2738;
	s15 =	simm.s32 $0x6C20  }
0x6: {  	s16 =	simm.s32 $0x7620;
	s17 =	simm.s32 $0x8020;
	s18 =	simm.s32 $0x8A20  }
0x7: {  	s19 =	simm.s32 $0x9420;
	s20 =	simm.s32 $0x1;
	s21 =	simm.s32 $0x2  }
0x8: {  	s22 =	simm.s32 $0x3;
	s1 =	sand.u32 $0x1, s1;
	s2 =	sshll.u32 s0, $0x1  }
0x9: {  	s23 =	simm.s32 $0x4;
	s24 =	simm.s32 $0x9E20;
	s2 =	sor.u32 s1, s2  }
0xa: {  	s1 =	ssub.s32 $0x2, s1;
	s4 =	smul.u32 $0x2710, s2;
	s2 =	simm.s32 $0x0  }
0xb: {  	s25 =	simm.s32 $0x0;
	s31 =	sshrl.u32 s1, $0x1;
	[smem:$0x7FF] =	sst s2  }
0xc: {  	v0 =	vlaneseq.u32;
	s1 =	ssub.s32 s1, s31;
	s7 =	sshrl.u32 s4, $0x3;
	_ =	strace $0x80000047  }
0xd: {  	v3 =	vshrl.u32 v0, $0x3;
	s5 =	sadd.s32 s7, s3;
	s3 =	sadd.s32 $0x200, s3;
	s6 =	sadd.s32 s6, s7  }
0xe: {  	v1 =	vmul.u32 $0x40, v0;
	v2 =	vand.u32 $0x7, v0;
	v3 =	vmul.u32 $0x8, v3;
	s7 =	smax.u32 s1, $0x1;
	s4 =	sadd.s32 $0x13C00, s5;
	s5 =	sadd.s32 $0x1D840, s5  }
.LBB2_1:
0xf: {  	[tilespmem:s2], [sflag:$0x5] =	stream.linear.gather [hbm4b:s4+s2], $0x2710, $0x38;
	[tilespmem:$0xC530] =	vst v63  }
0x10: {  	_ =	swait.ge [sflag:s8], $0x2710  }
0x11: {  	[sflag:s8] =	ssyncset.done $0x0  }
0x12: {  	[sflag:s8] =	ssyncadd.s32 $0xFFFFD8F0  }
0x13: {  	[tilespmem:s9], [sflag:$0x5] =	stream.linear.gather [hbm4b:s5+s2], $0x2710, $0x38;
	[tilespmem:$0xC530] =	vst v63  }
0x14: {  	_ =	swait.ge [sflag:s8], $0x2710  }
0x15: {  	[sflag:s8] =	ssyncset.done $0x0  }
0x16: {  	[sflag:s8] =	ssyncadd.s32 $0xFFFFD8F0  }
0x17: {  	[tilespmem:s11], [sflag:$0x1] =	stream.indirect.gather [hbm4b:s3+s10], $0x40, s2, s10, $0xb8;
	[tilespmem:$0xC530] =	vst v63  }
0x18: {  	_ = 	snop  }
0x19: {  	[tilespmem:s12], [sflag:$0x1] =	stream.indirect.gather [hbm4b:s3+s10], $0x40, s10, s10, $0xb8;
	[tilespmem:$0xC530] =	vst v63  }
0x1a: {  	_ = 	snop  }
0x1b: {  	[tilespmem:s13], [sflag:$0x2] =	stream.indirect.gather [hbm4b:s3+s10], $0x40, s9, s10, $0xb8;
	[tilespmem:$0xC530] =	vst v63  }
0x1c: {  	s26 =	simm.s32 $0x0  }
0x1d: {  	[tilespmem:s15], [sflag:$0x2] =	stream.indirect.gather [hbm4b:s3+s10], $0x40, s14, s10, $0xb8;
	[tilespmem:$0xC530] =	vst v63  }
.LBB2_2:
0x1e: {  	s29 =	smul.u32 $0xA0, s26;
	_ =	sdelay $0x1  }
0x1f: {  	s28 =	sadd.s32 $0x50, s29  }
0x20: {  	[tilespmem:s16], [sflag:$0x3] =	stream.indirect.gather [hbm4b:s3+s10], $0x40, s28, s10, $0xb8;
	[tilespmem:$0xC530] =	vst v63  }
0x21: {  	s1 =	sadd.s32 $0x78, s29  }
0x22: {  	[tilespmem:s17], [sflag:$0x3] =	stream.indirect.gather [hbm4b:s3+s10], $0x40, s1, s10, $0xb8;
	[tilespmem:$0xC530] =	vst v63  }
0x23: {  	s31 =	sadd.s32 $0x2760, s29  }
0x24: {  	[tilespmem:s18], [sflag:$0x4] =	stream.indirect.gather [hbm4b:s3+s10], $0x40, s31, s10, $0xb8;
	[tilespmem:$0xC530] =	vst v63  }
0x25: {  	s0 =	sadd.s32 $0x2788, s29  }
0x26: {  	[tilespmem:s19], [sflag:$0x4] =	stream.indirect.gather [hbm4b:s3+s10], $0x40, s0, s10, $0xb8;
	[tilespmem:$0xC530] =	vst v63  }
0x27: {  	_ =	swait.ge [sflag:s20], $0xA00  }
0x28: {  	[sflag:s20] =	ssyncset.done $0x0  }
0x29: {  	[sflag:s20] =	ssyncadd.s32 $0xFFFFF600  }
0x2a: {  	_ =	swait.ge [sflag:s20], $0xA00  }
0x2b: {  	[sflag:s20] =	ssyncset.done $0x0  }
0x2c: {  	[sflag:s20] =	ssyncadd.s32 $0xFFFFF600  }
0x2d: {  	_ =	swait.ge [sflag:s21], $0xA00  }
0x2e: {  	s31 =	smul.u32 $0x280, s26;
	[sflag:s21] =	ssyncset.done $0x0  }
0x2f: {  	[sflag:s21] =	ssyncadd.s32 $0xFFFFF600  }
0x30: {  	s1 =	sshra.s32 s31, $0x2;
	_ =	swait.ge [sflag:s21], $0xA00  }
0x31: {  	s1 =	sadd.s32 $0x9E20, s1;
	[sflag:s21] =	ssyncset.done $0x0  }
0x32: {  	s30 =	simm.s32 $0x0;
	v4 =	vmov s1;
	[sflag:s21] =	ssyncadd.s32 $0xFFFFF600  }
.LBB2_3:
0x33: {  	s31 =	sshll.u32 s30, $0x4  }
0x34: {  	v5 =	vmov s31  }
0x35: {  	v8 =	vimm.f32 $0.0e+00;
	v5 =	vshll.u32 v5, $0x6  }
0x36: {  	v9 =	vimm.f32 $0.0e+00;
	v10 =	vimm.f32 $0.0e+00;
	v5 =	vor.u32 v1, v5  }
0x37: {  	p0 =	por $0x1, $0x1;
	v11 =	vimm.f32 $0.0e+00;
	s1 =	simm.s32 $0x0;
	v6 =	vor.u32 v0, v5;
	v7 =	vor.u32 v2, v5  }
.LBB2_4:
0x38: {  	v12 =	vor.u32 s1, v6;
	s0 =	sor.u32 $0x1, s1  }
0x39: {  	v13 =	vxor.u32 s0, v0  }
0x3a: {  	s0 =	sor.u32 $0x2, s1;
	v13 =	vor.u32 v5, v13  }
0x3b: {  	v14 =	vxor.u32 s0, v0  }
0x3c: {  	s0 =	sor.u32 $0x3, s1;
	v14 =	vor.u32 v5, v14  }
0x3d: {  	v16 =	vxor.u32 s0, v0;
	s0 =	sor.u32 $0x4, s1;
	v15 =	vld.idx.msk [tilespmem:v12+s11+$0x0], $0xffff  }
0x3e: {  	v16 =	vor.u32 v5, v16;
	v18 =	vxor.u32 s0, v0;
	s0 =	sor.u32 $0x5, s1;
	v12 =	vld.idx.msk [tilespmem:v12+s13+$0x0], $0xffff  }
0x3f: {  	v20 =	vxor.u32 s0, v0;
	s0 =	sor.u32 $0x6, s1;
	v17 =	vld.idx.msk [tilespmem:v13+s11+$0x0], $0xffff  }
0x40: {  	v20 =	vor.u32 v5, v20;
	v58 =	vxor.u32 s0, v0;
	s0 =	sor.u32 $0x7, s1;
	v13 =	vld.idx.msk [tilespmem:v13+s13+$0x0], $0xffff  }
0x41: {  	v59 =	vxor.u32 s0, v0;
	s0 =	sor.u32 $0x8, s1;
	v19 =	vld.idx.msk [tilespmem:v14+s11+$0x0], $0xffff  }
0x42: {  	v18 =	vor.u32 v5, v18;
	v14 =	vld.idx.msk [tilespmem:v14+s13+$0x0], $0xffff;
	v25 =	vxor.u32 s0, v3;
	s0 =	sor.u32 $0x9, s1  }
0x43: {  	v57 =	vld.idx.msk [tilespmem:v16+s11+$0x0], $0xffff;
	v27 =	vxor.u32 s0, v0  }
0x44: {  	v16 =	vld.idx.msk [tilespmem:v16+s13+$0x0], $0xffff;
	v29 =	vor.u32 v5, v27  }
0x45: {  	v60 =	vld.idx.msk [tilespmem:v20+s11+$0x0], $0xffff  }
0x46: {  	v62 =	vld.idx.msk [tilespmem:v20+s13+$0x0], $0xffff;
	v20 =	vor.u32 v25, v7  }
0x47: {  	s0 =	sor.u32 $0xA, s1;
	v12 =	vmul.bf16 v12, v15;
	v23 =	vld.idx.msk [tilespmem:v18+s11+$0x0], $0xffff;
	v13 =	vmul.bf16 v13, v17;
	v17 =	vor.u32 v5, v58  }
0x48: {  	v18 =	vld.idx.msk [tilespmem:v18+s13+$0x0], $0xffff;
	v31 =	vxor.u32 s0, v0  }
0x49: {  	s0 =	sor.u32 $0xB, s1;
	v32 =	vor.u32 v5, v31;
	v21 =	vunpack.i.u.bf16.f32 v12;
	v12 =	vunpack.i.l.bf16.f32 v12;
	v38 =	vld.idx.msk [tilespmem:v29+s11+$0x0], $0xffff  }
0x4a: {  	v35 =	vxor.u32 s0, v0;
	v12 =	vadd.f32 v12, v21;
	v14 =	vmul.bf16 v14, v19;
	v15 =	vld.idx.msk [tilespmem:v29+s13+$0x0], $0xffff  }
0x4b: {  	v21 =	vor.u32 v5, v59;
	v22 =	vunpack.i.u.bf16.f32 v13;
	v13 =	vunpack.i.l.bf16.f32 v13;
	v34 =	vld.idx.msk [tilespmem:v20+s11+$0x0], $0xffff  }
0x4c: {  	v61 =	vmul.bf16 v16, v57;
	v13 =	vadd.f32 v13, v22;
	v11 =	vadd.f32 v12, v11;
	v24 =	vld.idx.msk [tilespmem:v17+s11+$0x0], $0xffff  }
0x4d: {  	v63 =	vunpack.i.u.bf16.f32 v14;
	v14 =	vunpack.i.l.bf16.f32 v14;
	v18 =	vmul.bf16 v18, v23;
	v17 =	vld.idx.msk [tilespmem:v17+s13+$0x0], $0xffff  }
0x4e: {  	v14 =	vadd.f32 v14, v63;
	v26 =	vunpack.i.u.bf16.f32 v61;
	v12 =	vunpack.i.l.bf16.f32 v61;
	v20 =	vld.idx.msk [tilespmem:v20+s13+$0x0], $0xffff  }
0x4f: {  	v40 =	vld.idx.msk [tilespmem:v32+s11+$0x0], $0xffff;
	v10 =	vadd.f32 v13, v10;
	v12 =	vadd.f32 v12, v26;
	v13 =	vmul.bf16 v62, v60  }
0x50: {  	v19 =	vld.idx.msk [tilespmem:v32+s13+$0x0], $0xffff;
	v30 =	vunpack.i.u.bf16.f32 v18;
	v18 =	vunpack.i.l.bf16.f32 v18;
	v9 =	vadd.f32 v14, v9  }
0x51: {  	v28 =	vld.idx.msk [tilespmem:v21+s11+$0x0], $0xffff;
	v18 =	vadd.f32 v18, v30;
	v8 =	vadd.f32 v12, v8;
	v36 =	vunpack.i.u.bf16.f32 v13  }
0x52: {  	s0 =	sor.u32 $0xC, s1;
	v21 =	vld.idx.msk [tilespmem:v21+s13+$0x0], $0xffff;
	v13 =	vunpack.i.l.bf16.f32 v13;
	v33 =	vmul.bf16 v17, v24;
	v17 =	vor.u32 v5, v35  }
0x53: {  	v11 =	vadd.f32 v18, v11;
	v13 =	vadd.f32 v13, v36;
	v24 =	vxor.u32 s0, v0  }
0x54: {  	v15 =	vmul.bf16 v15, v38;
	v16 =	vmul.bf16 v20, v34;
	s0 =	sor.u32 $0xD, s1;
	v39 =	vor.u32 v5, v24  }
0x55: {  	v49 =	vmul.bf16 v19, v40;
	v10 =	vadd.f32 v13, v10;
	v42 =	vxor.u32 s0, v0;
	s0 =	sor.u32 $0xE, s1  }
0x56: {  	v51 =	vunpack.i.u.bf16.f32 v15;
	v44 =	vor.u32 v5, v42;
	v48 =	vxor.u32 s0, v0;
	s0 =	sor.u32 $0xF, s1  }
0x57: {  	v15 =	vunpack.i.l.bf16.f32 v15;
	v14 =	vmul.bf16 v21, v28;
	v50 =	vxor.u32 s0, v0;
	v43 =	vld.idx.msk [tilespmem:v17+s11+$0x0], $0xffff  }
0x58: {  	v46 =	vunpack.i.u.bf16.f32 v16;
	v16 =	vunpack.i.l.bf16.f32 v16;
	v18 =	vor.u32 v5, v50;
	v45 =	vld.idx.msk [tilespmem:v17+s13+$0x0], $0xffff  }
0x59: {  	v15 =	vadd.f32 v15, v51;
	v53 =	vunpack.i.u.bf16.f32 v49;
	v37 =	vunpack.i.u.bf16.f32 v33;
	s0 =	sor.u32 $0x10, s1;
	v47 =	vld.idx.msk [tilespmem:v39+s11+$0x0], $0xffff  }
0x5a: {  	v12 =	vunpack.i.l.bf16.f32 v33;
	v13 =	vadd.f32 v16, v46;
	v56 =	vor.u32 s0, v6;
	v21 =	vld.idx.msk [tilespmem:v39+s13+$0x0], $0xffff  }
0x5b: {  	v16 =	vunpack.i.l.bf16.f32 v49;
	v12 =	vadd.f32 v12, v37;
	v41 =	vunpack.i.u.bf16.f32 v14;
	s0 =	sor.u32 $0x11, s1;
	v52 =	vld.idx.msk [tilespmem:v44+s11+$0x0], $0xffff  }
0x5c: {  	v14 =	vunpack.i.l.bf16.f32 v14;
	v17 =	vor.u32 v5, v48;
	v58 =	vxor.u32 s0, v0;
	s0 =	sor.u32 $0x12, s1;
	v22 =	vld.idx.msk [tilespmem:v44+s13+$0x0], $0xffff  }
0x5d: {  	v54 =	vadd.f32 v16, v53;
	v10 =	vadd.f32 v15, v10;
	v61 =	vxor.u32 s0, v0;
	s0 =	sor.u32 $0x13, s1;
	v60 =	vld.idx.msk [tilespmem:v18+s11+$0x0], $0xffff  }
0x5e: {  	v14 =	vadd.f32 v14, v41;
	v19 =	vor.u32 v5, v58;
	v30 =	vxor.u32 s0, v0;
	s0 =	sor.u32 $0x14, s1;
	v18 =	vld.idx.msk [tilespmem:v18+s13+$0x0], $0xffff  }
0x5f: {  	v11 =	vadd.f32 v13, v11;
	v9 =	vadd.f32 v12, v9;
	v35 =	vxor.u32 s0, v0;
	s0 =	sor.u32 $0x15, s1;
	v29 =	vld.idx.msk [tilespmem:v56+s11+$0x0], $0xffff  }
0x60: {  	v8 =	vadd.f32 v14, v8;
	v63 =	vor.u32 v5, v61;
	v16 =	vld.idx.msk [tilespmem:v56+s13+$0x0], $0xffff;
	v40 =	vxor.u32 s0, v0;
	s0 =	sor.u32 $0x16, s1  }
0x61: {  	v32 =	vor.u32 v5, v30;
	v12 =	vmul.bf16 v45, v43;
	v55 =	vld.idx.msk [tilespmem:v17+s11+$0x0], $0xffff;
	v43 =	vxor.u32 s0, v0  }
0x62: {  	v9 =	vadd.f32 v54, v9;
	v17 =	vld.idx.msk [tilespmem:v17+s13+$0x0], $0xffff;
	s0 =	sor.u32 $0x17, s1;
	v14 =	vmul.bf16 v21, v47;
	v45 =	vor.u32 v5, v43  }
0x63: {  	v34 =	vld.idx.msk [tilespmem:v19+s11+$0x0], $0xffff;
	v25 =	vxor.u32 s0, v0;
	s0 =	sor.u32 $0x18, s1;
	v57 =	vunpack.i.u.bf16.f32 v12;
	v12 =	vunpack.i.l.bf16.f32 v12  }
0x64: {  	v37 =	vld.idx.msk [tilespmem:v19+s13+$0x0], $0xffff;
	v22 =	vmul.bf16 v22, v52;
	v48 =	vor.u32 v5, v25;
	v51 =	vxor.u32 s0, v3  }
0x65: {  	v39 =	vld.idx.msk [tilespmem:v63+s11+$0x0], $0xffff;
	s0 =	sor.u32 $0x19, s1;
	v59 =	vunpack.i.u.bf16.f32 v14;
	v14 =	vunpack.i.l.bf16.f32 v14;
	v12 =	vadd.f32 v12, v57  }
0x66: {  	v42 =	vld.idx.msk [tilespmem:v32+s11+$0x0], $0xffff;
	v20 =	vor.u32 v51, v7;
	v26 =	vxor.u32 s0, v0;
	v62 =	vadd.f32 v14, v59  }
0x67: {  	v44 =	vld.idx.msk [tilespmem:v32+s13+$0x0], $0xffff;
	s0 =	sor.u32 $0x1A, s1;
	v28 =	vunpack.i.u.bf16.f32 v22;
	v22 =	vunpack.i.l.bf16.f32 v22;
	v36 =	vmul.bf16 v18, v60  }
0x68: {  	v14 =	vld.idx.msk [tilespmem:v63+s13+$0x0], $0xffff;
	v16 =	vmul.bf16 v16, v29;
	v56 =	vor.u32 v5, v26;
	v58 =	vxor.u32 s0, v0  }
0x69: {  	s0 =	sor.u32 $0x1B, s1;
	v8 =	vadd.f32 v12, v8;
	v31 =	vadd.f32 v22, v28;
	v33 =	vmul.bf16 v17, v55;
	v55 =	vld.idx.msk [tilespmem:v45+s11+$0x0], $0xffff  }
0x6a: {  	v17 =	vor.u32 v5, v35;
	v22 =	vor.u32 v5, v40;
	v61 =	vxor.u32 s0, v0;
	v19 =	vld.idx.msk [tilespmem:v45+s13+$0x0], $0xffff  }
0x6b: {  	v11 =	vadd.f32 v62, v11;
	v41 =	vunpack.i.u.bf16.f32 v36;
	v12 =	vunpack.i.l.bf16.f32 v36;
	v57 =	vld.idx.msk [tilespmem:v48+s11+$0x0], $0xffff  }
0x6c: {  	s0 =	sor.u32 $0x1C, s1;
	v46 =	vunpack.i.u.bf16.f32 v16;
	v16 =	vunpack.i.l.bf16.f32 v16;
	v15 =	vmul.bf16 v37, v34;
	v18 =	vld.idx.msk [tilespmem:v48+s13+$0x0], $0xffff  }
0x6d: {  	v32 =	vor.u32 v5, v61;
	v35 =	vxor.u32 s0, v0;
	v10 =	vadd.f32 v31, v10;
	v60 =	vld.idx.msk [tilespmem:v20+s11+$0x0], $0xffff  }
0x6e: {  	s0 =	sor.u32 $0x1D, s1;
	v38 =	vunpack.i.u.bf16.f32 v33;
	v13 =	vunpack.i.l.bf16.f32 v33;
	v12 =	vadd.f32 v12, v41;
	v63 =	vld.idx.msk [tilespmem:v20+s13+$0x0], $0xffff  }
0x6f: {  	v16 =	vadd.f32 v16, v46;
	v21 =	vor.u32 v5, v35;
	v27 =	vxor.u32 s0, v0;
	v34 =	vld.idx.msk [tilespmem:v56+s11+$0x0], $0xffff  }
0x70: {  	s0 =	sor.u32 $0x1E, s1;
	s1 =	sor.u32 $0x1F, s1;
	v13 =	vadd.f32 v13, v38;
	v52 =	vunpack.i.u.bf16.f32 v15;
	v15 =	vunpack.i.l.bf16.f32 v15;
	v23 =	vld.idx.msk [tilespmem:v56+s13+$0x0], $0xffff  }
0x71: {  	v38 =	vor.u32 v5, v27;
	v40 =	vxor.u32 s0, v0;
	v30 =	vxor.u32 s1, v0;
	v47 =	vld.idx.msk [tilespmem:v17+s11+$0x0], $0xffff  }
0x72: {  	v8 =	vadd.f32 v12, v8;
	v49 =	vmul.bf16 v14, v39;
	v11 =	vadd.f32 v16, v11;
	v17 =	vld.idx.msk [tilespmem:v17+s13+$0x0], $0xffff  }
0x73: {  	v15 =	vadd.f32 v15, v52;
	v9 =	vadd.f32 v13, v9;
	v50 =	vld.idx.msk [tilespmem:v22+s11+$0x0], $0xffff;
	v13 =	vmul.bf16 v44, v42  }
0x74: {  	v53 =	vld.idx.msk [tilespmem:v22+s13+$0x0], $0xffff;
	v22 =	vor.u32 v5, v58;
	v42 =	vor.u32 v5, v30;
	v54 =	vunpack.i.u.bf16.f32 v49  }
0x75: {  	v12 =	vunpack.i.l.bf16.f32 v49;
	v10 =	vadd.f32 v15, v10;
	v19 =	vmul.bf16 v19, v55;
	v39 =	vld.idx.msk [tilespmem:v32+s11+$0x0], $0xffff  }
0x76: {  	v20 =	vld.idx.msk [tilespmem:v32+s13+$0x0], $0xffff;
	v12 =	vadd.f32 v12, v54;
	v59 =	vunpack.i.u.bf16.f32 v13;
	v13 =	vunpack.i.l.bf16.f32 v13  }
0x77: {  	v16 =	vmul.bf16 v18, v57;
	v29 =	vld.idx.msk [tilespmem:v21+s11+$0x0], $0xffff;
	v13 =	vadd.f32 v13, v59;
	v41 =	vunpack.i.u.bf16.f32 v19  }
0x78: {  	v21 =	vld.idx.msk [tilespmem:v21+s13+$0x0], $0xffff;
	v19 =	vunpack.i.l.bf16.f32 v19;
	v43 =	vmul.bf16 v63, v60;
	v9 =	vadd.f32 v12, v9  }
0x79: {  	v44 =	vld.idx.msk [tilespmem:v38+s11+$0x0], $0xffff;
	v28 =	vunpack.i.u.bf16.f32 v16;
	v16 =	vunpack.i.l.bf16.f32 v16;
	v62 =	vmul.bf16 v17, v47  }
0x7a: {  	v45 =	vld.idx.msk [tilespmem:v38+s13+$0x0], $0xffff;
	v19 =	vadd.f32 v19, v41;
	v14 =	vmul.bf16 v23, v34;
	v8 =	vadd.f32 v13, v8  }
0x7b: {  	v33 =	vmul.bf16 v53, v50;
	v37 =	vld.idx.msk [tilespmem:v22+s11+$0x0], $0xffff;
	v24 =	vunpack.i.u.bf16.f32 v62;
	v12 =	vunpack.i.l.bf16.f32 v62  }
0x7c: {  	v22 =	vld.idx.msk [tilespmem:v22+s13+$0x0], $0xffff;
	v16 =	vadd.f32 v16, v28;
	v12 =	vadd.f32 v12, v24;
	v24 =	vor.u32 v5, v40  }
0x7d: {  	v46 =	vunpack.i.u.bf16.f32 v43;
	v52 =	vld.idx.msk [tilespmem:v42+s11+$0x0], $0xffff;
	v9 =	vadd.f32 v19, v9;
	v49 =	vunpack.i.u.bf16.f32 v14  }
0x7e: {  	v54 =	vld.idx.msk [tilespmem:v42+s13+$0x0], $0xffff;
	v14 =	vunpack.i.l.bf16.f32 v14;
	v18 =	vmul.bf16 v20, v39;
	v36 =	vunpack.i.u.bf16.f32 v33  }
0x7f: {  	v13 =	vunpack.i.l.bf16.f32 v33;
	v8 =	vadd.f32 v16, v8;
	v56 =	vmul.bf16 v21, v29  }
0x80: {  	v13 =	vadd.f32 v13, v36;
	v53 =	vunpack.i.u.bf16.f32 v18;
	v18 =	vunpack.i.l.bf16.f32 v18  }
0x81: {  	v14 =	vadd.f32 v14, v49;
	v55 =	vadd.f32 v18, v53;
	v58 =	vunpack.i.u.bf16.f32 v56;
	v48 =	vld.idx.msk [tilespmem:v24+s11+$0x0], $0xffff  }
0x82: {  	v11 =	vadd.f32 v12, v11;
	v10 =	vadd.f32 v13, v10;
	v47 =	vmul.bf16 v22, v37;
	v50 =	vld.idx.msk [tilespmem:v24+s13+$0x0], $0xffff  }
0x83: {  	v12 =	vunpack.i.l.bf16.f32 v43;
	v13 =	vmul.bf16 v45, v44;
	v59 =	vmul.bf16 v54, v52  }
0x84: {  	v12 =	vadd.f32 v12, v46;
	v8 =	vadd.f32 v55, v8;
	v51 =	vunpack.i.u.bf16.f32 v47  }
0x85: {  	v17 =	vunpack.i.l.bf16.f32 v47;
	v10 =	vadd.f32 v14, v10;
	v60 =	vunpack.i.u.bf16.f32 v13  }
0x86: {  	v13 =	vunpack.i.l.bf16.f32 v13;
	v16 =	vadd.f32 v17, v51;
	v11 =	vadd.f32 v12, v11  }
0x87: {  	p1 =	por p0, p0;
	v12 =	vunpack.i.l.bf16.f32 v56;
	v13 =	vadd.f32 v13, v60;
	v57 =	vmul.bf16 v50, v48  }
.Ltmp0:
0x88: {  	v62 =	vunpack.i.u.bf16.f32 v59;
	v12 =	vadd.f32 v12, v58;
	v9 =	vadd.f32 v16, v9;
	(pc) =	sbr.rel @p1 .LBB2_4-.Ltmp0, $4  }
0x89: {  	v16 =	vunpack.i.l.bf16.f32 v59;
	v61 =	vunpack.i.u.bf16.f32 v57;
	v14 =	vunpack.i.l.bf16.f32 v57  }
0x8a: {  	v63 =	vadd.f32 v16, v62;
	v14 =	vadd.f32 v14, v61  }
0x8b: {  	v10 =	vadd.f32 v13, v10;
	v11 =	vadd.f32 v12, v11  }
0x8c: {  	p0 =	por $0x0, $0x0;
	s1 =	simm.s32 $0x20;
	v8 =	vadd.f32 v63, v8;
	v9 =	vadd.f32 v14, v9  }
0x8d: {  	s30 =	sadd.s32 $0x1, s30  }
0x8e: {  	p0 =	sne.s32 s30, $0x5  }
.Ltmp1:
0x8f: {  	v5 =	vadd.f32 v10, v11;
	v6 =	vadd.f32 v8, v9;
	(pc) =	sbr.rel @p0 .LBB2_3-.Ltmp1, $3  }
0x90: {  	_ = 	snop  }
0x91: {  	v5 =	vadd.f32 v6, v5;
	_ =	sdelay $0x1  }
0x92: {  	[tilespmem:v4+s31+$0x0 ss:$0x1] =	vst.idx.msk $0xffff, v5  }
0x93: {  	s0 =	sadd.s32 $0xA0, s29  }
0x94: {  	[tilespmem:s11], [sflag:$0x1] =	stream.indirect.gather [hbm4b:s3+s10], $0x40, s0, s10, $0xb8;
	[tilespmem:$0xC530] =	vst v63  }
0x95: {  	s31 =	sadd.s32 $0xC8, s29  }
0x96: {  	[tilespmem:s12], [sflag:$0x1] =	stream.indirect.gather [hbm4b:s3+s10], $0x40, s31, s10, $0xb8;
	[tilespmem:$0xC530] =	vst v63  }
0x97: {  	s1 =	sadd.s32 $0x27B0, s29  }
0x98: {  	[tilespmem:s13], [sflag:$0x2] =	stream.indirect.gather [hbm4b:s3+s10], $0x40, s1, s10, $0xb8;
	[tilespmem:$0xC530] =	vst v63  }
0x99: {  	s30 =	sadd.s32 $0x27D8, s29  }
0x9a: {  	[tilespmem:s15], [sflag:$0x2] =	stream.indirect.gather [hbm4b:s3+s10], $0x40, s30, s10, $0xb8;
	[tilespmem:$0xC530] =	vst v63  }
0x9b: {  	_ =	swait.ge [sflag:s22], $0xA00  }
0x9c: {  	[sflag:s22] =	ssyncset.done $0x0  }
0x9d: {  	[sflag:s22] =	ssyncadd.s32 $0xFFFFF600  }
0x9e: {  	_ =	swait.ge [sflag:s22], $0xA00  }
0x9f: {  	[sflag:s22] =	ssyncset.done $0x0  }
0xa0: {  	[sflag:s22] =	ssyncadd.s32 $0xFFFFF600  }
0xa1: {  	_ =	swait.ge [sflag:s23], $0xA00  }
0xa2: {  	[sflag:s23] =	ssyncset.done $0x0  }
0xa3: {  	[sflag:s23] =	ssyncadd.s32 $0xFFFFF600  }
0xa4: {  	_ =	swait.ge [sflag:s23], $0xA00  }
0xa5: {  	s31 =	sadd.s32 $0x9E20, s28;
	[sflag:s23] =	ssyncset.done $0x0  }
0xa6: {  	s28 =	simm.s32 $0x0;
	v4 =	vmov s31;
	[sflag:s23] =	ssyncadd.s32 $0xFFFFF600  }
.LBB2_7:
0xa7: {  	s29 =	sshll.u32 s28, $0x4  }
0xa8: {  	v5 =	vmov s29  }
0xa9: {  	v8 =	vimm.f32 $0.0e+00;
	v5 =	vshll.u32 v5, $0x6  }
0xaa: {  	v9 =	vimm.f32 $0.0e+00;
	v10 =	vimm.f32 $0.0e+00;
	v5 =	vor.u32 v1, v5  }
0xab: {  	p0 =	por $0x1, $0x1;
	v11 =	vimm.f32 $0.0e+00;
	s1 =	simm.s32 $0x0;
	v6 =	vor.u32 v0, v5;
	v7 =	vor.u32 v2, v5  }
.LBB2_8:
0xac: {  	v12 =	vor.u32 s1, v6;
	s0 =	sor.u32 $0x1, s1  }
0xad: {  	v13 =	vxor.u32 s0, v0  }
0xae: {  	s30 =	sor.u32 $0x2, s1;
	v13 =	vor.u32 v5, v13  }
0xaf: {  	v14 =	vxor.u32 s30, v0  }
0xb0: {  	s31 =	sor.u32 $0x3, s1;
	v14 =	vor.u32 v5, v14  }
0xb1: {  	v16 =	vxor.u32 s31, v0;
	v15 =	vld.idx.msk [tilespmem:v12+s16+$0x0], $0xffff  }
0xb2: {  	s30 =	sor.u32 $0x4, s1;
	v16 =	vor.u32 v5, v16;
	v12 =	vld.idx.msk [tilespmem:v12+s18+$0x0], $0xffff  }
0xb3: {  	v18 =	vxor.u32 s30, v0;
	v17 =	vld.idx.msk [tilespmem:v13+s16+$0x0], $0xffff  }
0xb4: {  	s31 =	sor.u32 $0x5, s1;
	v18 =	vor.u32 v5, v18;
	v13 =	vld.idx.msk [tilespmem:v13+s18+$0x0], $0xffff  }
0xb5: {  	v20 =	vxor.u32 s31, v0;
	v19 =	vld.idx.msk [tilespmem:v14+s16+$0x0], $0xffff  }
0xb6: {  	s31 =	sor.u32 $0x7, s1;
	v20 =	vor.u32 v5, v20;
	v14 =	vld.idx.msk [tilespmem:v14+s18+$0x0], $0xffff  }
0xb7: {  	s30 =	sor.u32 $0x6, s1;
	v59 =	vxor.u32 s31, v0;
	s31 =	sor.u32 $0x9, s1;
	v57 =	vld.idx.msk [tilespmem:v16+s16+$0x0], $0xffff  }
0xb8: {  	v58 =	vxor.u32 s30, v0;
	s30 =	sor.u32 $0x8, s1;
	v27 =	vxor.u32 s31, v0;
	v16 =	vld.idx.msk [tilespmem:v16+s18+$0x0], $0xffff  }
0xb9: {  	v25 =	vxor.u32 s30, v3;
	s30 =	sor.u32 $0xA, s1;
	s31 =	sor.u32 $0xB, s1;
	v29 =	vor.u32 v5, v27;
	v23 =	vld.idx.msk [tilespmem:v18+s16+$0x0], $0xffff  }
0xba: {  	v31 =	vxor.u32 s30, v0;
	v35 =	vxor.u32 s31, v0;
	s31 =	sor.u32 $0xD, s1;
	v18 =	vld.idx.msk [tilespmem:v18+s18+$0x0], $0xffff  }
0xbb: {  	v32 =	vor.u32 v5, v31;
	v42 =	vxor.u32 s31, v0;
	s31 =	sor.u32 $0xF, s1;
	v60 =	vld.idx.msk [tilespmem:v20+s16+$0x0], $0xffff;
	v12 =	vmul.bf16 v12, v15  }
0xbc: {  	v44 =	vor.u32 v5, v42;
	v50 =	vxor.u32 s31, v0;
	v62 =	vld.idx.msk [tilespmem:v20+s18+$0x0], $0xffff;
	v20 =	vor.u32 v25, v7  }
0xbd: {  	v13 =	vmul.bf16 v13, v17;
	v21 =	vunpack.i.u.bf16.f32 v12;
	v17 =	vor.u32 v5, v58  }
0xbe: {  	s31 =	sor.u32 $0x11, s1;
	v38 =	vld.idx.msk [tilespmem:v29+s16+$0x0], $0xffff;
	v12 =	vunpack.i.l.bf16.f32 v12;
	v14 =	vmul.bf16 v14, v19;
	v61 =	vmul.bf16 v16, v57  }
0xbf: {  	v15 =	vld.idx.msk [tilespmem:v29+s18+$0x0], $0xffff;
	v58 =	vxor.u32 s31, v0;
	v12 =	vadd.f32 v12, v21;
	v21 =	vor.u32 v5, v59  }
0xc0: {  	v40 =	vld.idx.msk [tilespmem:v32+s16+$0x0], $0xffff;
	v18 =	vmul.bf16 v18, v23;
	v22 =	vunpack.i.u.bf16.f32 v13;
	v13 =	vunpack.i.l.bf16.f32 v13  }
0xc1: {  	v19 =	vld.idx.msk [tilespmem:v32+s18+$0x0], $0xffff;
	v63 =	vunpack.i.u.bf16.f32 v14;
	v14 =	vunpack.i.l.bf16.f32 v14;
	v13 =	vadd.f32 v13, v22  }
0xc2: {  	v26 =	vunpack.i.u.bf16.f32 v61;
	v11 =	vadd.f32 v12, v11;
	v14 =	vadd.f32 v14, v63  }
0xc3: {  	v34 =	vld.idx.msk [tilespmem:v20+s16+$0x0], $0xffff;
	v12 =	vunpack.i.l.bf16.f32 v61;
	v30 =	vunpack.i.u.bf16.f32 v18;
	v18 =	vunpack.i.l.bf16.f32 v18  }
0xc4: {  	s31 =	sor.u32 $0x13, s1;
	v20 =	vld.idx.msk [tilespmem:v20+s18+$0x0], $0xffff;
	v15 =	vmul.bf16 v15, v38;
	v12 =	vadd.f32 v12, v26;
	v18 =	vadd.f32 v18, v30  }
0xc5: {  	v52 =	vld.idx.msk [tilespmem:v44+s16+$0x0], $0xffff;
	v30 =	vxor.u32 s31, v0;
	v10 =	vadd.f32 v13, v10;
	v9 =	vadd.f32 v14, v9  }
0xc6: {  	v22 =	vld.idx.msk [tilespmem:v44+s18+$0x0], $0xffff;
	v13 =	vmul.bf16 v62, v60;
	v49 =	vmul.bf16 v19, v40;
	v51 =	vunpack.i.u.bf16.f32 v15  }
0xc7: {  	s31 =	sor.u32 $0x15, s1;
	v24 =	vld.idx.msk [tilespmem:v17+s16+$0x0], $0xffff;
	v15 =	vunpack.i.l.bf16.f32 v15;
	v19 =	vor.u32 v5, v58;
	v32 =	vor.u32 v5, v30  }
0xc8: {  	v17 =	vld.idx.msk [tilespmem:v17+s18+$0x0], $0xffff;
	v40 =	vxor.u32 s31, v0;
	v8 =	vadd.f32 v12, v8;
	v11 =	vadd.f32 v18, v11  }
0xc9: {  	s31 =	sor.u32 $0x17, s1;
	v28 =	vld.idx.msk [tilespmem:v21+s16+$0x0], $0xffff;
	v16 =	vmul.bf16 v20, v34;
	v18 =	vor.u32 v5, v50;
	v15 =	vadd.f32 v15, v51  }
0xca: {  	v21 =	vld.idx.msk [tilespmem:v21+s18+$0x0], $0xffff;
	v25 =	vxor.u32 s31, v0;
	s31 =	sor.u32 $0x19, s1;
	v36 =	vunpack.i.u.bf16.f32 v13;
	v13 =	vunpack.i.l.bf16.f32 v13  }
0xcb: {  	v53 =	vunpack.i.u.bf16.f32 v49;
	v26 =	vxor.u32 s31, v0;
	v13 =	vadd.f32 v13, v36  }
0xcc: {  	s30 =	sor.u32 $0xC, s1;
	v46 =	vunpack.i.u.bf16.f32 v16;
	v16 =	vunpack.i.l.bf16.f32 v16;
	v22 =	vmul.bf16 v22, v52  }
0xcd: {  	v33 =	vmul.bf16 v17, v24;
	v17 =	vor.u32 v5, v35;
	v24 =	vxor.u32 s30, v0;
	v34 =	vld.idx.msk [tilespmem:v19+s16+$0x0], $0xffff  }
0xce: {  	v10 =	vadd.f32 v13, v10;
	s30 =	sor.u32 $0xE, s1;
	v13 =	vadd.f32 v16, v46;
	v16 =	vunpack.i.l.bf16.f32 v49;
	v42 =	vld.idx.msk [tilespmem:v32+s16+$0x0], $0xffff  }
0xcf: {  	v44 =	vld.idx.msk [tilespmem:v32+s18+$0x0], $0xffff;
	v14 =	vmul.bf16 v21, v28;
	v39 =	vor.u32 v5, v24;
	v48 =	vxor.u32 s30, v0  }
0xd0: {  	v54 =	vadd.f32 v16, v53;
	v60 =	vld.idx.msk [tilespmem:v18+s16+$0x0], $0xffff;
	v28 =	vunpack.i.u.bf16.f32 v22;
	v22 =	vunpack.i.l.bf16.f32 v22  }
0xd1: {  	s30 =	sor.u32 $0x10, s1;
	v18 =	vld.idx.msk [tilespmem:v18+s18+$0x0], $0xffff;
	v37 =	vunpack.i.u.bf16.f32 v33;
	v12 =	vunpack.i.l.bf16.f32 v33;
	v11 =	vadd.f32 v13, v11  }
0xd2: {  	v10 =	vadd.f32 v15, v10;
	v56 =	vor.u32 s30, v6;
	v12 =	vadd.f32 v12, v37;
	v37 =	vld.idx.msk [tilespmem:v19+s18+$0x0], $0xffff  }
0xd3: {  	s30 =	sor.u32 $0x12, s1;
	v31 =	vadd.f32 v22, v28;
	v41 =	vunpack.i.u.bf16.f32 v14;
	v14 =	vunpack.i.l.bf16.f32 v14;
	v43 =	vld.idx.msk [tilespmem:v17+s16+$0x0], $0xffff  }
0xd4: {  	v22 =	vor.u32 v5, v40;
	v61 =	vxor.u32 s30, v0;
	s30 =	sor.u32 $0x14, s1;
	v14 =	vadd.f32 v14, v41;
	v45 =	vld.idx.msk [tilespmem:v17+s18+$0x0], $0xffff  }
0xd5: {  	s31 =	sor.u32 $0x1B, s1;
	v63 =	vor.u32 v5, v61;
	v35 =	vxor.u32 s30, v0;
	v10 =	vadd.f32 v31, v10;
	v47 =	vld.idx.msk [tilespmem:v39+s16+$0x0], $0xffff  }
0xd6: {  	v61 =	vxor.u32 s31, v0;
	s31 =	sor.u32 $0x1D, s1;
	v9 =	vadd.f32 v12, v9;
	v17 =	vor.u32 v5, v48;
	v21 =	vld.idx.msk [tilespmem:v39+s18+$0x0], $0xffff  }
0xd7: {  	v48 =	vor.u32 v5, v25;
	v32 =	vor.u32 v5, v61;
	v27 =	vxor.u32 s31, v0;
	s31 =	sor.u32 $0x1F, s1;
	v29 =	vld.idx.msk [tilespmem:v56+s16+$0x0], $0xffff  }
0xd8: {  	v8 =	vadd.f32 v14, v8;
	v36 =	vmul.bf16 v18, v60;
	v30 =	vxor.u32 s31, v0;
	v16 =	vld.idx.msk [tilespmem:v56+s18+$0x0], $0xffff  }
0xd9: {  	s30 =	sor.u32 $0x16, s1;
	v9 =	vadd.f32 v54, v9;
	v56 =	vor.u32 v5, v26;
	v15 =	vmul.bf16 v37, v34  }
0xda: {  	v50 =	vld.idx.msk [tilespmem:v22+s16+$0x0], $0xffff;
	v41 =	vunpack.i.u.bf16.f32 v36;
	v12 =	vmul.bf16 v45, v43;
	v43 =	vxor.u32 s30, v0  }
0xdb: {  	v55 =	vld.idx.msk [tilespmem:v17+s16+$0x0], $0xffff;
	s30 =	sor.u32 $0x18, s1;
	v52 =	vunpack.i.u.bf16.f32 v15;
	v15 =	vunpack.i.l.bf16.f32 v15;
	v14 =	vmul.bf16 v21, v47  }
0xdc: {  	v17 =	vld.idx.msk [tilespmem:v17+s18+$0x0], $0xffff;
	v45 =	vor.u32 v5, v43;
	v51 =	vxor.u32 s30, v3;
	v15 =	vadd.f32 v15, v52  }
0xdd: {  	v53 =	vld.idx.msk [tilespmem:v22+s18+$0x0], $0xffff;
	s30 =	sor.u32 $0x1A, s1;
	v57 =	vunpack.i.u.bf16.f32 v12;
	v12 =	vunpack.i.l.bf16.f32 v12;
	v16 =	vmul.bf16 v16, v29  }
0xde: {  	v39 =	vld.idx.msk [tilespmem:v63+s16+$0x0], $0xffff;
	v20 =	vor.u32 v51, v7;
	v58 =	vxor.u32 s30, v0;
	v59 =	vunpack.i.u.bf16.f32 v14  }
0xdf: {  	v18 =	vld.idx.msk [tilespmem:v48+s18+$0x0], $0xffff;
	v14 =	vunpack.i.l.bf16.f32 v14;
	v12 =	vadd.f32 v12, v57;
	v22 =	vor.u32 v5, v58  }
0xe0: {  	v34 =	vld.idx.msk [tilespmem:v56+s16+$0x0], $0xffff;
	v10 =	vadd.f32 v15, v10;
	v62 =	vadd.f32 v14, v59;
	v46 =	vunpack.i.u.bf16.f32 v16  }
0xe1: {  	v57 =	vld.idx.msk [tilespmem:v48+s16+$0x0], $0xffff;
	v16 =	vunpack.i.l.bf16.f32 v16;
	v33 =	vmul.bf16 v17, v55;
	v17 =	vor.u32 v5, v35  }
0xe2: {  	s30 =	sor.u32 $0x1C, s1;
	v14 =	vld.idx.msk [tilespmem:v63+s18+$0x0], $0xffff;
	v8 =	vadd.f32 v12, v8;
	v12 =	vunpack.i.l.bf16.f32 v36;
	v16 =	vadd.f32 v16, v46  }
0xe3: {  	v23 =	vld.idx.msk [tilespmem:v56+s18+$0x0], $0xffff;
	v35 =	vxor.u32 s30, v0;
	v11 =	vadd.f32 v62, v11;
	v12 =	vadd.f32 v12, v41  }
0xe4: {  	s30 =	sor.u32 $0x1E, s1;
	v55 =	vld.idx.msk [tilespmem:v45+s16+$0x0], $0xffff;
	v21 =	vor.u32 v5, v35;
	v38 =	vunpack.i.u.bf16.f32 v33;
	v13 =	vunpack.i.l.bf16.f32 v33  }
0xe5: {  	v19 =	vld.idx.msk [tilespmem:v45+s18+$0x0], $0xffff;
	v40 =	vxor.u32 s30, v0;
	v33 =	vmul.bf16 v53, v50;
	v13 =	vadd.f32 v13, v38  }
0xe6: {  	v8 =	vadd.f32 v12, v8;
	v11 =	vadd.f32 v16, v11;
	v38 =	vor.u32 v5, v27;
	v47 =	vld.idx.msk [tilespmem:v17+s16+$0x0], $0xffff  }
0xe7: {  	v16 =	vmul.bf16 v18, v57;
	v49 =	vmul.bf16 v14, v39;
	v36 =	vunpack.i.u.bf16.f32 v33;
	v17 =	vld.idx.msk [tilespmem:v17+s18+$0x0], $0xffff  }
0xe8: {  	v60 =	vld.idx.msk [tilespmem:v20+s16+$0x0], $0xffff;
	v14 =	vmul.bf16 v23, v34;
	v9 =	vadd.f32 v13, v9;
	v13 =	vmul.bf16 v44, v42  }
0xe9: {  	v63 =	vld.idx.msk [tilespmem:v20+s18+$0x0], $0xffff;
	v28 =	vunpack.i.u.bf16.f32 v16;
	v16 =	vunpack.i.l.bf16.f32 v16;
	v42 =	vor.u32 v5, v30  }
0xea: {  	v20 =	vld.idx.msk [tilespmem:v32+s18+$0x0], $0xffff;
	v54 =	vunpack.i.u.bf16.f32 v49;
	v12 =	vunpack.i.l.bf16.f32 v49;
	v19 =	vmul.bf16 v19, v55  }
0xeb: {  	v37 =	vld.idx.msk [tilespmem:v22+s16+$0x0], $0xffff;
	v16 =	vadd.f32 v16, v28;
	v49 =	vunpack.i.u.bf16.f32 v14;
	v12 =	vadd.f32 v12, v54  }
0xec: {  	v39 =	vld.idx.msk [tilespmem:v32+s16+$0x0], $0xffff;
	v59 =	vunpack.i.u.bf16.f32 v13;
	v13 =	vunpack.i.l.bf16.f32 v13;
	v62 =	vmul.bf16 v17, v47  }
0xed: {  	v22 =	vld.idx.msk [tilespmem:v22+s18+$0x0], $0xffff;
	v14 =	vunpack.i.l.bf16.f32 v14;
	v13 =	vadd.f32 v13, v59;
	v41 =	vunpack.i.u.bf16.f32 v19  }
0xee: {  	v29 =	vld.idx.msk [tilespmem:v21+s16+$0x0], $0xffff;
	v9 =	vadd.f32 v12, v9;
	v24 =	vunpack.i.u.bf16.f32 v62;
	v12 =	vunpack.i.l.bf16.f32 v62  }
0xef: {  	v21 =	vld.idx.msk [tilespmem:v21+s18+$0x0], $0xffff;
	v19 =	vunpack.i.l.bf16.f32 v19;
	v12 =	vadd.f32 v12, v24;
	v24 =	vor.u32 v5, v40  }
0xf0: {  	v43 =	vmul.bf16 v63, v60;
	v14 =	vadd.f32 v14, v49;
	v44 =	vld.idx.msk [tilespmem:v38+s16+$0x0], $0xffff;
	v19 =	vadd.f32 v19, v41  }
0xf1: {  	v45 =	vld.idx.msk [tilespmem:v38+s18+$0x0], $0xffff;
	v18 =	vmul.bf16 v20, v39;
	v8 =	vadd.f32 v13, v8;
	v13 =	vunpack.i.l.bf16.f32 v33  }
0xf2: {  	v46 =	vunpack.i.u.bf16.f32 v43;
	v47 =	vmul.bf16 v22, v37;
	v52 =	vld.idx.msk [tilespmem:v42+s16+$0x0], $0xffff;
	v13 =	vadd.f32 v13, v36  }
0xf3: {  	v54 =	vld.idx.msk [tilespmem:v42+s18+$0x0], $0xffff;
	v9 =	vadd.f32 v19, v9;
	v53 =	vunpack.i.u.bf16.f32 v18;
	v18 =	vunpack.i.l.bf16.f32 v18  }
0xf4: {  	v56 =	vmul.bf16 v21, v29;
	v8 =	vadd.f32 v16, v8;
	v51 =	vunpack.i.u.bf16.f32 v47;
	v48 =	vld.idx.msk [tilespmem:v24+s16+$0x0], $0xffff  }
0xf5: {  	v17 =	vunpack.i.l.bf16.f32 v47;
	v55 =	vadd.f32 v18, v53;
	v10 =	vadd.f32 v13, v10;
	v50 =	vld.idx.msk [tilespmem:v24+s18+$0x0], $0xffff  }
0xf6: {  	v16 =	vadd.f32 v17, v51;
	v13 =	vmul.bf16 v45, v44;
	v58 =	vunpack.i.u.bf16.f32 v56  }
0xf7: {  	v8 =	vadd.f32 v55, v8;
	v11 =	vadd.f32 v12, v11;
	v12 =	vunpack.i.l.bf16.f32 v43  }
0xf8: {  	v10 =	vadd.f32 v14, v10;
	v9 =	vadd.f32 v16, v9;
	v59 =	vmul.bf16 v54, v52  }
0xf9: {  	v60 =	vunpack.i.u.bf16.f32 v13;
	v13 =	vunpack.i.l.bf16.f32 v13;
	v12 =	vadd.f32 v12, v46  }
0xfa: {  	p1 =	por p0, p0;
	v13 =	vadd.f32 v13, v60;
	v62 =	vunpack.i.u.bf16.f32 v59;
	v57 =	vmul.bf16 v50, v48  }
.Ltmp2:
0xfb: {  	v16 =	vunpack.i.l.bf16.f32 v59;
	v11 =	vadd.f32 v12, v11;
	v12 =	vunpack.i.l.bf16.f32 v56;
	(pc) =	sbr.rel @p1 .LBB2_8-.Ltmp2, $4  }
0xfc: {  	v63 =	vadd.f32 v16, v62;
	v61 =	vunpack.i.u.bf16.f32 v57;
	v14 =	vunpack.i.l.bf16.f32 v57  }
0xfd: {  	v12 =	vadd.f32 v12, v58;
	v14 =	vadd.f32 v14, v61  }
0xfe: {  	v10 =	vadd.f32 v13, v10;
	v8 =	vadd.f32 v63, v8  }
0xff: {  	p0 =	por $0x0, $0x0;
	s1 =	simm.s32 $0x20;
	v11 =	vadd.f32 v12, v11;
	v9 =	vadd.f32 v14, v9  }
0x100: {  	s28 =	sadd.s32 $0x1, s28  }
0x101: {  	p0 =	sne.s32 s28, $0x5  }
.Ltmp3:
0x102: {  	v5 =	vadd.f32 v10, v11;
	v6 =	vadd.f32 v8, v9;
	(pc) =	sbr.rel @p0 .LBB2_7-.Ltmp3, $3  }
0x103: {  	_ = 	snop  }
0x104: {  	v5 =	vadd.f32 v6, v5;
	_ =	sdelay $0x1  }
0x105: {  	[tilespmem:v4+s29+$0x0 ss:$0x1] =	vst.idx.msk $0xffff, v5  }
0x106: {  	s26 =	sadd.s32 $0x1, s26  }
0x107: {  	p0 =	sne.s32 s26, $0x3E  }
.Ltmp4:
0x108: {  	_ = 	snop;
	(pc) =	sbr.rel @p0 .LBB2_2-.Ltmp4, $1  }
0x109: {  	_ =	sdelay $0x3  }
0x10a: {  	_ =	swait.ge [sflag:s20], $0xA00  }
0x10b: {  	[sflag:s20] =	ssyncset.done $0x0  }
0x10c: {  	[sflag:s20] =	ssyncadd.s32 $0xFFFFF600  }
0x10d: {  	_ =	swait.ge [sflag:s20], $0xA00  }
0x10e: {  	[sflag:s20] =	ssyncset.done $0x0  }
0x10f: {  	[sflag:s20] =	ssyncadd.s32 $0xFFFFF600  }
0x110: {  	_ =	swait.ge [sflag:s21], $0xA00  }
0x111: {  	[sflag:s21] =	ssyncset.done $0x0  }
0x112: {  	[sflag:s21] =	ssyncadd.s32 $0xFFFFF600  }
0x113: {  	_ =	swait.ge [sflag:s21], $0xA00  }
0x114: {  	[sflag:s21] =	ssyncset.done $0x0  }
0x115: {  	s26 =	simm.s32 $0x0;
	[sflag:s21] =	ssyncadd.s32 $0xFFFFF600  }
.LBB2_12:
0x116: {  	s28 =	sshll.u32 s26, $0x4  }
0x117: {  	v4 =	vmov s28  }
0x118: {  	v7 =	vimm.f32 $0.0e+00;
	v4 =	vshll.u32 v4, $0x6  }
0x119: {  	v8 =	vimm.f32 $0.0e+00;
	v9 =	vimm.f32 $0.0e+00;
	v4 =	vor.u32 v1, v4  }
0x11a: {  	p0 =	por $0x1, $0x1;
	v10 =	vimm.f32 $0.0e+00;
	s1 =	simm.s32 $0x0;
	v5 =	vor.u32 v0, v4;
	v6 =	vor.u32 v2, v4  }
.LBB2_13:
0x11b: {  	v11 =	vor.u32 s1, v5;
	s0 =	sor.u32 $0x1, s1  }
0x11c: {  	v12 =	vxor.u32 s0, v0  }
0x11d: {  	s29 =	sor.u32 $0x2, s1;
	v12 =	vor.u32 v4, v12  }
0x11e: {  	v13 =	vxor.u32 s29, v0  }
0x11f: {  	s30 =	sor.u32 $0x3, s1;
	v13 =	vor.u32 v4, v13  }
0x120: {  	v15 =	vxor.u32 s30, v0;
	v14 =	vld.idx.msk [tilespmem:v11+s11+$0x0], $0xffff  }
0x121: {  	s31 =	sor.u32 $0x4, s1;
	v15 =	vor.u32 v4, v15;
	v11 =	vld.idx.msk [tilespmem:v11+s13+$0x0], $0xffff  }
0x122: {  	v17 =	vxor.u32 s31, v0;
	v16 =	vld.idx.msk [tilespmem:v12+s11+$0x0], $0xffff  }
0x123: {  	s29 =	sor.u32 $0x5, s1;
	v17 =	vor.u32 v4, v17;
	v12 =	vld.idx.msk [tilespmem:v12+s13+$0x0], $0xffff  }
0x124: {  	s30 =	sor.u32 $0x6, s1;
	v19 =	vxor.u32 s29, v0;
	v18 =	vld.idx.msk [tilespmem:v13+s11+$0x0], $0xffff  }
0x125: {  	s31 =	sor.u32 $0x7, s1;
	v31 =	vxor.u32 s30, v0;
	s30 =	sor.u32 $0x9, s1;
	v19 =	vor.u32 v4, v19;
	v13 =	vld.idx.msk [tilespmem:v13+s13+$0x0], $0xffff  }
0x126: {  	v32 =	vxor.u32 s31, v0;
	s31 =	sor.u32 $0xA, s1;
	v39 =	vxor.u32 s30, v0;
	v30 =	vld.idx.msk [tilespmem:v15+s11+$0x0], $0xffff  }
0x127: {  	s29 =	sor.u32 $0x8, s1;
	v43 =	vxor.u32 s31, v0;
	s30 =	sor.u32 $0xC, s1;
	v41 =	vor.u32 v4, v39;
	v15 =	vld.idx.msk [tilespmem:v15+s13+$0x0], $0xffff  }
0x128: {  	v37 =	vxor.u32 s29, v3;
	s29 =	sor.u32 $0xB, s1;
	s31 =	sor.u32 $0xD, s1;
	v44 =	vor.u32 v4, v43;
	v23 =	vxor.u32 s30, v0;
	v22 =	vld.idx.msk [tilespmem:v17+s11+$0x0], $0xffff  }
0x129: {  	v46 =	vxor.u32 s29, v0;
	v53 =	vxor.u32 s31, v0;
	s29 =	sor.u32 $0xE, s1;
	v50 =	vor.u32 v4, v23;
	v17 =	vld.idx.msk [tilespmem:v17+s13+$0x0], $0xffff  }
0x12a: {  	s30 =	sor.u32 $0xF, s1;
	s31 =	sor.u32 $0x10, s1;
	v55 =	vor.u32 v4, v53;
	v58 =	vxor.u32 s29, v0;
	s29 =	sor.u32 $0x11, s1;
	v33 =	vld.idx.msk [tilespmem:v19+s11+$0x0], $0xffff;
	v11 =	vmul.bf16 v11, v14  }
0x12b: {  	v60 =	vxor.u32 s30, v0;
	v26 =	vor.u32 s31, v5;
	v28 =	vxor.u32 s29, v0;
	v34 =	vld.idx.msk [tilespmem:v19+s13+$0x0], $0xffff  }
0x12c: {  	v19 =	vor.u32 v37, v6;
	v49 =	vld.idx.msk [tilespmem:v41+s11+$0x0], $0xffff;
	v12 =	vmul.bf16 v12, v16;
	v20 =	vunpack.i.u.bf16.f32 v11  }
0x12d: {  	s30 =	sor.u32 $0x12, s1;
	v51 =	vld.idx.msk [tilespmem:v44+s11+$0x0], $0xffff;
	v16 =	vor.u32 v4, v31;
	v11 =	vunpack.i.l.bf16.f32 v11;
	v13 =	vmul.bf16 v13, v18  }
0x12e: {  	v14 =	vld.idx.msk [tilespmem:v41+s13+$0x0], $0xffff;
	v17 =	vmul.bf16 v17, v22;
	v31 =	vxor.u32 s30, v0;
	s30 =	sor.u32 $0x15, s1;
	v11 =	vadd.f32 v11, v20  }
0x12f: {  	v18 =	vld.idx.msk [tilespmem:v44+s13+$0x0], $0xffff;
	v20 =	vor.u32 v4, v32;
	v44 =	vxor.u32 s30, v0;
	v21 =	vunpack.i.u.bf16.f32 v12  }
0x130: {  	v12 =	vunpack.i.l.bf16.f32 v12;
	v35 =	vunpack.i.u.bf16.f32 v13;
	v13 =	vunpack.i.l.bf16.f32 v13  }
0x131: {  	v57 =	vld.idx.msk [tilespmem:v50+s11+$0x0], $0xffff;
	v42 =	vunpack.i.u.bf16.f32 v17;
	v17 =	vunpack.i.l.bf16.f32 v17;
	v12 =	vadd.f32 v12, v21  }
0x132: {  	v45 =	vld.idx.msk [tilespmem:v19+s11+$0x0], $0xffff;
	v10 =	vadd.f32 v11, v10;
	v11 =	vmul.bf16 v15, v30;
	v13 =	vadd.f32 v13, v35  }
0x133: {  	v19 =	vld.idx.msk [tilespmem:v19+s13+$0x0], $0xffff;
	v17 =	vadd.f32 v17, v42;
	v14 =	vmul.bf16 v14, v49;
	v9 =	vadd.f32 v12, v9  }
0x134: {  	v36 =	vld.idx.msk [tilespmem:v16+s11+$0x0], $0xffff;
	v38 =	vunpack.i.u.bf16.f32 v11;
	v11 =	vunpack.i.l.bf16.f32 v11;
	v8 =	vadd.f32 v13, v8  }
0x135: {  	v16 =	vld.idx.msk [tilespmem:v16+s13+$0x0], $0xffff;
	v12 =	vmul.bf16 v34, v33;
	v10 =	vadd.f32 v17, v10;
	v59 =	vmul.bf16 v18, v51  }
0x136: {  	v62 =	vld.idx.msk [tilespmem:v55+s11+$0x0], $0xffff;
	v61 =	vunpack.i.u.bf16.f32 v14;
	v14 =	vunpack.i.l.bf16.f32 v14;
	v18 =	vor.u32 v4, v28  }
0x137: {  	v17 =	vor.u32 v4, v60;
	v33 =	vor.u32 v4, v31;
	v11 =	vadd.f32 v11, v38;
	v40 =	vld.idx.msk [tilespmem:v20+s11+$0x0], $0xffff  }
0x138: {  	v20 =	vld.idx.msk [tilespmem:v20+s13+$0x0], $0xffff;
	v15 =	vmul.bf16 v19, v45;
	v47 =	vunpack.i.u.bf16.f32 v12;
	v12 =	vunpack.i.l.bf16.f32 v12  }
0x139: {  	v21 =	vld.idx.msk [tilespmem:v55+s13+$0x0], $0xffff;
	v14 =	vadd.f32 v14, v61;
	v63 =	vunpack.i.u.bf16.f32 v59;
	v12 =	vadd.f32 v12, v47  }
0x13a: {  	v35 =	vld.idx.msk [tilespmem:v26+s11+$0x0], $0xffff;
	v7 =	vadd.f32 v11, v7;
	v11 =	vmul.bf16 v16, v36;
	v16 =	vor.u32 v4, v46  }
0x13b: {  	s31 =	sor.u32 $0x13, s1;
	v56 =	vunpack.i.u.bf16.f32 v15;
	v15 =	vunpack.i.l.bf16.f32 v15;
	v9 =	vadd.f32 v12, v9;
	v39 =	vld.idx.msk [tilespmem:v18+s11+$0x0], $0xffff  }
0x13c: {  	v12 =	vadd.f32 v15, v56;
	v15 =	vunpack.i.l.bf16.f32 v59;
	v36 =	vxor.u32 s31, v0;
	v41 =	vld.idx.msk [tilespmem:v18+s13+$0x0], $0xffff  }
0x13d: {  	s31 =	sor.u32 $0x16, s1;
	v13 =	vmul.bf16 v20, v40;
	v20 =	vld.idx.msk [tilespmem:v50+s13+$0x0], $0xffff;
	v48 =	vunpack.i.u.bf16.f32 v11;
	v11 =	vunpack.i.l.bf16.f32 v11  }
0x13e: {  	v24 =	vadd.f32 v15, v63;
	v15 =	vld.idx.msk [tilespmem:v26+s13+$0x0], $0xffff;
	v47 =	vxor.u32 s31, v0;
	v11 =	vadd.f32 v11, v48  }
0x13f: {  	v21 =	vmul.bf16 v21, v62;
	v49 =	vor.u32 v4, v47;
	v52 =	vunpack.i.u.bf16.f32 v13;
	v54 =	vld.idx.msk [tilespmem:v16+s11+$0x0], $0xffff  }
0x140: {  	v13 =	vunpack.i.l.bf16.f32 v13;
	v8 =	vadd.f32 v11, v8;
	v11 =	vld.idx.msk [tilespmem:v16+s13+$0x0], $0xffff;
	v16 =	vor.u32 v4, v58  }
0x141: {  	s29 =	sor.u32 $0x14, s1;
	v34 =	vunpack.i.u.bf16.f32 v21;
	v21 =	vunpack.i.l.bf16.f32 v21;
	v13 =	vadd.f32 v13, v52  }
0x142: {  	v30 =	vld.idx.msk [tilespmem:v17+s11+$0x0], $0xffff;
	v37 =	vor.u32 v4, v36;
	v40 =	vxor.u32 s29, v0;
	v10 =	vadd.f32 v12, v10  }
0x143: {  	v17 =	vld.idx.msk [tilespmem:v17+s13+$0x0], $0xffff;
	v9 =	vadd.f32 v14, v9;
	v14 =	vmul.bf16 v41, v39;
	v7 =	vadd.f32 v13, v7  }
0x144: {  	s29 =	sor.u32 $0x17, s1;
	v13 =	vmul.bf16 v20, v57;
	v15 =	vmul.bf16 v15, v35;
	v8 =	vadd.f32 v24, v8;
	v58 =	vld.idx.msk [tilespmem:v49+s11+$0x0], $0xffff  }
0x145: {  	v24 =	vxor.u32 s29, v0;
	v55 =	vunpack.i.u.bf16.f32 v14;
	v14 =	vunpack.i.l.bf16.f32 v14;
	v25 =	vld.idx.msk [tilespmem:v16+s11+$0x0], $0xffff  }
0x146: {  	s30 =	sor.u32 $0x18, s1;
	v29 =	vunpack.i.u.bf16.f32 v13;
	v13 =	vunpack.i.l.bf16.f32 v13;
	v50 =	vunpack.i.u.bf16.f32 v15;
	v16 =	vld.idx.msk [tilespmem:v16+s13+$0x0], $0xffff  }
0x147: {  	v18 =	vld.idx.msk [tilespmem:v49+s13+$0x0], $0xffff;
	v52 =	vor.u32 v4, v24;
	v11 =	vmul.bf16 v11, v54;
	v54 =	vxor.u32 s30, v3  }
0x148: {  	v43 =	vld.idx.msk [tilespmem:v33+s11+$0x0], $0xffff;
	s29 =	sor.u32 $0x1A, s1;
	v15 =	vunpack.i.l.bf16.f32 v15;
	v14 =	vadd.f32 v14, v55;
	v19 =	vor.u32 v54, v6  }
0x149: {  	v46 =	vld.idx.msk [tilespmem:v37+s11+$0x0], $0xffff;
	v61 =	vxor.u32 s29, v0;
	s29 =	sor.u32 $0x1D, s1;
	v32 =	vadd.f32 v13, v29;
	v15 =	vadd.f32 v15, v50  }
0x14a: {  	v48 =	vld.idx.msk [tilespmem:v37+s13+$0x0], $0xffff;
	v26 =	vxor.u32 s29, v0;
	v27 =	vunpack.i.u.bf16.f32 v11;
	v11 =	vunpack.i.l.bf16.f32 v11  }
0x14b: {  	v13 =	vld.idx.msk [tilespmem:v33+s13+$0x0], $0xffff;
	s30 =	sor.u32 $0x1B, s1;
	v11 =	vadd.f32 v11, v27;
	v38 =	vmul.bf16 v16, v25;
	v16 =	vor.u32 v4, v40  }
0x14c: {  	v10 =	vadd.f32 v32, v10;
	v32 =	vxor.u32 s30, v0;
	v18 =	vmul.bf16 v18, v58;
	v60 =	vld.idx.msk [tilespmem:v52+s11+$0x0], $0xffff  }
0x14d: {  	s31 =	sor.u32 $0x19, s1;
	v7 =	vadd.f32 v11, v7;
	v11 =	vadd.f32 v21, v34;
	v21 =	vor.u32 v4, v44;
	v63 =	vld.idx.msk [tilespmem:v19+s11+$0x0], $0xffff  }
0x14e: {  	v10 =	vadd.f32 v15, v10;
	v25 =	vxor.u32 s31, v0;
	v34 =	vor.u32 v4, v32;
	v33 =	vld.idx.msk [tilespmem:v19+s13+$0x0], $0xffff  }
0x14f: {  	s31 =	sor.u32 $0x1C, s1;
	v40 =	vor.u32 v4, v26;
	v9 =	vadd.f32 v11, v9;
	v11 =	vmul.bf16 v17, v30;
	v17 =	vld.idx.msk [tilespmem:v52+s13+$0x0], $0xffff  }
0x150: {  	v59 =	vor.u32 v4, v25;
	v37 =	vxor.u32 s31, v0;
	s31 =	sor.u32 $0x1F, s1;
	v42 =	vunpack.i.u.bf16.f32 v38;
	v51 =	vld.idx.msk [tilespmem:v16+s11+$0x0], $0xffff  }
0x151: {  	v12 =	vunpack.i.l.bf16.f32 v38;
	v20 =	vor.u32 v4, v37;
	v29 =	vxor.u32 s31, v0;
	v16 =	vld.idx.msk [tilespmem:v16+s13+$0x0], $0xffff  }
0x152: {  	s30 =	sor.u32 $0x1E, s1;
	v12 =	vadd.f32 v12, v42;
	v45 =	vunpack.i.u.bf16.f32 v11;
	v11 =	vunpack.i.l.bf16.f32 v11;
	v53 =	vld.idx.msk [tilespmem:v21+s11+$0x0], $0xffff  }
0x153: {  	v42 =	vxor.u32 s30, v0;
	v44 =	vor.u32 v4, v29;
	v11 =	vadd.f32 v11, v45;
	v56 =	vld.idx.msk [tilespmem:v21+s13+$0x0], $0xffff  }
0x154: {  	v9 =	vadd.f32 v14, v9;
	v8 =	vadd.f32 v12, v8;
	v12 =	vmul.bf16 v48, v46;
	v41 =	vld.idx.msk [tilespmem:v34+s11+$0x0], $0xffff  }
0x155: {  	v21 =	vor.u32 v4, v61;
	v19 =	vld.idx.msk [tilespmem:v34+s13+$0x0], $0xffff;
	v7 =	vadd.f32 v11, v7;
	v11 =	vmul.bf16 v13, v43  }
0x156: {  	v36 =	vld.idx.msk [tilespmem:v59+s11+$0x0], $0xffff;
	v62 =	vunpack.i.u.bf16.f32 v12;
	v12 =	vunpack.i.l.bf16.f32 v12;
	v15 =	vmul.bf16 v17, v60  }
0x157: {  	v22 =	vld.idx.msk [tilespmem:v59+s13+$0x0], $0xffff;
	v43 =	vunpack.i.u.bf16.f32 v18;
	v57 =	vunpack.i.u.bf16.f32 v11;
	v11 =	vunpack.i.l.bf16.f32 v11  }
0x158: {  	v18 =	vunpack.i.l.bf16.f32 v18;
	v12 =	vadd.f32 v12, v62;
	v11 =	vadd.f32 v11, v57  }
0x159: {  	v45 =	vld.idx.msk [tilespmem:v40+s11+$0x0], $0xffff;
	v18 =	vadd.f32 v18, v43;
	v27 =	vunpack.i.u.bf16.f32 v15;
	v15 =	vunpack.i.l.bf16.f32 v15  }
0x15a: {  	v46 =	vld.idx.msk [tilespmem:v40+s13+$0x0], $0xffff;
	v7 =	vadd.f32 v12, v7;
	v8 =	vadd.f32 v11, v8;
	v11 =	vmul.bf16 v16, v51  }
0x15b: {  	v55 =	vld.idx.msk [tilespmem:v44+s13+$0x0], $0xffff;
	v35 =	vmul.bf16 v56, v53;
	v15 =	vadd.f32 v15, v27;
	v17 =	vmul.bf16 v19, v41  }
0x15c: {  	v39 =	vld.idx.msk [tilespmem:v21+s11+$0x0], $0xffff;
	v13 =	vmul.bf16 v22, v36;
	v23 =	vunpack.i.u.bf16.f32 v11;
	v11 =	vunpack.i.l.bf16.f32 v11  }
0x15d: {  	v21 =	vld.idx.msk [tilespmem:v21+s13+$0x0], $0xffff;
	v38 =	vunpack.i.u.bf16.f32 v35;
	v11 =	vadd.f32 v11, v23;
	v23 =	vor.u32 v4, v42  }
0x15e: {  	v53 =	vld.idx.msk [tilespmem:v44+s11+$0x0], $0xffff;
	v12 =	vunpack.i.l.bf16.f32 v35;
	v7 =	vadd.f32 v15, v7;
	v54 =	vunpack.i.u.bf16.f32 v17  }
0x15f: {  	v17 =	vunpack.i.l.bf16.f32 v17;
	v12 =	vadd.f32 v12, v38;
	v50 =	vunpack.i.u.bf16.f32 v13  }
0x160: {  	v28 =	vld.idx.msk [tilespmem:v20+s11+$0x0], $0xffff;
	v13 =	vunpack.i.l.bf16.f32 v13;
	v56 =	vadd.f32 v17, v54;
	v8 =	vadd.f32 v18, v8  }
0x161: {  	v20 =	vld.idx.msk [tilespmem:v20+s13+$0x0], $0xffff;
	v13 =	vadd.f32 v13, v50;
	v9 =	vadd.f32 v12, v9  }
0x162: {  	v48 =	vmul.bf16 v21, v39;
	v10 =	vadd.f32 v11, v10;
	v11 =	vmul.bf16 v33, v63;
	v49 =	vld.idx.msk [tilespmem:v23+s11+$0x0], $0xffff  }
0x163: {  	v7 =	vadd.f32 v56, v7;
	v12 =	vmul.bf16 v46, v45;
	v59 =	vmul.bf16 v55, v53;
	v51 =	vld.idx.msk [tilespmem:v23+s13+$0x0], $0xffff  }
0x164: {  	v52 =	vunpack.i.u.bf16.f32 v48;
	v47 =	vunpack.i.u.bf16.f32 v11;
	v11 =	vunpack.i.l.bf16.f32 v11  }
0x165: {  	v16 =	vunpack.i.l.bf16.f32 v48;
	v9 =	vadd.f32 v13, v9;
	v11 =	vadd.f32 v11, v47  }
0x166: {  	v60 =	vunpack.i.u.bf16.f32 v12;
	v12 =	vunpack.i.l.bf16.f32 v12;
	v15 =	vadd.f32 v16, v52  }
0x167: {  	v62 =	vunpack.i.u.bf16.f32 v59;
	v10 =	vadd.f32 v11, v10;
	v11 =	vmul.bf16 v20, v28  }
0x168: {  	p1 =	por p0, p0;
	v8 =	vadd.f32 v15, v8;
	v15 =	vunpack.i.l.bf16.f32 v59;
	v57 =	vmul.bf16 v51, v49  }
.Ltmp5:
0x169: {  	v12 =	vadd.f32 v12, v60;
	v63 =	vadd.f32 v15, v62;
	v58 =	vunpack.i.u.bf16.f32 v11;
	(pc) =	sbr.rel @p1 .LBB2_13-.Ltmp5, $4  }
0x16a: {  	v11 =	vunpack.i.l.bf16.f32 v11;
	v61 =	vunpack.i.u.bf16.f32 v57;
	v13 =	vunpack.i.l.bf16.f32 v57  }
0x16b: {  	v11 =	vadd.f32 v11, v58;
	v13 =	vadd.f32 v13, v61  }
0x16c: {  	v9 =	vadd.f32 v12, v9;
	v7 =	vadd.f32 v63, v7  }
0x16d: {  	p0 =	por $0x0, $0x0;
	s1 =	simm.s32 $0x20;
	v10 =	vadd.f32 v11, v10;
	v8 =	vadd.f32 v13, v8  }
0x16e: {  	s26 =	sadd.s32 $0x1, s26  }
0x16f: {  	p0 =	sne.s32 s26, $0x5  }
.Ltmp6:
0x170: {  	v4 =	vadd.f32 v9, v10;
	v5 =	vadd.f32 v7, v8;
	(pc) =	sbr.rel @p0 .LBB2_12-.Ltmp6, $3  }
0x171: {  	_ = 	snop  }
0x172: {  	v4 =	vadd.f32 v5, v4;
	_ =	sdelay $0x1  }
0x173: {  	[tilespmem:s28+$0xC4E0] =	vst v4  }
0x174: {  	s25 =	sadd.s32 $0x1, s25  }
0x175: {  	p0 =	sne.s32 s25, s7  }
.Ltmp7:
0x176: {  	_ = 	snop;
	(pc) =	sbr.rel @p0 .LBB2_1-.Ltmp7, $4  }
0x177: {  	[hbm4b:s6+s2] =	stream.linear.scatter [tilespmem:s24], [sflag:$0x5], $0x2710, $0x38;
	[tilespmem:$0xC530] =	vst v63  }
0x178: {  	_ =	swait.ge [sflag:s8], $0x2710  }
0x179: {  	[sflag:s8] =	ssyncset.done $0x0  }
0x17a: {  	[sflag:s8] =	ssyncadd.s32 $0xFFFFD8F0  }
0x17b: {  	_ =	sfence.sel $0x180000  }
0x17c: {  	[bflag:$0x0] =	sbarrier.arrive $0xFFFF  }
0x17d: {  	_ =	strace $0x90000047  }
0x17e: {  	s0 =	stileid.u32;
	[bflag:$0x2] =	sbarrier.arrive $0xFFFF  }
0x17f: {  	p0 =	sne.s32 s0, $0x0;
	s0 =	rddreg [dreg:$0x2]  }
0x180: {  	s0 =	sadd.s32 @!p0 $0x100000, s0  }
0x181: {  	[sflag:s0] =	ssyncadd.tile.s32 @!p0 $0x1;
	_ =	shalt  }
.Lfunc_end2:
_tile_overlayer_lowered:
.L_overlay_start_2:
0x182: {  	(tag) =	ssettag $0x2  }
0x183: {  	s0 =	rddreg [dreg:$0x0];
	s2 =	stileid.u32  }
0x184: {  	s1 =	rddreg [dreg:$0x1];
	p0 =	sne.s32 s2, $0x0  }
0x185: {  	s3 =	rddreg [dreg:$0x2];
	[bflag:$0x3] =	sbarrier.arrive $0xFFFF;
	s2 =	simm.s32 @!p0 $0x1C05  }
0x186: {  	[timem:s3], [sflag:s2] =	dma.local @!p0 [hbm:s0], s1  }
0x187: {  	s0 =	simm.s32 @!p0 $0x5  }
0x188: {  	_ =	swait.ge @!p0 [sflag:s0], s1  }
0x189: {  	s1 =	ssub.s32 @!p0 $0x0, s1;
	[sflag:s0] =	ssyncset.done @!p0 $0x0  }
0x18a: {  	[sflag:s0] =	ssyncadd.s32 @!p0 s1  }
0x18b: {  	[bflag:$0x3] =	sbarrier.arrive $0xFFFF  }
0x18c: {  	_ =	shalt  }

</sc_bundles>
